<compile_context>
chip_gen: v7x
topology: tpu7x:2x2x1
jax: 0.10.2.dev20260603
libtpu: 0.0.44.dev20260713+nightly
codegen_flags: <defaults>
</compile_context>

<pallas_src>
import functools

import jax
import jax.numpy as jnp
from jax import lax
from jax.experimental import pallas as pl
from jax.experimental.pallas import tpu as pltpu
from jax.experimental.pallas import tpu_sc as plsc

NC = 2
NS = 16
NW = NC * NS

N_NODES = 10000
D = 128
CHUNK = 128
ROWS_PER_SUB = 640
NPAD = NS * ROWS_PER_SUB
ZROWS = 32
ZCOPIES = ROWS_PER_SUB // ZROWS
IW = 8

def _mesh():
    return plsc.VectorSubcoreMesh(core_axis_name="c", subcore_axis_name="s")


def _deg_body(dst_hbm, out_hbm, dstv, onesv, zbuf, acc, sem, sem2):
    cid = lax.axis_index("c")
    sid = lax.axis_index("s")
    wid = sid * NC + cid
    nch = dst_hbm.shape[1]
    pltpu.sync_copy(dst_hbm.at[wid], dstv)

    def fill(r, _):
        onesv[r, :] = jnp.full((16,), 1.0, jnp.float32)
        return 0
    lax.fori_loop(0, CHUNK, fill, 0)

    def zfill(r, _):
        zbuf[r, :] = jnp.zeros((16,), jnp.float32)
        return 0
    lax.fori_loop(0, ZROWS, zfill, 0)

    def zcopy(k, _):
        pltpu.sync_copy(zbuf, acc.at[pl.ds(sid * ROWS_PER_SUB + k * ZROWS, ZROWS)])
        return 0
    lax.fori_loop(0, ZCOPIES, zcopy, 0)
    plsc.subcore_barrier()

    def step(w, _):
        s = [None] * IW
        for c in range(IW):
            if c >= 2:
                s[c - 2].wait()
            s[c] = pltpu.async_copy(onesv, acc.at[dstv.at[w * IW + c]],
                                    sem if c % 2 == 0 else sem2, add=True)
        s[IW - 2].wait()
        s[IW - 1].wait()
        return 0
    lax.fori_loop(0, nch // IW, step, 0)
    plsc.subcore_barrier()

    pltpu.sync_copy(acc.at[pl.ds(sid * ROWS_PER_SUB, ROWS_PER_SUB)],
                    out_hbm.at[cid, pl.ds(sid * ROWS_PER_SUB, ROWS_PER_SUB)])


def _segsum_body(h_hbm, src_hbm, dst_hbm, out_hbm, srcw, dstv, buf0, buf1,
                 acc, semg0, semg1, sems0, sems1):
    cid = lax.axis_index("c")
    sid = lax.axis_index("s")
    wid = sid * NC + cid
    nwin = src_hbm.shape[1] // IW

    pltpu.sync_copy(dst_hbm.at[wid], dstv)

    def zfill(r, _):
        for c in range(D // 16):
            buf0[r, pl.ds(c * 16, 16)] = jnp.zeros((16,), jnp.float32)
        return 0
    lax.fori_loop(0, CHUNK, zfill, 0)

    def zcopy(k, _):
        pltpu.sync_copy(buf0, acc.at[pl.ds(sid * ROWS_PER_SUB + k * CHUNK, CHUNK)])
        return 0
    lax.fori_loop(0, ROWS_PER_SUB // CHUNK, zcopy, 0)
    plsc.subcore_barrier()

    bufs = (buf0, buf1)
    semg = (semg0, semg1)
    sems = (sems0, sems1)

    def win(w, _):
        pltpu.sync_copy(src_hbm.at[wid, pl.ds(w * IW, IW)], srcw)
        g = [None] * IW
        s = [None] * IW
        g[0] = pltpu.async_copy(h_hbm.at[srcw.at[0]], buf0, semg0)
        g[1] = pltpu.async_copy(h_hbm.at[srcw.at[1]], buf1, semg1)
        for c in range(IW):
            b = c % 2
            g[c].wait()
            s[c] = pltpu.async_copy(bufs[b], acc.at[dstv.at[w * IW + c]],
                                    sems[b], add=True)
            if c + 2 < IW:
                s[c].wait()
                g[c + 2] = pltpu.async_copy(h_hbm.at[srcw.at[c + 2]],
                                            bufs[b], semg[b])
        s[IW - 2].wait()
        s[IW - 1].wait()
        return 0

    lax.fori_loop(0, nwin, win, 0)
    plsc.subcore_barrier()

    pltpu.sync_copy(acc.at[pl.ds(sid * ROWS_PER_SUB, ROWS_PER_SUB)],
                    out_hbm.at[cid, pl.ds(sid * ROWS_PER_SUB, ROWS_PER_SUB)])


@functools.lru_cache(maxsize=None)
def _make_deg_kernel(n_chunks):
    return pl.kernel(
        _deg_body,
        mesh=_mesh(),
        out_type=jax.ShapeDtypeStruct((NC, NPAD, 16), jnp.float32),
        scratch_types=[
            pltpu.VMEM((n_chunks, CHUNK), jnp.int32),
            pltpu.VMEM((CHUNK, 16), jnp.float32),
            pltpu.VMEM((ZROWS, 16), jnp.float32),
            pltpu.VMEM_SHARED((NPAD, 16), jnp.float32),
            pltpu.SemaphoreType.DMA,
            pltpu.SemaphoreType.DMA,
        ],
    )


@functools.lru_cache(maxsize=None)
def _make_segsum_kernel(n_chunks):
    return pl.kernel(
        _segsum_body,
        mesh=_mesh(),
        out_type=jax.ShapeDtypeStruct((NC, NPAD, D), jnp.float32),
        scratch_types=[
            pltpu.VMEM((IW, CHUNK), jnp.int32),
            pltpu.VMEM((n_chunks, CHUNK), jnp.int32),
            pltpu.VMEM((CHUNK, D), jnp.float32),
            pltpu.VMEM((CHUNK, D), jnp.float32),
            pltpu.VMEM_SHARED((NPAD, D), jnp.float32),
            pltpu.SemaphoreType.DMA,
            pltpu.SemaphoreType.DMA,
            pltpu.SemaphoreType.DMA,
            pltpu.SemaphoreType.DMA,
        ],
    )



ROWS_BLK = 1000
GRID = N_NODES // ROWS_BLK


def _dinv_from(degp_ref):
    deg = degp_ref[0, :, 0:1] + degp_ref[1, :, 0:1] + 1.0
    return lax.rsqrt(deg)


def _tc1_body(x_ref, w_ref, degp_ref, out_ref):
    dinv = _dinv_from(degp_ref)
    out_ref[...] = jnp.dot(x_ref[...], w_ref[...],
                           preferred_element_type=jnp.float32) * dinv


def _tc2_body(p_ref, hp_ref, degp_ref, b_ref, w_ref, out_ref):
    dinv = _dinv_from(degp_ref)
    z = dinv * (p_ref[0] + p_ref[1] + hp_ref[...]) + b_ref[...]
    z = jnp.maximum(z, 0.0)
    out_ref[...] = jnp.dot(z, w_ref[...],
                           preferred_element_type=jnp.float32) * dinv


def _tc3_body(q_ref, hp_ref, degp_ref, b_ref, out_ref):
    dinv = _dinv_from(degp_ref)
    z = dinv * (q_ref[0] + q_ref[1] + hp_ref[...]) + b_ref[...]
    m = jnp.max(z, axis=-1, keepdims=True)
    e = jnp.exp(z - m)
    s = jnp.sum(e, axis=-1, keepdims=True)
    out_ref[...] = (z - m) - jnp.log(s)


_row_spec = pl.BlockSpec((ROWS_BLK, D), lambda i: (i, 0))
_deg_spec = pl.BlockSpec((NC, ROWS_BLK, 16), lambda i: (0, i, 0))
_par_spec = pl.BlockSpec((NC, ROWS_BLK, D), lambda i: (0, i, 0))
_w_spec = pl.BlockSpec((D, D), lambda i: (0, 0))
_b_spec = pl.BlockSpec((1, D), lambda i: (0, 0))

_tc1 = pl.pallas_call(
    _tc1_body,
    grid=(GRID,),
    in_specs=[_row_spec, _w_spec, _deg_spec],
    out_specs=_row_spec,
    out_shape=jax.ShapeDtypeStruct((N_NODES, D), jnp.float32),
)

_tc2 = pl.pallas_call(
    _tc2_body,
    grid=(GRID,),
    in_specs=[_par_spec, _row_spec, _deg_spec, _b_spec, _w_spec],
    out_specs=_row_spec,
    out_shape=jax.ShapeDtypeStruct((N_NODES, D), jnp.float32),
)

_tc3 = pl.pallas_call(
    _tc3_body,
    grid=(GRID,),
    in_specs=[_par_spec, _row_spec, _deg_spec, _b_spec],
    out_specs=_row_spec,
    out_shape=jax.ShapeDtypeStruct((N_NODES, D), jnp.float32),
)


def kernel(X, edges, W1, b1, W2, b2):
    n = X.shape[0]
    e = edges.shape[1]
    src = edges[0].astype(jnp.int32)
    dst = edges[1].astype(jnp.int32)

    n_chunks = -(-e // (NW * CHUNK))
    n_chunks = -(-n_chunks // 8) * 8
    ep = NW * n_chunks * CHUNK
    padn = ep - e
    pad_i = jnp.arange(padn, dtype=jnp.int32)
    pad_src = (pad_i * 37) % n
    pad_dst = n + pad_i % (NPAD - n)
    src_t = jnp.concatenate([src, pad_src]).reshape(NW, n_chunks, CHUNK)
    dst_t = jnp.concatenate([dst, pad_dst]).reshape(NW, n_chunks, CHUNK)

    deg_kernel = _make_deg_kernel(n_chunks)
    segsum_kernel = _make_segsum_kernel(n_chunks)
    degp = deg_kernel(dst_t)
    hp1 = _tc1(X, W1, degp)
    p = segsum_kernel(hp1, src_t, dst_t)
    hp2 = _tc2(p, hp1, degp, b1.reshape(1, D), W2)
    q = segsum_kernel(hp2, src_t, dst_t)
    return _tc3(q, hp2, degp, b2.reshape(1, D))

# --- scband reference (transcript-rebuilt; emitter-appended) ---
"""Pipeline reference for scband-gcn-35802847380018 (READ-ONLY COPY).

The authoritative reference and input builder live on the scoring server;
editing this copy changes nothing except your own understanding.
"""

import jax, jax.numpy as jnp
import numpy as np

N_NODES = 10000
D_IN = 128
D_HID = 128
D_OUT = 128
N_EDGES = 320000


def setup_inputs(seed: int = 0) -> dict:
    key = jax.random.key(seed)
    k1, k2, k3, k4, k5, k6 = jax.random.split(key, 6)
    X = jax.random.normal(k1, (N_NODES, D_IN), dtype=jnp.float32)
    edges = jax.random.randint(k2, (2, N_EDGES), 0, N_NODES, dtype=jnp.int64)
    s1 = 1.0 / np.sqrt(D_IN)
    s2 = 1.0 / np.sqrt(D_HID)
    W1 = jax.random.uniform(k3, (D_IN, D_HID), dtype=jnp.float32, minval=-s1, maxval=s1)
    b1 = jax.random.uniform(k4, (D_HID,), dtype=jnp.float32, minval=-s1, maxval=s1)
    W2 = jax.random.uniform(k5, (D_HID, D_OUT), dtype=jnp.float32, minval=-s2, maxval=s2)
    b2 = jax.random.uniform(k6, (D_OUT,), dtype=jnp.float32, minval=-s2, maxval=s2)
    return {"X": X, "edges": edges, "W1": W1, "b1": b1, "W2": W2, "b2": b2}


def _gcn_conv(x, src, dst, norm, W, b, n_nodes):
    h = x @ W
    msg = h[src] * norm[:, None]
    out = jnp.zeros((n_nodes, W.shape[1]), dtype=h.dtype).at[dst].add(msg)
    return out + b


def reference(X, edges, W1, b1, W2, b2):
    n_nodes = X.shape[0]
    loop = jnp.arange(n_nodes, dtype=edges.dtype)
    src = jnp.concatenate([edges[0], loop])
    dst = jnp.concatenate([edges[1], loop])
    deg = jnp.zeros((n_nodes,), dtype=jnp.float32).at[dst].add(1.0)
    dinv = jnp.where(deg > 0, jax.lax.rsqrt(deg), 0.0)
    norm = dinv[src] * dinv[dst]
    h = _gcn_conv(X, src, dst, norm, W1, b1, n_nodes)
    h = jax.nn.relu(h)
    # dropout is identity in eval mode (training=False)
    h = _gcn_conv(h, src, dst, norm, W2, b2, n_nodes)
    return jax.nn.log_softmax(h, axis=-1)

if __name__ == "__main__":
    import jax
    _d = setup_inputs()
    print(jax.jit(kernel)(*tuple(_d.values())))

</pallas_src>

<mosaic_0001>
#map = affine_map<(d0, d1) -> (0, 0)>
#map1 = affine_map<(d0, d1) -> (0, 0, 0)>
module attributes {stable_mosaic.version = 14 : i64} {
  func.func @_segsum_body(%arg0: i32, %arg1: i32, %arg2: memref<10000x128xf32, #tpu.memory_space<hbm>>, %arg3: memref<32x80x128xi32, #tpu.memory_space<hbm>>, %arg4: memref<32x80x128xi32, #tpu.memory_space<hbm>>, %arg5: memref<2x10240x128xf32, #tpu.memory_space<hbm>>, %arg6: memref<8x128xi32, #tpu.memory_space<vmem>>, %arg7: memref<80x128xi32, #tpu.memory_space<vmem>>, %arg8: memref<128x128xf32, #tpu.memory_space<vmem>>, %arg9: memref<128x128xf32, #tpu.memory_space<vmem>>, %arg10: memref<10240x128xf32, #tpu.memory_space<vmem_shared>>, %arg11: memref<!tpu.dma_semaphore, #tpu.memory_space<semaphore_mem>>, %arg12: memref<!tpu.dma_semaphore, #tpu.memory_space<semaphore_mem>>, %arg13: memref<!tpu.dma_semaphore, #tpu.memory_space<semaphore_mem>>, %arg14: memref<!tpu.dma_semaphore, #tpu.memory_space<semaphore_mem>>) attributes {dimension_semantics = [#tpu.dimension_semantics<core_parallel>, #tpu.dimension_semantics<subcore_parallel>], iteration_bounds = array<i64: 2, 16>, scalar_prefetch = 0 : i64, scratch_operands = 9 : i64, tpu.core_type = #tpu.core_type<sc_vector_subcore>, window_params = [{transform_indices = #map}, {transform_indices = #map1}, {transform_indices = #map1}, {transform_indices = #map1}]} {
    %mul3A = arith.constant 2 : i32
    %mul3A_0 = arith.muli %arg1, %mul3A : i32
    %add3A = arith.addi %mul3A_0, %arg0 : i32
    "tpu.region"() ({
      %run_scoped3A = tpu.sem_alloc : memref<!tpu.dma_semaphore, #tpu.memory_space<semaphore_mem>>
      %dma_start3A = arith.constant 0 : i32
      %dma_start3A_26 = arith.constant 0 : i32
      %dma_start3A_27 = tpu.memref_slice %arg4[%add3A, %dma_start3A, %dma_start3A_26] : memref<32x80x128xi32, #tpu.memory_space<hbm>> -> memref<1x80x128xi32, #tpu.memory_space<hbm>>
      %dma_start3A_28 = tpu.memref_squeeze %dma_start3A_27 : memref<1x80x128xi32, #tpu.memory_space<hbm>> -> memref<80x128xi32, #tpu.memory_space<hbm>>
      %dma_start3A_29 = arith.constant 0 : i32
      %dma_start3A_30 = arith.constant 0 : i32
      %dma_start3A_31 = tpu.memref_slice %arg4[%add3A, %dma_start3A_29, %dma_start3A_30] : memref<32x80x128xi32, #tpu.memory_space<hbm>> -> memref<1x80x128xi32, #tpu.memory_space<hbm>>
      %dma_start3A_32 = tpu.memref_squeeze %dma_start3A_31 : memref<1x80x128xi32, #tpu.memory_space<hbm>> -> memref<80x128xi32, #tpu.memory_space<hbm>>
      tpu.enqueue_dma source(%dma_start3A_32 : memref<80x128xi32, #tpu.memory_space<hbm>>) target(%arg7 : memref<80x128xi32, #tpu.memory_space<vmem>>) target_semaphore(%run_scoped3A : memref<!tpu.dma_semaphore, #tpu.memory_space<semaphore_mem>>)
      %dma_wait3A = arith.constant 0 : i32
      %dma_wait3A_33 = arith.constant 0 : i32
      %dma_wait3A_34 = tpu.memref_slice %arg4[%add3A, %dma_wait3A, %dma_wait3A_33] : memref<32x80x128xi32, #tpu.memory_space<hbm>> -> memref<1x80x128xi32, #tpu.memory_space<hbm>>
      %dma_wait3A_35 = tpu.memref_squeeze %dma_wait3A_34 : memref<1x80x128xi32, #tpu.memory_space<hbm>> -> memref<80x128xi32, #tpu.memory_space<hbm>>
      %dma_wait3A_36 = arith.constant 0 : i32
      %dma_wait3A_37 = arith.constant 0 : i32
      %dma_wait3A_38 = tpu.memref_slice %arg4[%add3A, %dma_wait3A_36, %dma_wait3A_37] : memref<32x80x128xi32, #tpu.memory_space<hbm>> -> memref<1x80x128xi32, #tpu.memory_space<hbm>>
      %dma_wait3A_39 = tpu.memref_squeeze %dma_wait3A_38 : memref<1x80x128xi32, #tpu.memory_space<hbm>> -> memref<80x128xi32, #tpu.memory_space<hbm>>
      tpu.wait_dma2 semaphore(%run_scoped3A : memref<!tpu.dma_semaphore, #tpu.memory_space<semaphore_mem>>) src(%dma_wait3A_39 : memref<80x128xi32, #tpu.memory_space<hbm>>) dst(%arg7 : memref<80x128xi32, #tpu.memory_space<vmem>>)
      tpu.yield
    }) : () -> ()
    %scan3A = arith.constant 0 : i32
    %scan3A_1 = arith.constant 0 : i32
    %scan3A_2 = arith.constant 128 : i32
    %scan3A_3 = arith.addi %scan3A_1, %scan3A_2 : i32
    %scan3A_4 = arith.constant 1 : i32
    %scan3A_5 = scf.for %scan3A_26 = %scan3A_1 to %scan3A_3 step %scan3A_4 iter_args(%scan3A_27 = %scan3A) -> (i32)  : i32 {
      %broadcast_in_dim3A = arith.constant 0.000000e+00 : f32
      %broadcast_in_dim3A_28 = vector.broadcast %broadcast_in_dim3A : f32 to vector<16xf32>
      %swap3A = arith.index_cast %scan3A_26 : i32 to index
      %swap3A_29 = arith.constant 0 : index
      %swap3A_30 = tpu.vector_load %arg8[%swap3A, %swap3A_29] {strides = array<i32>} : memref<128x128xf32, #tpu.memory_space<vmem>>, vector<1x16xf32>,
      %swap3A_31 = vector.shape_cast %swap3A_30 : vector<1x16xf32> to vector<16xf32>
      %swap3A_32 = vector.shape_cast %broadcast_in_dim3A_28 : vector<16xf32> to vector<1x16xf32>
      tpu.vector_store %arg8[%swap3A, %swap3A_29], %swap3A_32 {strides = array<i32>} : memref<128x128xf32, #tpu.memory_space<vmem>>, vector<1x16xf32>,
      %broadcast_in_dim3A_33 = arith.constant 0.000000e+00 : f32
      %broadcast_in_dim3A_34 = vector.broadcast %broadcast_in_dim3A_33 : f32 to vector<16xf32>
      %swap3A_35 = arith.index_cast %scan3A_26 : i32 to index
      %swap3A_36 = arith.constant 16 : index
      %swap3A_37 = tpu.vector_load %arg8[%swap3A_35, %swap3A_36] {strides = array<i32>} : memref<128x128xf32, #tpu.memory_space<vmem>>, vector<1x16xf32>,
      %swap3A_38 = vector.shape_cast %swap3A_37 : vector<1x16xf32> to vector<16xf32>
      %swap3A_39 = vector.shape_cast %broadcast_in_dim3A_34 : vector<16xf32> to vector<1x16xf32>
      tpu.vector_store %arg8[%swap3A_35, %swap3A_36], %swap3A_39 {strides = array<i32>} : memref<128x128xf32, #tpu.memory_space<vmem>>, vector<1x16xf32>,
      %broadcast_in_dim3A_40 = arith.constant 0.000000e+00 : f32
      %broadcast_in_dim3A_41 = vector.broadcast %broadcast_in_dim3A_40 : f32 to vector<16xf32>
      %swap3A_42 = arith.index_cast %scan3A_26 : i32 to index
      %swap3A_43 = arith.constant 32 : index
      %swap3A_44 = tpu.vector_load %arg8[%swap3A_42, %swap3A_43] {strides = array<i32>} : memref<128x128xf32, #tpu.memory_space<vmem>>, vector<1x16xf32>,
      %swap3A_45 = vector.shape_cast %swap3A_44 : vector<1x16xf32> to vector<16xf32>
      %swap3A_46 = vector.shape_cast %broadcast_in_dim3A_41 : vector<16xf32> to vector<1x16xf32>
      tpu.vector_store %arg8[%swap3A_42, %swap3A_43], %swap3A_46 {strides = array<i32>} : memref<128x128xf32, #tpu.memory_space<vmem>>, vector<1x16xf32>,
      %broadcast_in_dim3A_47 = arith.constant 0.000000e+00 : f32
      %broadcast_in_dim3A_48 = vector.broadcast %broadcast_in_dim3A_47 : f32 to vector<16xf32>
      %swap3A_49 = arith.index_cast %scan3A_26 : i32 to index
      %swap3A_50 = arith.constant 48 : index
      %swap3A_51 = tpu.vector_load %arg8[%swap3A_49, %swap3A_50] {strides = array<i32>} : memref<128x128xf32, #tpu.memory_space<vmem>>, vector<1x16xf32>,
      %swap3A_52 = vector.shape_cast %swap3A_51 : vector<1x16xf32> to vector<16xf32>
      %swap3A_53 = vector.shape_cast %broadcast_in_dim3A_48 : vector<16xf32> to vector<1x16xf32>
      tpu.vector_store %arg8[%swap3A_49, %swap3A_50], %swap3A_53 {strides = array<i32>} : memref<128x128xf32, #tpu.memory_space<vmem>>, vector<1x16xf32>,
      %broadcast_in_dim3A_54 = arith.constant 0.000000e+00 : f32
      %broadcast_in_dim3A_55 = vector.broadcast %broadcast_in_dim3A_54 : f32 to vector<16xf32>
      %swap3A_56 = arith.index_cast %scan3A_26 : i32 to index
      %swap3A_57 = arith.constant 64 : index
      %swap3A_58 = tpu.vector_load %arg8[%swap3A_56, %swap3A_57] {strides = array<i32>} : memref<128x128xf32, #tpu.memory_space<vmem>>, vector<1x16xf32>,
      %swap3A_59 = vector.shape_cast %swap3A_58 : vector<1x16xf32> to vector<16xf32>
      %swap3A_60 = vector.shape_cast %broadcast_in_dim3A_55 : vector<16xf32> to vector<1x16xf32>
      tpu.vector_store %arg8[%swap3A_56, %swap3A_57], %swap3A_60 {strides = array<i32>} : memref<128x128xf32, #tpu.memory_space<vmem>>, vector<1x16xf32>,
      %broadcast_in_dim3A_61 = arith.constant 0.000000e+00 : f32
      %broadcast_in_dim3A_62 = vector.broadcast %broadcast_in_dim3A_61 : f32 to vector<16xf32>
      %swap3A_63 = arith.index_cast %scan3A_26 : i32 to index
      %swap3A_64 = arith.constant 80 : index
      %swap3A_65 = tpu.vector_load %arg8[%swap3A_63, %swap3A_64] {strides = array<i32>} : memref<128x128xf32, #tpu.memory_space<vmem>>, vector<1x16xf32>,
      %swap3A_66 = vector.shape_cast %swap3A_65 : vector<1x16xf32> to vector<16xf32>
      %swap3A_67 = vector.shape_cast %broadcast_in_dim3A_62 : vector<16xf32> to vector<1x16xf32>
      tpu.vector_store %arg8[%swap3A_63, %swap3A_64], %swap3A_67 {strides = array<i32>} : memref<128x128xf32, #tpu.memory_space<vmem>>, vector<1x16xf32>,
      %broadcast_in_dim3A_68 = arith.constant 0.000000e+00 : f32
      %broadcast_in_dim3A_69 = vector.broadcast %broadcast_in_dim3A_68 : f32 to vector<16xf32>
      %swap3A_70 = arith.index_cast %scan3A_26 : i32 to index
      %swap3A_71 = arith.constant 96 : index
      %swap3A_72 = tpu.vector_load %arg8[%swap3A_70, %swap3A_71] {strides = array<i32>} : memref<128x128xf32, #tpu.memory_space<vmem>>, vector<1x16xf32>,
      %swap3A_73 = vector.shape_cast %swap3A_72 : vector<1x16xf32> to vector<16xf32>
      %swap3A_74 = vector.shape_cast %broadcast_in_dim3A_69 : vector<16xf32> to vector<1x16xf32>
      tpu.vector_store %arg8[%swap3A_70, %swap3A_71], %swap3A_74 {strides = array<i32>} : memref<128x128xf32, #tpu.memory_space<vmem>>, vector<1x16xf32>,
      %broadcast_in_dim3A_75 = arith.constant 0.000000e+00 : f32
      %broadcast_in_dim3A_76 = vector.broadcast %broadcast_in_dim3A_75 : f32 to vector<16xf32>
      %swap3A_77 = arith.index_cast %scan3A_26 : i32 to index
      %swap3A_78 = arith.constant 112 : index
      %swap3A_79 = tpu.vector_load %arg8[%swap3A_77, %swap3A_78] {strides = array<i32>} : memref<128x128xf32, #tpu.memory_space<vmem>>, vector<1x16xf32>,
      %swap3A_80 = vector.shape_cast %swap3A_79 : vector<1x16xf32> to vector<16xf32>
      %swap3A_81 = vector.shape_cast %broadcast_in_dim3A_76 : vector<16xf32> to vector<1x16xf32>
      tpu.vector_store %arg8[%swap3A_77, %swap3A_78], %swap3A_81 {strides = array<i32>} : memref<128x128xf32, #tpu.memory_space<vmem>>, vector<1x16xf32>,
      %scan3A_82 = arith.constant 0 : i32
      scf.yield %scan3A_82 : i32
    }
    %scan3A_6 = arith.constant 128 : i32
    %scan3A_7 = arith.constant 0 : i32
    %scan3A_8 = arith.constant 0 : i32
    %scan3A_9 = arith.constant 5 : i32
    %scan3A_10 = arith.addi %scan3A_8, %scan3A_9 : i32
    %scan3A_11 = arith.constant 1 : i32
    %scan3A_12 = scf.for %scan3A_26 = %scan3A_8 to %scan3A_10 step %scan3A_11 iter_args(%scan3A_27 = %scan3A_7) -> (i32)  : i32 {
      %mul3A_28 = arith.constant 640 : i32
      %mul3A_29 = arith.muli %arg1, %mul3A_28 : i32
      %mul3A_30 = arith.constant 128 : i32
      %mul3A_31 = arith.muli %scan3A_26, %mul3A_30 : i32
      %add3A_32 = arith.addi %mul3A_29, %mul3A_31 : i32
      "tpu.region"() ({
        %run_scoped3A = tpu.sem_alloc : memref<!tpu.dma_semaphore, #tpu.memory_space<semaphore_mem>>
        %dma_start3A = arith.constant 0 : i32
        %dma_start3A_34 = tpu.memref_slice %arg10[%add3A_32, %dma_start3A] : memref<10240x128xf32, #tpu.memory_space<vmem_shared>> -> memref<128x128xf32, #tpu.memory_space<vmem_shared>>
        %dma_start3A_35 = arith.constant 0 : i32
        %dma_start3A_36 = tpu.memref_slice %arg10[%add3A_32, %dma_start3A_35] : memref<10240x128xf32, #tpu.memory_space<vmem_shared>> -> memref<128x128xf32, #tpu.memory_space<vmem_shared>>
        tpu.enqueue_dma source(%arg8 : memref<128x128xf32, #tpu.memory_space<vmem>>) target(%dma_start3A_36 : memref<128x128xf32, #tpu.memory_space<vmem_shared>>) target_semaphore(%run_scoped3A : memref<!tpu.dma_semaphore, #tpu.memory_space<semaphore_mem>>)
        %dma_wait3A = arith.constant 0 : i32
        %dma_wait3A_37 = tpu.memref_slice %arg10[%add3A_32, %dma_wait3A] : memref<10240x128xf32, #tpu.memory_space<vmem_shared>> -> memref<128x128xf32, #tpu.memory_space<vmem_shared>>
        %dma_wait3A_38 = arith.constant 0 : i32
        %dma_wait3A_39 = tpu.memref_slice %arg10[%add3A_32, %dma_wait3A_38] : memref<10240x128xf32, #tpu.memory_space<vmem_shared>> -> memref<128x128xf32, #tpu.memory_space<vmem_shared>>
        tpu.wait_dma2 semaphore(%run_scoped3A : memref<!tpu.dma_semaphore, #tpu.memory_space<semaphore_mem>>) src(%arg8 : memref<128x128xf32, #tpu.memory_space<vmem>>) dst(%dma_wait3A_39 : memref<128x128xf32, #tpu.memory_space<vmem_shared>>)
        tpu.yield
      }) : () -> ()
      %scan3A_33 = arith.constant 0 : i32
      scf.yield %scan3A_33 : i32
    }
    %scan3A_13 = arith.constant 5 : i32
    %barrier3A = arith.constant 0 : index
    tpu.barrier barrier_id(%barrier3A)
    %scan3A_14 = arith.constant 0 : i32
    %scan3A_15 = arith.constant 0 : i32
    %scan3A_16 = arith.constant 10 : i32
    %scan3A_17 = arith.addi %scan3A_15, %scan3A_16 : i32
    %scan3A_18 = arith.constant 1 : i32
    %scan3A_19 = scf.for %scan3A_26 = %scan3A_15 to %scan3A_17 step %scan3A_18 iter_args(%scan3A_27 = %scan3A_14) -> (i32)  : i32 {
      %mul3A_28 = arith.constant 8 : i32
      %mul3A_29 = arith.muli %scan3A_26, %mul3A_28 : i32
      "tpu.region"() ({
        %run_scoped3A = tpu.sem_alloc : memref<!tpu.dma_semaphore, #tpu.memory_space<semaphore_mem>>
        %dma_start3A_269 = arith.constant 0 : i32
        %dma_start3A_270 = tpu.memref_slice %arg3[%add3A, %mul3A_29, %dma_start3A_269] : memref<32x80x128xi32, #tpu.memory_space<hbm>> -> memref<1x8x128xi32, #tpu.memory_space<hbm>>
        %dma_start3A_271 = tpu.memref_squeeze %dma_start3A_270 : memref<1x8x128xi32, #tpu.memory_space<hbm>> -> memref<8x128xi32, #tpu.memory_space<hbm>>
        %dma_start3A_272 = arith.constant 0 : i32
        %dma_start3A_273 = tpu.memref_slice %arg3[%add3A, %mul3A_29, %dma_start3A_272] : memref<32x80x128xi32, #tpu.memory_space<hbm>> -> memref<1x8x128xi32, #tpu.memory_space<hbm>>
        %dma_start3A_274 = tpu.memref_squeeze %dma_start3A_273 : memref<1x8x128xi32, #tpu.memory_space<hbm>> -> memref<8x128xi32, #tpu.memory_space<hbm>>
        tpu.enqueue_dma source(%dma_start3A_274 : memref<8x128xi32, #tpu.memory_space<hbm>>) target(%arg6 : memref<8x128xi32, #tpu.memory_space<vmem>>) target_semaphore(%run_scoped3A : memref<!tpu.dma_semaphore, #tpu.memory_space<semaphore_mem>>)
        %dma_wait3A_275 = arith.constant 0 : i32
        %dma_wait3A_276 = tpu.memref_slice %arg3[%add3A, %mul3A_29, %dma_wait3A_275] : memref<32x80x128xi32, #tpu.memory_space<hbm>> -> memref<1x8x128xi32, #tpu.memory_space<hbm>>
        %dma_wait3A_277 = tpu.memref_squeeze %dma_wait3A_276 : memref<1x8x128xi32, #tpu.memory_space<hbm>> -> memref<8x128xi32, #tpu.memory_space<hbm>>
        %dma_wait3A_278 = arith.constant 0 : i32
        %dma_wait3A_279 = tpu.memref_slice %arg3[%add3A, %mul3A_29, %dma_wait3A_278] : memref<32x80x128xi32, #tpu.memory_space<hbm>> -> memref<1x8x128xi32, #tpu.memory_space<hbm>>
        %dma_wait3A_280 = tpu.memref_squeeze %dma_wait3A_279 : memref<1x8x128xi32, #tpu.memory_space<hbm>> -> memref<8x128xi32, #tpu.memory_space<hbm>>
        tpu.wait_dma2 semaphore(%run_scoped3A : memref<!tpu.dma_semaphore, #tpu.memory_space<semaphore_mem>>) src(%dma_wait3A_280 : memref<8x128xi32, #tpu.memory_space<hbm>>) dst(%arg6 : memref<8x128xi32, #tpu.memory_space<vmem>>)
        tpu.yield
      }) : () -> ()
      %dma_start3A = arith.constant 0 : i32
      %dma_start3A_30 = arith.constant 0 : i32
      %dma_start3A_31 = tpu.memref_slice %arg6[%dma_start3A, %dma_start3A_30] : memref<8x128xi32, #tpu.memory_space<vmem>> -> memref<1x128xi32, #tpu.memory_space<vmem>>
      %dma_start3A_32 = tpu.memref_squeeze %dma_start3A_31 : memref<1x128xi32, #tpu.memory_space<vmem>> -> memref<128xi32, #tpu.memory_space<vmem>>
      %dma_start3A_33 = arith.constant 0 : i32
      %dma_start3A_34 = arith.constant 0 : i32
      %dma_start3A_35 = tpu.memref_slice %arg2[%dma_start3A_33, %dma_start3A_34] : memref<10000x128xf32, #tpu.memory_space<hbm>> -> memref<10000x128xf32, #tpu.memory_space<hbm>>
      tpu.enqueue_indirect_dma source(%dma_start3A_35 : memref<10000x128xf32, #tpu.memory_space<hbm>>) target(%arg8 : memref<128x128xf32, #tpu.memory_space<vmem>>) offsets(%dma_start3A_32 : memref<128xi32, #tpu.memory_space<vmem>>) semaphore(%arg11 : memref<!tpu.dma_semaphore, #tpu.memory_space<semaphore_mem>>)
      %dma_start3A_36 = arith.constant 1 : i32
      %dma_start3A_37 = arith.constant 0 : i32
      %dma_start3A_38 = tpu.memref_slice %arg6[%dma_start3A_36, %dma_start3A_37] : memref<8x128xi32, #tpu.memory_space<vmem>> -> memref<1x128xi32, #tpu.memory_space<vmem>>
      %dma_start3A_39 = tpu.memref_squeeze %dma_start3A_38 : memref<1x128xi32, #tpu.memory_space<vmem>> -> memref<128xi32, #tpu.memory_space<vmem>>
      %dma_start3A_40 = arith.constant 0 : i32
      %dma_start3A_41 = arith.constant 0 : i32
      %dma_start3A_42 = tpu.memref_slice %arg2[%dma_start3A_40, %dma_start3A_41] : memref<10000x128xf32, #tpu.memory_space<hbm>> -> memref<10000x128xf32, #tpu.memory_space<hbm>>
      tpu.enqueue_indirect_dma source(%dma_start3A_42 : memref<10000x128xf32, #tpu.memory_space<hbm>>) target(%arg9 : memref<128x128xf32, #tpu.memory_space<vmem>>) offsets(%dma_start3A_39 : memref<128xi32, #tpu.memory_space<vmem>>) semaphore(%arg12 : memref<!tpu.dma_semaphore, #tpu.memory_space<semaphore_mem>>)
      %dma_wait3A = arith.constant 0 : i32
      %dma_wait3A_43 = arith.constant 0 : i32
      %dma_wait3A_44 = tpu.memref_slice %arg6[%dma_wait3A, %dma_wait3A_43] : memref<8x128xi32, #tpu.memory_space<vmem>> -> memref<1x128xi32, #tpu.memory_space<vmem>>
      %dma_wait3A_45 = tpu.memref_squeeze %dma_wait3A_44 : memref<1x128xi32, #tpu.memory_space<vmem>> -> memref<128xi32, #tpu.memory_space<vmem>>
      %dma_wait3A_46 = arith.constant 0 : i32
      %dma_wait3A_47 = arith.constant 0 : i32
      %dma_wait3A_48 = tpu.memref_slice %arg2[%dma_wait3A_46, %dma_wait3A_47] : memref<10000x128xf32, #tpu.memory_space<hbm>> -> memref<10000x128xf32, #tpu.memory_space<hbm>>
      tpu.wait_indirect_dma semaphore(%arg11 : memref<!tpu.dma_semaphore, #tpu.memory_space<semaphore_mem>>) src(%dma_wait3A_48 : memref<10000x128xf32, #tpu.memory_space<hbm>>) dst(%arg8 : memref<128x128xf32, #tpu.memory_space<vmem>>)
      %mul3A_49 = arith.constant 8 : i32
      %mul3A_50 = arith.muli %scan3A_26, %mul3A_49 : i32
      %add3A_51 = arith.constant 0 : i32
      %add3A_52 = arith.addi %mul3A_50, %add3A_51 : i32
      %dma_start3A_53 = arith.constant 0 : i32
      %dma_start3A_54 = tpu.memref_slice %arg7[%add3A_52, %dma_start3A_53] : memref<80x128xi32, #tpu.memory_space<vmem>> -> memref<1x128xi32, #tpu.memory_space<vmem>>
      %dma_start3A_55 = tpu.memref_squeeze %dma_start3A_54 : memref<1x128xi32, #tpu.memory_space<vmem>> -> memref<128xi32, #tpu.memory_space<vmem>>
      %dma_start3A_56 = arith.constant 0 : i32
      %dma_start3A_57 = arith.constant 0 : i32
      %dma_start3A_58 = tpu.memref_slice %arg10[%dma_start3A_56, %dma_start3A_57] : memref<10240x128xf32, #tpu.memory_space<vmem_shared>> -> memref<10240x128xf32, #tpu.memory_space<vmem_shared>>
      tpu.enqueue_indirect_dma source(%arg8 : memref<128x128xf32, #tpu.memory_space<vmem>>) target(%dma_start3A_58 : memref<10240x128xf32, #tpu.memory_space<vmem_shared>>) offsets(%dma_start3A_55 : memref<128xi32, #tpu.memory_space<vmem>>) semaphore(%arg13 : memref<!tpu.dma_semaphore, #tpu.memory_space<semaphore_mem>>) {add = true}
      %dma_wait3A_59 = arith.constant 0 : i32
      %dma_wait3A_60 = tpu.memref_slice %arg7[%add3A_52, %dma_wait3A_59] : memref<80x128xi32, #tpu.memory_space<vmem>> -> memref<1x128xi32, #tpu.memory_space<vmem>>
      %dma_wait3A_61 = tpu.memref_squeeze %dma_wait3A_60 : memref<1x128xi32, #tpu.memory_space<vmem>> -> memref<128xi32, #tpu.memory_space<vmem>>
      %dma_wait3A_62 = arith.constant 0 : i32
      %dma_wait3A_63 = arith.constant 0 : i32
      %dma_wait3A_64 = tpu.memref_slice %arg10[%dma_wait3A_62, %dma_wait3A_63] : memref<10240x128xf32, #tpu.memory_space<vmem_shared>> -> memref<10240x128xf32, #tpu.memory_space<vmem_shared>>
      tpu.wait_indirect_dma semaphore(%arg13 : memref<!tpu.dma_semaphore, #tpu.memory_space<semaphore_mem>>) src(%arg8 : memref<128x128xf32, #tpu.memory_space<vmem>>) dst(%dma_wait3A_64 : memref<10240x128xf32, #tpu.memory_space<vmem_shared>>)
      %dma_start3A_65 = arith.constant 2 : i32
      %dma_start3A_66 = arith.constant 0 : i32
      %dma_start3A_67 = tpu.memref_slice %arg6[%dma_start3A_65, %dma_start3A_66] : memref<8x128xi32, #tpu.memory_space<vmem>> -> memref<1x128xi32, #tpu.memory_space<vmem>>
      %dma_start3A_68 = tpu.memref_squeeze %dma_start3A_67 : memref<1x128xi32, #tpu.memory_space<vmem>> -> memref<128xi32, #tpu.memory_space<vmem>>
      %dma_start3A_69 = arith.constant 0 : i32
      %dma_start3A_70 = arith.constant 0 : i32
      %dma_start3A_71 = tpu.memref_slice %arg2[%dma_start3A_69, %dma_start3A_70] : memref<10000x128xf32, #tpu.memory_space<hbm>> -> memref<10000x128xf32, #tpu.memory_space<hbm>>
      tpu.enqueue_indirect_dma source(%dma_start3A_71 : memref<10000x128xf32, #tpu.memory_space<hbm>>) target(%arg8 : memref<128x128xf32, #tpu.memory_space<vmem>>) offsets(%dma_start3A_68 : memref<128xi32, #tpu.memory_space<vmem>>) semaphore(%arg11 : memref<!tpu.dma_semaphore, #tpu.memory_space<semaphore_mem>>)
      %dma_wait3A_72 = arith.constant 1 : i32
      %dma_wait3A_73 = arith.constant 0 : i32
      %dma_wait3A_74 = tpu.memref_slice %arg6[%dma_wait3A_72, %dma_wait3A_73] : memref<8x128xi32, #tpu.memory_space<vmem>> -> memref<1x128xi32, #tpu.memory_space<vmem>>
      %dma_wait3A_75 = tpu.memref_squeeze %dma_wait3A_74 : memref<1x128xi32, #tpu.memory_space<vmem>> -> memref<128xi32, #tpu.memory_space<vmem>>
      %dma_wait3A_76 = arith.constant 0 : i32
      %dma_wait3A_77 = arith.constant 0 : i32
      %dma_wait3A_78 = tpu.memref_slice %arg2[%dma_wait3A_76, %dma_wait3A_77] : memref<10000x128xf32, #tpu.memory_space<hbm>> -> memref<10000x128xf32, #tpu.memory_space<hbm>>
      tpu.wait_indirect_dma semaphore(%arg12 : memref<!tpu.dma_semaphore, #tpu.memory_space<semaphore_mem>>) src(%dma_wait3A_78 : memref<10000x128xf32, #tpu.memory_space<hbm>>) dst(%arg9 : memref<128x128xf32, #tpu.memory_space<vmem>>)
      %mul3A_79 = arith.constant 8 : i32
      %mul3A_80 = arith.muli %scan3A_26, %mul3A_79 : i32
      %add3A_81 = arith.constant 1 : i32
      %add3A_82 = arith.addi %mul3A_80, %add3A_81 : i32
      %dma_start3A_83 = arith.constant 0 : i32
      %dma_start3A_84 = tpu.memref_slice %arg7[%add3A_82, %dma_start3A_83] : memref<80x128xi32, #tpu.memory_space<vmem>> -> memref<1x128xi32, #tpu.memory_space<vmem>>
      %dma_start3A_85 = tpu.memref_squeeze %dma_start3A_84 : memref<1x128xi32, #tpu.memory_space<vmem>> -> memref<128xi32, #tpu.memory_space<vmem>>
      %dma_start3A_86 = arith.constant 0 : i32
      %dma_start3A_87 = arith.constant 0 : i32
      %dma_start3A_88 = tpu.memref_slice %arg10[%dma_start3A_86, %dma_start3A_87] : memref<10240x128xf32, #tpu.memory_space<vmem_shared>> -> memref<10240x128xf32, #tpu.memory_space<vmem_shared>>
      tpu.enqueue_indirect_dma source(%arg9 : memref<128x128xf32, #tpu.memory_space<vmem>>) target(%dma_start3A_88 : memref<10240x128xf32, #tpu.memory_space<vmem_shared>>) offsets(%dma_start3A_85 : memref<128xi32, #tpu.memory_space<vmem>>) semaphore(%arg14 : memref<!tpu.dma_semaphore, #tpu.memory_space<semaphore_mem>>) {add = true}
      %dma_wait3A_89 = arith.constant 0 : i32
      %dma_wait3A_90 = tpu.memref_slice %arg7[%add3A_82, %dma_wait3A_89] : memref<80x128xi32, #tpu.memory_space<vmem>> -> memref<1x128xi32, #tpu.memory_space<vmem>>
      %dma_wait3A_91 = tpu.memref_squeeze %dma_wait3A_90 : memref<1x128xi32, #tpu.memory_space<vmem>> -> memref<128xi32, #tpu.memory_space<vmem>>
      %dma_wait3A_92 = arith.constant 0 : i32
      %dma_wait3A_93 = arith.constant 0 : i32
      %dma_wait3A_94 = tpu.memref_slice %arg10[%dma_wait3A_92, %dma_wait3A_93] : memref<10240x128xf32, #tpu.memory_space<vmem_shared>> -> memref<10240x128xf32, #tpu.memory_space<vmem_shared>>
      tpu.wait_indirect_dma semaphore(%arg14 : memref<!tpu.dma_semaphore, #tpu.memory_space<semaphore_mem>>) src(%arg9 : memref<128x128xf32, #tpu.memory_space<vmem>>) dst(%dma_wait3A_94 : memref<10240x128xf32, #tpu.memory_space<vmem_shared>>)
      %dma_start3A_95 = arith.constant 3 : i32
      %dma_start3A_96 = arith.constant 0 : i32
      %dma_start3A_97 = tpu.memref_slice %arg6[%dma_start3A_95, %dma_start3A_96] : memref<8x128xi32, #tpu.memory_space<vmem>> -> memref<1x128xi32, #tpu.memory_space<vmem>>
      %dma_start3A_98 = tpu.memref_squeeze %dma_start3A_97 : memref<1x128xi32, #tpu.memory_space<vmem>> -> memref<128xi32, #tpu.memory_space<vmem>>
      %dma_start3A_99 = arith.constant 0 : i32
      %dma_start3A_100 = arith.constant 0 : i32
      %dma_start3A_101 = tpu.memref_slice %arg2[%dma_start3A_99, %dma_start3A_100] : memref<10000x128xf32, #tpu.memory_space<hbm>> -> memref<10000x128xf32, #tpu.memory_space<hbm>>
      tpu.enqueue_indirect_dma source(%dma_start3A_101 : memref<10000x128xf32, #tpu.memory_space<hbm>>) target(%arg9 : memref<128x128xf32, #tpu.memory_space<vmem>>) offsets(%dma_start3A_98 : memref<128xi32, #tpu.memory_space<vmem>>) semaphore(%arg12 : memref<!tpu.dma_semaphore, #tpu.memory_space<semaphore_mem>>)
      %dma_wait3A_102 = arith.constant 2 : i32
      %dma_wait3A_103 = arith.constant 0 : i32
      %dma_wait3A_104 = tpu.memref_slice %arg6[%dma_wait3A_102, %dma_wait3A_103] : memref<8x128xi32, #tpu.memory_space<vmem>> -> memref<1x128xi32, #tpu.memory_space<vmem>>
      %dma_wait3A_105 = tpu.memref_squeeze %dma_wait3A_104 : memref<1x128xi32, #tpu.memory_space<vmem>> -> memref<128xi32, #tpu.memory_space<vmem>>
      %dma_wait3A_106 = arith.constant 0 : i32
      %dma_wait3A_107 = arith.constant 0 : i32
      %dma_wait3A_108 = tpu.memref_slice %arg2[%dma_wait3A_106, %dma_wait3A_107] : memref<10000x128xf32, #tpu.memory_space<hbm>> -> memref<10000x128xf32, #tpu.memory_space<hbm>>
      tpu.wait_indirect_dma semaphore(%arg11 : memref<!tpu.dma_semaphore, #tpu.memory_space<semaphore_mem>>) src(%dma_wait3A_108 : memref<10000x128xf32, #tpu.memory_space<hbm>>) dst(%arg8 : memref<128x128xf32, #tpu.memory_space<vmem>>)
      %mul3A_109 = arith.constant 8 : i32
      %mul3A_110 = arith.muli %scan3A_26, %mul3A_109 : i32
      %add3A_111 = arith.constant 2 : i32
      %add3A_112 = arith.addi %mul3A_110, %add3A_111 : i32
      %dma_start3A_113 = arith.constant 0 : i32
      %dma_start3A_114 = tpu.memref_slice %arg7[%add3A_112, %dma_start3A_113] : memref<80x128xi32, #tpu.memory_space<vmem>> -> memref<1x128xi32, #tpu.memory_space<vmem>>
      %dma_start3A_115 = tpu.memref_squeeze %dma_start3A_114 : memref<1x128xi32, #tpu.memory_space<vmem>> -> memref<128xi32, #tpu.memory_space<vmem>>
      %dma_start3A_116 = arith.constant 0 : i32
      %dma_start3A_117 = arith.constant 0 : i32
      %dma_start3A_118 = tpu.memref_slice %arg10[%dma_start3A_116, %dma_start3A_117] : memref<10240x128xf32, #tpu.memory_space<vmem_shared>> -> memref<10240x128xf32, #tpu.memory_space<vmem_shared>>
      tpu.enqueue_indirect_dma source(%arg8 : memref<128x128xf32, #tpu.memory_space<vmem>>) target(%dma_start3A_118 : memref<10240x128xf32, #tpu.memory_space<vmem_shared>>) offsets(%dma_start3A_115 : memref<128xi32, #tpu.memory_space<vmem>>) semaphore(%arg13 : memref<!tpu.dma_semaphore, #tpu.memory_space<semaphore_mem>>) {add = true}
      %dma_wait3A_119 = arith.constant 0 : i32
      %dma_wait3A_120 = tpu.memref_slice %arg7[%add3A_112, %dma_wait3A_119] : memref<80x128xi32, #tpu.memory_space<vmem>> -> memref<1x128xi32, #tpu.memory_space<vmem>>
      %dma_wait3A_121 = tpu.memref_squeeze %dma_wait3A_120 : memref<1x128xi32, #tpu.memory_space<vmem>> -> memref<128xi32, #tpu.memory_space<vmem>>
      %dma_wait3A_122 = arith.constant 0 : i32
      %dma_wait3A_123 = arith.constant 0 : i32
      %dma_wait3A_124 = tpu.memref_slice %arg10[%dma_wait3A_122, %dma_wait3A_123] : memref<10240x128xf32, #tpu.memory_space<vmem_shared>> -> memref<10240x128xf32, #tpu.memory_space<vmem_shared>>
      tpu.wait_indirect_dma semaphore(%arg13 : memref<!tpu.dma_semaphore, #tpu.memory_space<semaphore_mem>>) src(%arg8 : memref<128x128xf32, #tpu.memory_space<vmem>>) dst(%dma_wait3A_124 : memref<10240x128xf32, #tpu.memory_space<vmem_shared>>)
      %dma_start3A_125 = arith.constant 4 : i32
      %dma_start3A_126 = arith.constant 0 : i32
      %dma_start3A_127 = tpu.memref_slice %arg6[%dma_start3A_125, %dma_start3A_126] : memref<8x128xi32, #tpu.memory_space<vmem>> -> memref<1x128xi32, #tpu.memory_space<vmem>>
      %dma_start3A_128 = tpu.memref_squeeze %dma_start3A_127 : memref<1x128xi32, #tpu.memory_space<vmem>> -> memref<128xi32, #tpu.memory_space<vmem>>
      %dma_start3A_129 = arith.constant 0 : i32
      %dma_start3A_130 = arith.constant 0 : i32
      %dma_start3A_131 = tpu.memref_slice %arg2[%dma_start3A_129, %dma_start3A_130] : memref<10000x128xf32, #tpu.memory_space<hbm>> -> memref<10000x128xf32, #tpu.memory_space<hbm>>
      tpu.enqueue_indirect_dma source(%dma_start3A_131 : memref<10000x128xf32, #tpu.memory_space<hbm>>) target(%arg8 : memref<128x128xf32, #tpu.memory_space<vmem>>) offsets(%dma_start3A_128 : memref<128xi32, #tpu.memory_space<vmem>>) semaphore(%arg11 : memref<!tpu.dma_semaphore, #tpu.memory_space<semaphore_mem>>)
      %dma_wait3A_132 = arith.constant 3 : i32
      %dma_wait3A_133 = arith.constant 0 : i32
      %dma_wait3A_134 = tpu.memref_slice %arg6[%dma_wait3A_132, %dma_wait3A_133] : memref<8x128xi32, #tpu.memory_space<vmem>> -> memref<1x128xi32, #tpu.memory_space<vmem>>
      %dma_wait3A_135 = tpu.memref_squeeze %dma_wait3A_134 : memref<1x128xi32, #tpu.memory_space<vmem>> -> memref<128xi32, #tpu.memory_space<vmem>>
      %dma_wait3A_136 = arith.constant 0 : i32
      %dma_wait3A_137 = arith.constant 0 : i32
      %dma_wait3A_138 = tpu.memref_slice %arg2[%dma_wait3A_136, %dma_wait3A_137] : memref<10000x128xf32, #tpu.memory_space<hbm>> -> memref<10000x128xf32, #tpu.memory_space<hbm>>
      tpu.wait_indirect_dma semaphore(%arg12 : memref<!tpu.dma_semaphore, #tpu.memory_space<semaphore_mem>>) src(%dma_wait3A_138 : memref<10000x128xf32, #tpu.memory_space<hbm>>) dst(%arg9 : memref<128x128xf32, #tpu.memory_space<vmem>>)
      %mul3A_139 = arith.constant 8 : i32
      %mul3A_140 = arith.muli %scan3A_26, %mul3A_139 : i32
      %add3A_141 = arith.constant 3 : i32
      %add3A_142 = arith.addi %mul3A_140, %add3A_141 : i32
      %dma_start3A_143 = arith.constant 0 : i32
      %dma_start3A_144 = tpu.memref_slice %arg7[%add3A_142, %dma_start3A_143] : memref<80x128xi32, #tpu.memory_space<vmem>> -> memref<1x128xi32, #tpu.memory_space<vmem>>
      %dma_start3A_145 = tpu.memref_squeeze %dma_start3A_144 : memref<1x128xi32, #tpu.memory_space<vmem>> -> memref<128xi32, #tpu.memory_space<vmem>>
      %dma_start3A_146 = arith.constant 0 : i32
      %dma_start3A_147 = arith.constant 0 : i32
      %dma_start3A_148 = tpu.memref_slice %arg10[%dma_start3A_146, %dma_start3A_147] : memref<10240x128xf32, #tpu.memory_space<vmem_shared>> -> memref<10240x128xf32, #tpu.memory_space<vmem_shared>>
      tpu.enqueue_indirect_dma source(%arg9 : memref<128x128xf32, #tpu.memory_space<vmem>>) target(%dma_start3A_148 : memref<10240x128xf32, #tpu.memory_space<vmem_shared>>) offsets(%dma_start3A_145 : memref<128xi32, #tpu.memory_space<vmem>>) semaphore(%arg14 : memref<!tpu.dma_semaphore, #tpu.memory_space<semaphore_mem>>) {add = true}
      %dma_wait3A_149 = arith.constant 0 : i32
      %dma_wait3A_150 = tpu.memref_slice %arg7[%add3A_142, %dma_wait3A_149] : memref<80x128xi32, #tpu.memory_space<vmem>> -> memref<1x128xi32, #tpu.memory_space<vmem>>
      %dma_wait3A_151 = tpu.memref_squeeze %dma_wait3A_150 : memref<1x128xi32, #tpu.memory_space<vmem>> -> memref<128xi32, #tpu.memory_space<vmem>>
      %dma_wait3A_152 = arith.constant 0 : i32
      %dma_wait3A_153 = arith.constant 0 : i32
      %dma_wait3A_154 = tpu.memref_slice %arg10[%dma_wait3A_152, %dma_wait3A_153] : memref<10240x128xf32, #tpu.memory_space<vmem_shared>> -> memref<10240x128xf32, #tpu.memory_space<vmem_shared>>
      tpu.wait_indirect_dma semaphore(%arg14 : memref<!tpu.dma_semaphore, #tpu.memory_space<semaphore_mem>>) src(%arg9 : memref<128x128xf32, #tpu.memory_space<vmem>>) dst(%dma_wait3A_154 : memref<10240x128xf32, #tpu.memory_space<vmem_shared>>)
      %dma_start3A_155 = arith.constant 5 : i32
      %dma_start3A_156 = arith.constant 0 : i32
      %dma_start3A_157 = tpu.memref_slice %arg6[%dma_start3A_155, %dma_start3A_156] : memref<8x128xi32, #tpu.memory_space<vmem>> -> memref<1x128xi32, #tpu.memory_space<vmem>>
      %dma_start3A_158 = tpu.memref_squeeze %dma_start3A_157 : memref<1x128xi32, #tpu.memory_space<vmem>> -> memref<128xi32, #tpu.memory_space<vmem>>
      %dma_start3A_159 = arith.constant 0 : i32
      %dma_start3A_160 = arith.constant 0 : i32
      %dma_start3A_161 = tpu.memref_slice %arg2[%dma_start3A_159, %dma_start3A_160] : memref<10000x128xf32, #tpu.memory_space<hbm>> -> memref<10000x128xf32, #tpu.memory_space<hbm>>
      tpu.enqueue_indirect_dma source(%dma_start3A_161 : memref<10000x128xf32, #tpu.memory_space<hbm>>) target(%arg9 : memref<128x128xf32, #tpu.memory_space<vmem>>) offsets(%dma_start3A_158 : memref<128xi32, #tpu.memory_space<vmem>>) semaphore(%arg12 : memref<!tpu.dma_semaphore, #tpu.memory_space<semaphore_mem>>)
      %dma_wait3A_162 = arith.constant 4 : i32
      %dma_wait3A_163 = arith.constant 0 : i32
      %dma_wait3A_164 = tpu.memref_slice %arg6[%dma_wait3A_162, %dma_wait3A_163] : memref<8x128xi32, #tpu.memory_space<vmem>> -> memref<1x128xi32, #tpu.memory_space<vmem>>
      %dma_wait3A_165 = tpu.memref_squeeze %dma_wait3A_164 : memref<1x128xi32, #tpu.memory_space<vmem>> -> memref<128xi32, #tpu.memory_space<vmem>>
      %dma_wait3A_166 = arith.constant 0 : i32
      %dma_wait3A_167 = arith.constant 0 : i32
      %dma_wait3A_168 = tpu.memref_slice %arg2[%dma_wait3A_166, %dma_wait3A_167] : memref<10000x128xf32, #tpu.memory_space<hbm>> -> memref<10000x128xf32, #tpu.memory_space<hbm>>
      tpu.wait_indirect_dma semaphore(%arg11 : memref<!tpu.dma_semaphore, #tpu.memory_space<semaphore_mem>>) src(%dma_wait3A_168 : memref<10000x128xf32, #tpu.memory_space<hbm>>) dst(%arg8 : memref<128x128xf32, #tpu.memory_space<vmem>>)
      %mul3A_169 = arith.constant 8 : i32
      %mul3A_170 = arith.muli %scan3A_26, %mul3A_169 : i32
      %add3A_171 = arith.constant 4 : i32
      %add3A_172 = arith.addi %mul3A_170, %add3A_171 : i32
      %dma_start3A_173 = arith.constant 0 : i32
      %dma_start3A_174 = tpu.memref_slice %arg7[%add3A_172, %dma_start3A_173] : memref<80x128xi32, #tpu.memory_space<vmem>> -> memref<1x128xi32, #tpu.memory_space<vmem>>
      %dma_start3A_175 = tpu.memref_squeeze %dma_start3A_174 : memref<1x128xi32, #tpu.memory_space<vmem>> -> memref<128xi32, #tpu.memory_space<vmem>>
      %dma_start3A_176 = arith.constant 0 : i32
      %dma_start3A_177 = arith.constant 0 : i32
      %dma_start3A_178 = tpu.memref_slice %arg10[%dma_start3A_176, %dma_start3A_177] : memref<10240x128xf32, #tpu.memory_space<vmem_shared>> -> memref<10240x128xf32, #tpu.memory_space<vmem_shared>>
      tpu.enqueue_indirect_dma source(%arg8 : memref<128x128xf32, #tpu.memory_space<vmem>>) target(%dma_start3A_178 : memref<10240x128xf32, #tpu.memory_space<vmem_shared>>) offsets(%dma_start3A_175 : memref<128xi32, #tpu.memory_space<vmem>>) semaphore(%arg13 : memref<!tpu.dma_semaphore, #tpu.memory_space<semaphore_mem>>) {add = true}
      %dma_wait3A_179 = arith.constant 0 : i32
      %dma_wait3A_180 = tpu.memref_slice %arg7[%add3A_172, %dma_wait3A_179] : memref<80x128xi32, #tpu.memory_space<vmem>> -> memref<1x128xi32, #tpu.memory_space<vmem>>
      %dma_wait3A_181 = tpu.memref_squeeze %dma_wait3A_180 : memref<1x128xi32, #tpu.memory_space<vmem>> -> memref<128xi32, #tpu.memory_space<vmem>>
      %dma_wait3A_182 = arith.constant 0 : i32
      %dma_wait3A_183 = arith.constant 0 : i32
      %dma_wait3A_184 = tpu.memref_slice %arg10[%dma_wait3A_182, %dma_wait3A_183] : memref<10240x128xf32, #tpu.memory_space<vmem_shared>> -> memref<10240x128xf32, #tpu.memory_space<vmem_shared>>
      tpu.wait_indirect_dma semaphore(%arg13 : memref<!tpu.dma_semaphore, #tpu.memory_space<semaphore_mem>>) src(%arg8 : memref<128x128xf32, #tpu.memory_space<vmem>>) dst(%dma_wait3A_184 : memref<10240x128xf32, #tpu.memory_space<vmem_shared>>)
      %dma_start3A_185 = arith.constant 6 : i32
      %dma_start3A_186 = arith.constant 0 : i32
      %dma_start3A_187 = tpu.memref_slice %arg6[%dma_start3A_185, %dma_start3A_186] : memref<8x128xi32, #tpu.memory_space<vmem>> -> memref<1x128xi32, #tpu.memory_space<vmem>>
      %dma_start3A_188 = tpu.memref_squeeze %dma_start3A_187 : memref<1x128xi32, #tpu.memory_space<vmem>> -> memref<128xi32, #tpu.memory_space<vmem>>
      %dma_start3A_189 = arith.constant 0 : i32
      %dma_start3A_190 = arith.constant 0 : i32
      %dma_start3A_191 = tpu.memref_slice %arg2[%dma_start3A_189, %dma_start3A_190] : memref<10000x128xf32, #tpu.memory_space<hbm>> -> memref<10000x128xf32, #tpu.memory_space<hbm>>
      tpu.enqueue_indirect_dma source(%dma_start3A_191 : memref<10000x128xf32, #tpu.memory_space<hbm>>) target(%arg8 : memref<128x128xf32, #tpu.memory_space<vmem>>) offsets(%dma_start3A_188 : memref<128xi32, #tpu.memory_space<vmem>>) semaphore(%arg11 : memref<!tpu.dma_semaphore, #tpu.memory_space<semaphore_mem>>)
      %dma_wait3A_192 = arith.constant 5 : i32
      %dma_wait3A_193 = arith.constant 0 : i32
      %dma_wait3A_194 = tpu.memref_slice %arg6[%dma_wait3A_192, %dma_wait3A_193] : memref<8x128xi32, #tpu.memory_space<vmem>> -> memref<1x128xi32, #tpu.memory_space<vmem>>
      %dma_wait3A_195 = tpu.memref_squeeze %dma_wait3A_194 : memref<1x128xi32, #tpu.memory_space<vmem>> -> memref<128xi32, #tpu.memory_space<vmem>>
      %dma_wait3A_196 = arith.constant 0 : i32
      %dma_wait3A_197 = arith.constant 0 : i32
      %dma_wait3A_198 = tpu.memref_slice %arg2[%dma_wait3A_196, %dma_wait3A_197] : memref<10000x128xf32, #tpu.memory_space<hbm>> -> memref<10000x128xf32, #tpu.memory_space<hbm>>
      tpu.wait_indirect_dma semaphore(%arg12 : memref<!tpu.dma_semaphore, #tpu.memory_space<semaphore_mem>>) src(%dma_wait3A_198 : memref<10000x128xf32, #tpu.memory_space<hbm>>) dst(%arg9 : memref<128x128xf32, #tpu.memory_space<vmem>>)
      %mul3A_199 = arith.constant 8 : i32
      %mul3A_200 = arith.muli %scan3A_26, %mul3A_199 : i32
      %add3A_201 = arith.constant 5 : i32
      %add3A_202 = arith.addi %mul3A_200, %add3A_201 : i32
      %dma_start3A_203 = arith.constant 0 : i32
      %dma_start3A_204 = tpu.memref_slice %arg7[%add3A_202, %dma_start3A_203] : memref<80x128xi32, #tpu.memory_space<vmem>> -> memref<1x128xi32, #tpu.memory_space<vmem>>
      %dma_start3A_205 = tpu.memref_squeeze %dma_start3A_204 : memref<1x128xi32, #tpu.memory_space<vmem>> -> memref<128xi32, #tpu.memory_space<vmem>>
      %dma_start3A_206 = arith.constant 0 : i32
      %dma_start3A_207 = arith.constant 0 : i32
      %dma_start3A_208 = tpu.memref_slice %arg10[%dma_start3A_206, %dma_start3A_207] : memref<10240x128xf32, #tpu.memory_space<vmem_shared>> -> memref<10240x128xf32, #tpu.memory_space<vmem_shared>>
      tpu.enqueue_indirect_dma source(%arg9 : memref<128x128xf32, #tpu.memory_space<vmem>>) target(%dma_start3A_208 : memref<10240x128xf32, #tpu.memory_space<vmem_shared>>) offsets(%dma_start3A_205 : memref<128xi32, #tpu.memory_space<vmem>>) semaphore(%arg14 : memref<!tpu.dma_semaphore, #tpu.memory_space<semaphore_mem>>) {add = true}
      %dma_wait3A_209 = arith.constant 0 : i32
      %dma_wait3A_210 = tpu.memref_slice %arg7[%add3A_202, %dma_wait3A_209] : memref<80x128xi32, #tpu.memory_space<vmem>> -> memref<1x128xi32, #tpu.memory_space<vmem>>
      %dma_wait3A_211 = tpu.memref_squeeze %dma_wait3A_210 : memref<1x128xi32, #tpu.memory_space<vmem>> -> memref<128xi32, #tpu.memory_space<vmem>>
      %dma_wait3A_212 = arith.constant 0 : i32
      %dma_wait3A_213 = arith.constant 0 : i32
      %dma_wait3A_214 = tpu.memref_slice %arg10[%dma_wait3A_212, %dma_wait3A_213] : memref<10240x128xf32, #tpu.memory_space<vmem_shared>> -> memref<10240x128xf32, #tpu.memory_space<vmem_shared>>
      tpu.wait_indirect_dma semaphore(%arg14 : memref<!tpu.dma_semaphore, #tpu.memory_space<semaphore_mem>>) src(%arg9 : memref<128x128xf32, #tpu.memory_space<vmem>>) dst(%dma_wait3A_214 : memref<10240x128xf32, #tpu.memory_space<vmem_shared>>)
      %dma_start3A_215 = arith.constant 7 : i32
      %dma_start3A_216 = arith.constant 0 : i32
      %dma_start3A_217 = tpu.memref_slice %arg6[%dma_start3A_215, %dma_start3A_216] : memref<8x128xi32, #tpu.memory_space<vmem>> -> memref<1x128xi32, #tpu.memory_space<vmem>>
      %dma_start3A_218 = tpu.memref_squeeze %dma_start3A_217 : memref<1x128xi32, #tpu.memory_space<vmem>> -> memref<128xi32, #tpu.memory_space<vmem>>
      %dma_start3A_219 = arith.constant 0 : i32
      %dma_start3A_220 = arith.constant 0 : i32
      %dma_start3A_221 = tpu.memref_slice %arg2[%dma_start3A_219, %dma_start3A_220] : memref<10000x128xf32, #tpu.memory_space<hbm>> -> memref<10000x128xf32, #tpu.memory_space<hbm>>
      tpu.enqueue_indirect_dma source(%dma_start3A_221 : memref<10000x128xf32, #tpu.memory_space<hbm>>) target(%arg9 : memref<128x128xf32, #tpu.memory_space<vmem>>) offsets(%dma_start3A_218 : memref<128xi32, #tpu.memory_space<vmem>>) semaphore(%arg12 : memref<!tpu.dma_semaphore, #tpu.memory_space<semaphore_mem>>)
      %dma_wait3A_222 = arith.constant 6 : i32
      %dma_wait3A_223 = arith.constant 0 : i32
      %dma_wait3A_224 = tpu.memref_slice %arg6[%dma_wait3A_222, %dma_wait3A_223] : memref<8x128xi32, #tpu.memory_space<vmem>> -> memref<1x128xi32, #tpu.memory_space<vmem>>
      %dma_wait3A_225 = tpu.memref_squeeze %dma_wait3A_224 : memref<1x128xi32, #tpu.memory_space<vmem>> -> memref<128xi32, #tpu.memory_space<vmem>>
      %dma_wait3A_226 = arith.constant 0 : i32
      %dma_wait3A_227 = arith.constant 0 : i32
      %dma_wait3A_228 = tpu.memref_slice %arg2[%dma_wait3A_226, %dma_wait3A_227] : memref<10000x128xf32, #tpu.memory_space<hbm>> -> memref<10000x128xf32, #tpu.memory_space<hbm>>
      tpu.wait_indirect_dma semaphore(%arg11 : memref<!tpu.dma_semaphore, #tpu.memory_space<semaphore_mem>>) src(%dma_wait3A_228 : memref<10000x128xf32, #tpu.memory_space<hbm>>) dst(%arg8 : memref<128x128xf32, #tpu.memory_space<vmem>>)
      %mul3A_229 = arith.constant 8 : i32
      %mul3A_230 = arith.muli %scan3A_26, %mul3A_229 : i32
      %add3A_231 = arith.constant 6 : i32
      %add3A_232 = arith.addi %mul3A_230, %add3A_231 : i32
      %dma_start3A_233 = arith.constant 0 : i32
      %dma_start3A_234 = tpu.memref_slice %arg7[%add3A_232, %dma_start3A_233] : memref<80x128xi32, #tpu.memory_space<vmem>> -> memref<1x128xi32, #tpu.memory_space<vmem>>
      %dma_start3A_235 = tpu.memref_squeeze %dma_start3A_234 : memref<1x128xi32, #tpu.memory_space<vmem>> -> memref<128xi32, #tpu.memory_space<vmem>>
      %dma_start3A_236 = arith.constant 0 : i32
      %dma_start3A_237 = arith.constant 0 : i32
      %dma_start3A_238 = tpu.memref_slice %arg10[%dma_start3A_236, %dma_start3A_237] : memref<10240x128xf32, #tpu.memory_space<vmem_shared>> -> memref<10240x128xf32, #tpu.memory_space<vmem_shared>>
      tpu.enqueue_indirect_dma source(%arg8 : memref<128x128xf32, #tpu.memory_space<vmem>>) target(%dma_start3A_238 : memref<10240x128xf32, #tpu.memory_space<vmem_shared>>) offsets(%dma_start3A_235 : memref<128xi32, #tpu.memory_space<vmem>>) semaphore(%arg13 : memref<!tpu.dma_semaphore, #tpu.memory_space<semaphore_mem>>) {add = true}
      %dma_wait3A_239 = arith.constant 7 : i32
      %dma_wait3A_240 = arith.constant 0 : i32
      %dma_wait3A_241 = tpu.memref_slice %arg6[%dma_wait3A_239, %dma_wait3A_240] : memref<8x128xi32, #tpu.memory_space<vmem>> -> memref<1x128xi32, #tpu.memory_space<vmem>>
      %dma_wait3A_242 = tpu.memref_squeeze %dma_wait3A_241 : memref<1x128xi32, #tpu.memory_space<vmem>> -> memref<128xi32, #tpu.memory_space<vmem>>
      %dma_wait3A_243 = arith.constant 0 : i32
      %dma_wait3A_244 = arith.constant 0 : i32
      %dma_wait3A_245 = tpu.memref_slice %arg2[%dma_wait3A_243, %dma_wait3A_244] : memref<10000x128xf32, #tpu.memory_space<hbm>> -> memref<10000x128xf32, #tpu.memory_space<hbm>>
      tpu.wait_indirect_dma semaphore(%arg12 : memref<!tpu.dma_semaphore, #tpu.memory_space<semaphore_mem>>) src(%dma_wait3A_245 : memref<10000x128xf32, #tpu.memory_space<hbm>>) dst(%arg9 : memref<128x128xf32, #tpu.memory_space<vmem>>)
      %mul3A_246 = arith.constant 8 : i32
      %mul3A_247 = arith.muli %scan3A_26, %mul3A_246 : i32
      %add3A_248 = arith.constant 7 : i32
      %add3A_249 = arith.addi %mul3A_247, %add3A_248 : i32
      %dma_start3A_250 = arith.constant 0 : i32
      %dma_start3A_251 = tpu.memref_slice %arg7[%add3A_249, %dma_start3A_250] : memref<80x128xi32, #tpu.memory_space<vmem>> -> memref<1x128xi32, #tpu.memory_space<vmem>>
      %dma_start3A_252 = tpu.memref_squeeze %dma_start3A_251 : memref<1x128xi32, #tpu.memory_space<vmem>> -> memref<128xi32, #tpu.memory_space<vmem>>
      %dma_start3A_253 = arith.constant 0 : i32
      %dma_start3A_254 = arith.constant 0 : i32
      %dma_start3A_255 = tpu.memref_slice %arg10[%dma_start3A_253, %dma_start3A_254] : memref<10240x128xf32, #tpu.memory_space<vmem_shared>> -> memref<10240x128xf32, #tpu.memory_space<vmem_shared>>
      tpu.enqueue_indirect_dma source(%arg9 : memref<128x128xf32, #tpu.memory_space<vmem>>) target(%dma_start3A_255 : memref<10240x128xf32, #tpu.memory_space<vmem_shared>>) offsets(%dma_start3A_252 : memref<128xi32, #tpu.memory_space<vmem>>) semaphore(%arg14 : memref<!tpu.dma_semaphore, #tpu.memory_space<semaphore_mem>>) {add = true}
      %dma_wait3A_256 = arith.constant 0 : i32
      %dma_wait3A_257 = tpu.memref_slice %arg7[%add3A_232, %dma_wait3A_256] : memref<80x128xi32, #tpu.memory_space<vmem>> -> memref<1x128xi32, #tpu.memory_space<vmem>>
      %dma_wait3A_258 = tpu.memref_squeeze %dma_wait3A_257 : memref<1x128xi32, #tpu.memory_space<vmem>> -> memref<128xi32, #tpu.memory_space<vmem>>
      %dma_wait3A_259 = arith.constant 0 : i32
      %dma_wait3A_260 = arith.constant 0 : i32
      %dma_wait3A_261 = tpu.memref_slice %arg10[%dma_wait3A_259, %dma_wait3A_260] : memref<10240x128xf32, #tpu.memory_space<vmem_shared>> -> memref<10240x128xf32, #tpu.memory_space<vmem_shared>>
      tpu.wait_indirect_dma semaphore(%arg13 : memref<!tpu.dma_semaphore, #tpu.memory_space<semaphore_mem>>) src(%arg8 : memref<128x128xf32, #tpu.memory_space<vmem>>) dst(%dma_wait3A_261 : memref<10240x128xf32, #tpu.memory_space<vmem_shared>>)
      %dma_wait3A_262 = arith.constant 0 : i32
      %dma_wait3A_263 = tpu.memref_slice %arg7[%add3A_249, %dma_wait3A_262] : memref<80x128xi32, #tpu.memory_space<vmem>> -> memref<1x128xi32, #tpu.memory_space<vmem>>
      %dma_wait3A_264 = tpu.memref_squeeze %dma_wait3A_263 : memref<1x128xi32, #tpu.memory_space<vmem>> -> memref<128xi32, #tpu.memory_space<vmem>>
      %dma_wait3A_265 = arith.constant 0 : i32
      %dma_wait3A_266 = arith.constant 0 : i32
      %dma_wait3A_267 = tpu.memref_slice %arg10[%dma_wait3A_265, %dma_wait3A_266] : memref<10240x128xf32, #tpu.memory_space<vmem_shared>> -> memref<10240x128xf32, #tpu.memory_space<vmem_shared>>
      tpu.wait_indirect_dma semaphore(%arg14 : memref<!tpu.dma_semaphore, #tpu.memory_space<semaphore_mem>>) src(%arg9 : memref<128x128xf32, #tpu.memory_space<vmem>>) dst(%dma_wait3A_267 : memref<10240x128xf32, #tpu.memory_space<vmem_shared>>)
      %scan3A_268 = arith.constant 0 : i32
      scf.yield %scan3A_268 : i32
    }
    %scan3A_20 = arith.constant 10 : i32
    %barrier3A_21 = arith.constant 0 : index
    tpu.barrier barrier_id(%barrier3A_21)
    %mul3A_22 = arith.constant 640 : i32
    %mul3A_23 = arith.muli %arg1, %mul3A_22 : i32
    %mul3A_24 = arith.constant 640 : i32
    %mul3A_25 = arith.muli %arg1, %mul3A_24 : i32
    "tpu.region"() ({
      %run_scoped3A = tpu.sem_alloc : memref<!tpu.dma_semaphore, #tpu.memory_space<semaphore_mem>>
      %dma_start3A = arith.constant 0 : i32
      %dma_start3A_26 = tpu.memref_slice %arg5[%arg0, %mul3A_25, %dma_start3A] : memref<2x10240x128xf32, #tpu.memory_space<hbm>> -> memref<1x640x128xf32, #tpu.memory_space<hbm>>
      %dma_start3A_27 = tpu.memref_squeeze %dma_start3A_26 : memref<1x640x128xf32, #tpu.memory_space<hbm>> -> memref<640x128xf32, #tpu.memory_space<hbm>>
      %dma_start3A_28 = arith.constant 0 : i32
      %dma_start3A_29 = tpu.memref_slice %arg10[%mul3A_23, %dma_start3A_28] : memref<10240x128xf32, #tpu.memory_space<vmem_shared>> -> memref<640x128xf32, #tpu.memory_space<vmem_shared>>
      tpu.enqueue_dma source(%dma_start3A_29 : memref<640x128xf32, #tpu.memory_space<vmem_shared>>) target(%dma_start3A_27 : memref<640x128xf32, #tpu.memory_space<hbm>>) target_semaphore(%run_scoped3A : memref<!tpu.dma_semaphore, #tpu.memory_space<semaphore_mem>>)
      %dma_wait3A = arith.constant 0 : i32
      %dma_wait3A_30 = tpu.memref_slice %arg5[%arg0, %mul3A_25, %dma_wait3A] : memref<2x10240x128xf32, #tpu.memory_space<hbm>> -> memref<1x640x128xf32, #tpu.memory_space<hbm>>
      %dma_wait3A_31 = tpu.memref_squeeze %dma_wait3A_30 : memref<1x640x128xf32, #tpu.memory_space<hbm>> -> memref<640x128xf32, #tpu.memory_space<hbm>>
      %dma_wait3A_32 = arith.constant 0 : i32
      %dma_wait3A_33 = tpu.memref_slice %arg10[%mul3A_23, %dma_wait3A_32] : memref<10240x128xf32, #tpu.memory_space<vmem_shared>> -> memref<640x128xf32, #tpu.memory_space<vmem_shared>>
      tpu.wait_dma2 semaphore(%run_scoped3A : memref<!tpu.dma_semaphore, #tpu.memory_space<semaphore_mem>>) src(%dma_wait3A_33 : memref<640x128xf32, #tpu.memory_space<vmem_shared>>) dst(%dma_wait3A_31 : memref<640x128xf32, #tpu.memory_space<hbm>>)
      tpu.yield
    }) : () -> ()
    return
  }
}

#map = affine_map<(d0, d1) -> (0, 0, 0)>
module attributes {stable_mosaic.version = 14 : i64} {
  func.func @_deg_body(%arg0: i32, %arg1: i32, %arg2: memref<32x80x128xi32, #tpu.memory_space<hbm>>, %arg3: memref<2x10240x16xf32, #tpu.memory_space<hbm>>, %arg4: memref<80x128xi32, #tpu.memory_space<vmem>>, %arg5: memref<128x16xf32, #tpu.memory_space<vmem>>, %arg6: memref<32x16xf32, #tpu.memory_space<vmem>>, %arg7: memref<10240x16xf32, #tpu.memory_space<vmem_shared>>, %arg8: memref<!tpu.dma_semaphore, #tpu.memory_space<semaphore_mem>>, %arg9: memref<!tpu.dma_semaphore, #tpu.memory_space<semaphore_mem>>) attributes {dimension_semantics = [#tpu.dimension_semantics<core_parallel>, #tpu.dimension_semantics<subcore_parallel>], iteration_bounds = array<i64: 2, 16>, scalar_prefetch = 0 : i64, scratch_operands = 6 : i64, tpu.core_type = #tpu.core_type<sc_vector_subcore>, window_params = [{transform_indices = #map}, {transform_indices = #map}]} {
    %mul3A = arith.constant 2 : i32
    %mul3A_0 = arith.muli %arg1, %mul3A : i32
    %add3A = arith.addi %mul3A_0, %arg0 : i32
    "tpu.region"() ({
      %run_scoped3A = tpu.sem_alloc : memref<!tpu.dma_semaphore, #tpu.memory_space<semaphore_mem>>
      %dma_start3A = arith.constant 0 : i32
      %dma_start3A_33 = arith.constant 0 : i32
      %dma_start3A_34 = tpu.memref_slice %arg2[%add3A, %dma_start3A, %dma_start3A_33] : memref<32x80x128xi32, #tpu.memory_space<hbm>> -> memref<1x80x128xi32, #tpu.memory_space<hbm>>
      %dma_start3A_35 = tpu.memref_squeeze %dma_start3A_34 : memref<1x80x128xi32, #tpu.memory_space<hbm>> -> memref<80x128xi32, #tpu.memory_space<hbm>>
      %dma_start3A_36 = arith.constant 0 : i32
      %dma_start3A_37 = arith.constant 0 : i32
      %dma_start3A_38 = tpu.memref_slice %arg2[%add3A, %dma_start3A_36, %dma_start3A_37] : memref<32x80x128xi32, #tpu.memory_space<hbm>> -> memref<1x80x128xi32, #tpu.memory_space<hbm>>
      %dma_start3A_39 = tpu.memref_squeeze %dma_start3A_38 : memref<1x80x128xi32, #tpu.memory_space<hbm>> -> memref<80x128xi32, #tpu.memory_space<hbm>>
      tpu.enqueue_dma source(%dma_start3A_39 : memref<80x128xi32, #tpu.memory_space<hbm>>) target(%arg4 : memref<80x128xi32, #tpu.memory_space<vmem>>) target_semaphore(%run_scoped3A : memref<!tpu.dma_semaphore, #tpu.memory_space<semaphore_mem>>)
      %dma_wait3A = arith.constant 0 : i32
      %dma_wait3A_40 = arith.constant 0 : i32
      %dma_wait3A_41 = tpu.memref_slice %arg2[%add3A, %dma_wait3A, %dma_wait3A_40] : memref<32x80x128xi32, #tpu.memory_space<hbm>> -> memref<1x80x128xi32, #tpu.memory_space<hbm>>
      %dma_wait3A_42 = tpu.memref_squeeze %dma_wait3A_41 : memref<1x80x128xi32, #tpu.memory_space<hbm>> -> memref<80x128xi32, #tpu.memory_space<hbm>>
      %dma_wait3A_43 = arith.constant 0 : i32
      %dma_wait3A_44 = arith.constant 0 : i32
      %dma_wait3A_45 = tpu.memref_slice %arg2[%add3A, %dma_wait3A_43, %dma_wait3A_44] : memref<32x80x128xi32, #tpu.memory_space<hbm>> -> memref<1x80x128xi32, #tpu.memory_space<hbm>>
      %dma_wait3A_46 = tpu.memref_squeeze %dma_wait3A_45 : memref<1x80x128xi32, #tpu.memory_space<hbm>> -> memref<80x128xi32, #tpu.memory_space<hbm>>
      tpu.wait_dma2 semaphore(%run_scoped3A : memref<!tpu.dma_semaphore, #tpu.memory_space<semaphore_mem>>) src(%dma_wait3A_46 : memref<80x128xi32, #tpu.memory_space<hbm>>) dst(%arg4 : memref<80x128xi32, #tpu.memory_space<vmem>>)
      tpu.yield
    }) : () -> ()
    %scan3A = arith.constant 0 : i32
    %scan3A_1 = arith.constant 0 : i32
    %scan3A_2 = arith.constant 128 : i32
    %scan3A_3 = arith.addi %scan3A_1, %scan3A_2 : i32
    %scan3A_4 = arith.constant 1 : i32
    %scan3A_5 = scf.for %scan3A_33 = %scan3A_1 to %scan3A_3 step %scan3A_4 iter_args(%scan3A_34 = %scan3A) -> (i32)  : i32 {
      %broadcast_in_dim3A = arith.constant 1.000000e+00 : f32
      %broadcast_in_dim3A_35 = vector.broadcast %broadcast_in_dim3A : f32 to vector<16xf32>
      %swap3A = arith.index_cast %scan3A_33 : i32 to index
      %swap3A_36 = arith.constant 0 : index
      %swap3A_37 = tpu.vector_load %arg5[%swap3A, %swap3A_36] {strides = array<i32>} : memref<128x16xf32, #tpu.memory_space<vmem>>, vector<1x16xf32>,
      %swap3A_38 = vector.shape_cast %swap3A_37 : vector<1x16xf32> to vector<16xf32>
      %swap3A_39 = vector.shape_cast %broadcast_in_dim3A_35 : vector<16xf32> to vector<1x16xf32>
      tpu.vector_store %arg5[%swap3A, %swap3A_36], %swap3A_39 {strides = array<i32>} : memref<128x16xf32, #tpu.memory_space<vmem>>, vector<1x16xf32>,
      %scan3A_40 = arith.constant 0 : i32
      scf.yield %scan3A_40 : i32
    }
    %scan3A_6 = arith.constant 128 : i32
    %scan3A_7 = arith.constant 0 : i32
    %scan3A_8 = arith.constant 0 : i32
    %scan3A_9 = arith.constant 32 : i32
    %scan3A_10 = arith.addi %scan3A_8, %scan3A_9 : i32
    %scan3A_11 = arith.constant 1 : i32
    %scan3A_12 = scf.for %scan3A_33 = %scan3A_8 to %scan3A_10 step %scan3A_11 iter_args(%scan3A_34 = %scan3A_7) -> (i32)  : i32 {
      %broadcast_in_dim3A = arith.constant 0.000000e+00 : f32
      %broadcast_in_dim3A_35 = vector.broadcast %broadcast_in_dim3A : f32 to vector<16xf32>
      %swap3A = arith.index_cast %scan3A_33 : i32 to index
      %swap3A_36 = arith.constant 0 : index
      %swap3A_37 = tpu.vector_load %arg6[%swap3A, %swap3A_36] {strides = array<i32>} : memref<32x16xf32, #tpu.memory_space<vmem>>, vector<1x16xf32>,
      %swap3A_38 = vector.shape_cast %swap3A_37 : vector<1x16xf32> to vector<16xf32>
      %swap3A_39 = vector.shape_cast %broadcast_in_dim3A_35 : vector<16xf32> to vector<1x16xf32>
      tpu.vector_store %arg6[%swap3A, %swap3A_36], %swap3A_39 {strides = array<i32>} : memref<32x16xf32, #tpu.memory_space<vmem>>, vector<1x16xf32>,
      %scan3A_40 = arith.constant 0 : i32
      scf.yield %scan3A_40 : i32
    }
    %scan3A_13 = arith.constant 32 : i32
    %scan3A_14 = arith.constant 0 : i32
    %scan3A_15 = arith.constant 0 : i32
    %scan3A_16 = arith.constant 20 : i32
    %scan3A_17 = arith.addi %scan3A_15, %scan3A_16 : i32
    %scan3A_18 = arith.constant 1 : i32
    %scan3A_19 = scf.for %scan3A_33 = %scan3A_15 to %scan3A_17 step %scan3A_18 iter_args(%scan3A_34 = %scan3A_14) -> (i32)  : i32 {
      %mul3A_35 = arith.constant 640 : i32
      %mul3A_36 = arith.muli %arg1, %mul3A_35 : i32
      %mul3A_37 = arith.constant 32 : i32
      %mul3A_38 = arith.muli %scan3A_33, %mul3A_37 : i32
      %add3A_39 = arith.addi %mul3A_36, %mul3A_38 : i32
      "tpu.region"() ({
        %run_scoped3A = tpu.sem_alloc : memref<!tpu.dma_semaphore, #tpu.memory_space<semaphore_mem>>
        %dma_start3A = arith.constant 0 : i32
        %dma_start3A_41 = tpu.memref_slice %arg7[%add3A_39, %dma_start3A] : memref<10240x16xf32, #tpu.memory_space<vmem_shared>> -> memref<32x16xf32, #tpu.memory_space<vmem_shared>>
        %dma_start3A_42 = arith.constant 0 : i32
        %dma_start3A_43 = tpu.memref_slice %arg7[%add3A_39, %dma_start3A_42] : memref<10240x16xf32, #tpu.memory_space<vmem_shared>> -> memref<32x16xf32, #tpu.memory_space<vmem_shared>>
        tpu.enqueue_dma source(%arg6 : memref<32x16xf32, #tpu.memory_space<vmem>>) target(%dma_start3A_43 : memref<32x16xf32, #tpu.memory_space<vmem_shared>>) target_semaphore(%run_scoped3A : memref<!tpu.dma_semaphore, #tpu.memory_space<semaphore_mem>>)
        %dma_wait3A = arith.constant 0 : i32
        %dma_wait3A_44 = tpu.memref_slice %arg7[%add3A_39, %dma_wait3A] : memref<10240x16xf32, #tpu.memory_space<vmem_shared>> -> memref<32x16xf32, #tpu.memory_space<vmem_shared>>
        %dma_wait3A_45 = arith.constant 0 : i32
        %dma_wait3A_46 = tpu.memref_slice %arg7[%add3A_39, %dma_wait3A_45] : memref<10240x16xf32, #tpu.memory_space<vmem_shared>> -> memref<32x16xf32, #tpu.memory_space<vmem_shared>>
        tpu.wait_dma2 semaphore(%run_scoped3A : memref<!tpu.dma_semaphore, #tpu.memory_space<semaphore_mem>>) src(%arg6 : memref<32x16xf32, #tpu.memory_space<vmem>>) dst(%dma_wait3A_46 : memref<32x16xf32, #tpu.memory_space<vmem_shared>>)
        tpu.yield
      }) : () -> ()
      %scan3A_40 = arith.constant 0 : i32
      scf.yield %scan3A_40 : i32
    }
    %scan3A_20 = arith.constant 20 : i32
    %barrier3A = arith.constant 0 : index
    tpu.barrier barrier_id(%barrier3A)
    %scan3A_21 = arith.constant 0 : i32
    %scan3A_22 = arith.constant 0 : i32
    %scan3A_23 = arith.constant 10 : i32
    %scan3A_24 = arith.addi %scan3A_22, %scan3A_23 : i32
    %scan3A_25 = arith.constant 1 : i32
    %scan3A_26 = scf.for %scan3A_33 = %scan3A_22 to %scan3A_24 step %scan3A_25 iter_args(%scan3A_34 = %scan3A_21) -> (i32)  : i32 {
      %mul3A_35 = arith.constant 8 : i32
      %mul3A_36 = arith.muli %scan3A_33, %mul3A_35 : i32
      %add3A_37 = arith.constant 0 : i32
      %add3A_38 = arith.addi %mul3A_36, %add3A_37 : i32
      %dma_start3A = arith.constant 0 : i32
      %dma_start3A_39 = tpu.memref_slice %arg4[%add3A_38, %dma_start3A] : memref<80x128xi32, #tpu.memory_space<vmem>> -> memref<1x128xi32, #tpu.memory_space<vmem>>
      %dma_start3A_40 = tpu.memref_squeeze %dma_start3A_39 : memref<1x128xi32, #tpu.memory_space<vmem>> -> memref<128xi32, #tpu.memory_space<vmem>>
      %dma_start3A_41 = arith.constant 0 : i32
      %dma_start3A_42 = arith.constant 0 : i32
      %dma_start3A_43 = tpu.memref_slice %arg7[%dma_start3A_41, %dma_start3A_42] : memref<10240x16xf32, #tpu.memory_space<vmem_shared>> -> memref<10240x16xf32, #tpu.memory_space<vmem_shared>>
      tpu.enqueue_indirect_dma source(%arg5 : memref<128x16xf32, #tpu.memory_space<vmem>>) target(%dma_start3A_43 : memref<10240x16xf32, #tpu.memory_space<vmem_shared>>) offsets(%dma_start3A_40 : memref<128xi32, #tpu.memory_space<vmem>>) semaphore(%arg8 : memref<!tpu.dma_semaphore, #tpu.memory_space<semaphore_mem>>) {add = true}
      %mul3A_44 = arith.constant 8 : i32
      %mul3A_45 = arith.muli %scan3A_33, %mul3A_44 : i32
      %add3A_46 = arith.constant 1 : i32
      %add3A_47 = arith.addi %mul3A_45, %add3A_46 : i32
      %dma_start3A_48 = arith.constant 0 : i32
      %dma_start3A_49 = tpu.memref_slice %arg4[%add3A_47, %dma_start3A_48] : memref<80x128xi32, #tpu.memory_space<vmem>> -> memref<1x128xi32, #tpu.memory_space<vmem>>
      %dma_start3A_50 = tpu.memref_squeeze %dma_start3A_49 : memref<1x128xi32, #tpu.memory_space<vmem>> -> memref<128xi32, #tpu.memory_space<vmem>>
      %dma_start3A_51 = arith.constant 0 : i32
      %dma_start3A_52 = arith.constant 0 : i32
      %dma_start3A_53 = tpu.memref_slice %arg7[%dma_start3A_51, %dma_start3A_52] : memref<10240x16xf32, #tpu.memory_space<vmem_shared>> -> memref<10240x16xf32, #tpu.memory_space<vmem_shared>>
      tpu.enqueue_indirect_dma source(%arg5 : memref<128x16xf32, #tpu.memory_space<vmem>>) target(%dma_start3A_53 : memref<10240x16xf32, #tpu.memory_space<vmem_shared>>) offsets(%dma_start3A_50 : memref<128xi32, #tpu.memory_space<vmem>>) semaphore(%arg9 : memref<!tpu.dma_semaphore, #tpu.memory_space<semaphore_mem>>) {add = true}
      %dma_wait3A = arith.constant 0 : i32
      %dma_wait3A_54 = tpu.memref_slice %arg4[%add3A_38, %dma_wait3A] : memref<80x128xi32, #tpu.memory_space<vmem>> -> memref<1x128xi32, #tpu.memory_space<vmem>>
      %dma_wait3A_55 = tpu.memref_squeeze %dma_wait3A_54 : memref<1x128xi32, #tpu.memory_space<vmem>> -> memref<128xi32, #tpu.memory_space<vmem>>
      %dma_wait3A_56 = arith.constant 0 : i32
      %dma_wait3A_57 = arith.constant 0 : i32
      %dma_wait3A_58 = tpu.memref_slice %arg7[%dma_wait3A_56, %dma_wait3A_57] : memref<10240x16xf32, #tpu.memory_space<vmem_shared>> -> memref<10240x16xf32, #tpu.memory_space<vmem_shared>>
      tpu.wait_indirect_dma semaphore(%arg8 : memref<!tpu.dma_semaphore, #tpu.memory_space<semaphore_mem>>) src(%arg5 : memref<128x16xf32, #tpu.memory_space<vmem>>) dst(%dma_wait3A_58 : memref<10240x16xf32, #tpu.memory_space<vmem_shared>>)
      %mul3A_59 = arith.constant 8 : i32
      %mul3A_60 = arith.muli %scan3A_33, %mul3A_59 : i32
      %add3A_61 = arith.constant 2 : i32
      %add3A_62 = arith.addi %mul3A_60, %add3A_61 : i32
      %dma_start3A_63 = arith.constant 0 : i32
      %dma_start3A_64 = tpu.memref_slice %arg4[%add3A_62, %dma_start3A_63] : memref<80x128xi32, #tpu.memory_space<vmem>> -> memref<1x128xi32, #tpu.memory_space<vmem>>
      %dma_start3A_65 = tpu.memref_squeeze %dma_start3A_64 : memref<1x128xi32, #tpu.memory_space<vmem>> -> memref<128xi32, #tpu.memory_space<vmem>>
      %dma_start3A_66 = arith.constant 0 : i32
      %dma_start3A_67 = arith.constant 0 : i32
      %dma_start3A_68 = tpu.memref_slice %arg7[%dma_start3A_66, %dma_start3A_67] : memref<10240x16xf32, #tpu.memory_space<vmem_shared>> -> memref<10240x16xf32, #tpu.memory_space<vmem_shared>>
      tpu.enqueue_indirect_dma source(%arg5 : memref<128x16xf32, #tpu.memory_space<vmem>>) target(%dma_start3A_68 : memref<10240x16xf32, #tpu.memory_space<vmem_shared>>) offsets(%dma_start3A_65 : memref<128xi32, #tpu.memory_space<vmem>>) semaphore(%arg8 : memref<!tpu.dma_semaphore, #tpu.memory_space<semaphore_mem>>) {add = true}
      %dma_wait3A_69 = arith.constant 0 : i32
      %dma_wait3A_70 = tpu.memref_slice %arg4[%add3A_47, %dma_wait3A_69] : memref<80x128xi32, #tpu.memory_space<vmem>> -> memref<1x128xi32, #tpu.memory_space<vmem>>
      %dma_wait3A_71 = tpu.memref_squeeze %dma_wait3A_70 : memref<1x128xi32, #tpu.memory_space<vmem>> -> memref<128xi32, #tpu.memory_space<vmem>>
      %dma_wait3A_72 = arith.constant 0 : i32
      %dma_wait3A_73 = arith.constant 0 : i32
      %dma_wait3A_74 = tpu.memref_slice %arg7[%dma_wait3A_72, %dma_wait3A_73] : memref<10240x16xf32, #tpu.memory_space<vmem_shared>> -> memref<10240x16xf32, #tpu.memory_space<vmem_shared>>
      tpu.wait_indirect_dma semaphore(%arg9 : memref<!tpu.dma_semaphore, #tpu.memory_space<semaphore_mem>>) src(%arg5 : memref<128x16xf32, #tpu.memory_space<vmem>>) dst(%dma_wait3A_74 : memref<10240x16xf32, #tpu.memory_space<vmem_shared>>)
      %mul3A_75 = arith.constant 8 : i32
      %mul3A_76 = arith.muli %scan3A_33, %mul3A_75 : i32
      %add3A_77 = arith.constant 3 : i32
      %add3A_78 = arith.addi %mul3A_76, %add3A_77 : i32
      %dma_start3A_79 = arith.constant 0 : i32
      %dma_start3A_80 = tpu.memref_slice %arg4[%add3A_78, %dma_start3A_79] : memref<80x128xi32, #tpu.memory_space<vmem>> -> memref<1x128xi32, #tpu.memory_space<vmem>>
      %dma_start3A_81 = tpu.memref_squeeze %dma_start3A_80 : memref<1x128xi32, #tpu.memory_space<vmem>> -> memref<128xi32, #tpu.memory_space<vmem>>
      %dma_start3A_82 = arith.constant 0 : i32
      %dma_start3A_83 = arith.constant 0 : i32
      %dma_start3A_84 = tpu.memref_slice %arg7[%dma_start3A_82, %dma_start3A_83] : memref<10240x16xf32, #tpu.memory_space<vmem_shared>> -> memref<10240x16xf32, #tpu.memory_space<vmem_shared>>
      tpu.enqueue_indirect_dma source(%arg5 : memref<128x16xf32, #tpu.memory_space<vmem>>) target(%dma_start3A_84 : memref<10240x16xf32, #tpu.memory_space<vmem_shared>>) offsets(%dma_start3A_81 : memref<128xi32, #tpu.memory_space<vmem>>) semaphore(%arg9 : memref<!tpu.dma_semaphore, #tpu.memory_space<semaphore_mem>>) {add = true}
      %dma_wait3A_85 = arith.constant 0 : i32
      %dma_wait3A_86 = tpu.memref_slice %arg4[%add3A_62, %dma_wait3A_85] : memref<80x128xi32, #tpu.memory_space<vmem>> -> memref<1x128xi32, #tpu.memory_space<vmem>>
      %dma_wait3A_87 = tpu.memref_squeeze %dma_wait3A_86 : memref<1x128xi32, #tpu.memory_space<vmem>> -> memref<128xi32, #tpu.memory_space<vmem>>
      %dma_wait3A_88 = arith.constant 0 : i32
      %dma_wait3A_89 = arith.constant 0 : i32
      %dma_wait3A_90 = tpu.memref_slice %arg7[%dma_wait3A_88, %dma_wait3A_89] : memref<10240x16xf32, #tpu.memory_space<vmem_shared>> -> memref<10240x16xf32, #tpu.memory_space<vmem_shared>>
      tpu.wait_indirect_dma semaphore(%arg8 : memref<!tpu.dma_semaphore, #tpu.memory_space<semaphore_mem>>) src(%arg5 : memref<128x16xf32, #tpu.memory_space<vmem>>) dst(%dma_wait3A_90 : memref<10240x16xf32, #tpu.memory_space<vmem_shared>>)
      %mul3A_91 = arith.constant 8 : i32
      %mul3A_92 = arith.muli %scan3A_33, %mul3A_91 : i32
      %add3A_93 = arith.constant 4 : i32
      %add3A_94 = arith.addi %mul3A_92, %add3A_93 : i32
      %dma_start3A_95 = arith.constant 0 : i32
      %dma_start3A_96 = tpu.memref_slice %arg4[%add3A_94, %dma_start3A_95] : memref<80x128xi32, #tpu.memory_space<vmem>> -> memref<1x128xi32, #tpu.memory_space<vmem>>
      %dma_start3A_97 = tpu.memref_squeeze %dma_start3A_96 : memref<1x128xi32, #tpu.memory_space<vmem>> -> memref<128xi32, #tpu.memory_space<vmem>>
      %dma_start3A_98 = arith.constant 0 : i32
      %dma_start3A_99 = arith.constant 0 : i32
      %dma_start3A_100 = tpu.memref_slice %arg7[%dma_start3A_98, %dma_start3A_99] : memref<10240x16xf32, #tpu.memory_space<vmem_shared>> -> memref<10240x16xf32, #tpu.memory_space<vmem_shared>>
      tpu.enqueue_indirect_dma source(%arg5 : memref<128x16xf32, #tpu.memory_space<vmem>>) target(%dma_start3A_100 : memref<10240x16xf32, #tpu.memory_space<vmem_shared>>) offsets(%dma_start3A_97 : memref<128xi32, #tpu.memory_space<vmem>>) semaphore(%arg8 : memref<!tpu.dma_semaphore, #tpu.memory_space<semaphore_mem>>) {add = true}
      %dma_wait3A_101 = arith.constant 0 : i32
      %dma_wait3A_102 = tpu.memref_slice %arg4[%add3A_78, %dma_wait3A_101] : memref<80x128xi32, #tpu.memory_space<vmem>> -> memref<1x128xi32, #tpu.memory_space<vmem>>
      %dma_wait3A_103 = tpu.memref_squeeze %dma_wait3A_102 : memref<1x128xi32, #tpu.memory_space<vmem>> -> memref<128xi32, #tpu.memory_space<vmem>>
      %dma_wait3A_104 = arith.constant 0 : i32
      %dma_wait3A_105 = arith.constant 0 : i32
      %dma_wait3A_106 = tpu.memref_slice %arg7[%dma_wait3A_104, %dma_wait3A_105] : memref<10240x16xf32, #tpu.memory_space<vmem_shared>> -> memref<10240x16xf32, #tpu.memory_space<vmem_shared>>
      tpu.wait_indirect_dma semaphore(%arg9 : memref<!tpu.dma_semaphore, #tpu.memory_space<semaphore_mem>>) src(%arg5 : memref<128x16xf32, #tpu.memory_space<vmem>>) dst(%dma_wait3A_106 : memref<10240x16xf32, #tpu.memory_space<vmem_shared>>)
      %mul3A_107 = arith.constant 8 : i32
      %mul3A_108 = arith.muli %scan3A_33, %mul3A_107 : i32
      %add3A_109 = arith.constant 5 : i32
      %add3A_110 = arith.addi %mul3A_108, %add3A_109 : i32
      %dma_start3A_111 = arith.constant 0 : i32
      %dma_start3A_112 = tpu.memref_slice %arg4[%add3A_110, %dma_start3A_111] : memref<80x128xi32, #tpu.memory_space<vmem>> -> memref<1x128xi32, #tpu.memory_space<vmem>>
      %dma_start3A_113 = tpu.memref_squeeze %dma_start3A_112 : memref<1x128xi32, #tpu.memory_space<vmem>> -> memref<128xi32, #tpu.memory_space<vmem>>
      %dma_start3A_114 = arith.constant 0 : i32
      %dma_start3A_115 = arith.constant 0 : i32
      %dma_start3A_116 = tpu.memref_slice %arg7[%dma_start3A_114, %dma_start3A_115] : memref<10240x16xf32, #tpu.memory_space<vmem_shared>> -> memref<10240x16xf32, #tpu.memory_space<vmem_shared>>
      tpu.enqueue_indirect_dma source(%arg5 : memref<128x16xf32, #tpu.memory_space<vmem>>) target(%dma_start3A_116 : memref<10240x16xf32, #tpu.memory_space<vmem_shared>>) offsets(%dma_start3A_113 : memref<128xi32, #tpu.memory_space<vmem>>) semaphore(%arg9 : memref<!tpu.dma_semaphore, #tpu.memory_space<semaphore_mem>>) {add = true}
      %dma_wait3A_117 = arith.constant 0 : i32
      %dma_wait3A_118 = tpu.memref_slice %arg4[%add3A_94, %dma_wait3A_117] : memref<80x128xi32, #tpu.memory_space<vmem>> -> memref<1x128xi32, #tpu.memory_space<vmem>>
      %dma_wait3A_119 = tpu.memref_squeeze %dma_wait3A_118 : memref<1x128xi32, #tpu.memory_space<vmem>> -> memref<128xi32, #tpu.memory_space<vmem>>
      %dma_wait3A_120 = arith.constant 0 : i32
      %dma_wait3A_121 = arith.constant 0 : i32
      %dma_wait3A_122 = tpu.memref_slice %arg7[%dma_wait3A_120, %dma_wait3A_121] : memref<10240x16xf32, #tpu.memory_space<vmem_shared>> -> memref<10240x16xf32, #tpu.memory_space<vmem_shared>>
      tpu.wait_indirect_dma semaphore(%arg8 : memref<!tpu.dma_semaphore, #tpu.memory_space<semaphore_mem>>) src(%arg5 : memref<128x16xf32, #tpu.memory_space<vmem>>) dst(%dma_wait3A_122 : memref<10240x16xf32, #tpu.memory_space<vmem_shared>>)
      %mul3A_123 = arith.constant 8 : i32
      %mul3A_124 = arith.muli %scan3A_33, %mul3A_123 : i32
      %add3A_125 = arith.constant 6 : i32
      %add3A_126 = arith.addi %mul3A_124, %add3A_125 : i32
      %dma_start3A_127 = arith.constant 0 : i32
      %dma_start3A_128 = tpu.memref_slice %arg4[%add3A_126, %dma_start3A_127] : memref<80x128xi32, #tpu.memory_space<vmem>> -> memref<1x128xi32, #tpu.memory_space<vmem>>
      %dma_start3A_129 = tpu.memref_squeeze %dma_start3A_128 : memref<1x128xi32, #tpu.memory_space<vmem>> -> memref<128xi32, #tpu.memory_space<vmem>>
      %dma_start3A_130 = arith.constant 0 : i32
      %dma_start3A_131 = arith.constant 0 : i32
      %dma_start3A_132 = tpu.memref_slice %arg7[%dma_start3A_130, %dma_start3A_131] : memref<10240x16xf32, #tpu.memory_space<vmem_shared>> -> memref<10240x16xf32, #tpu.memory_space<vmem_shared>>
      tpu.enqueue_indirect_dma source(%arg5 : memref<128x16xf32, #tpu.memory_space<vmem>>) target(%dma_start3A_132 : memref<10240x16xf32, #tpu.memory_space<vmem_shared>>) offsets(%dma_start3A_129 : memref<128xi32, #tpu.memory_space<vmem>>) semaphore(%arg8 : memref<!tpu.dma_semaphore, #tpu.memory_space<semaphore_mem>>) {add = true}
      %dma_wait3A_133 = arith.constant 0 : i32
      %dma_wait3A_134 = tpu.memref_slice %arg4[%add3A_110, %dma_wait3A_133] : memref<80x128xi32, #tpu.memory_space<vmem>> -> memref<1x128xi32, #tpu.memory_space<vmem>>
      %dma_wait3A_135 = tpu.memref_squeeze %dma_wait3A_134 : memref<1x128xi32, #tpu.memory_space<vmem>> -> memref<128xi32, #tpu.memory_space<vmem>>
      %dma_wait3A_136 = arith.constant 0 : i32
      %dma_wait3A_137 = arith.constant 0 : i32
      %dma_wait3A_138 = tpu.memref_slice %arg7[%dma_wait3A_136, %dma_wait3A_137] : memref<10240x16xf32, #tpu.memory_space<vmem_shared>> -> memref<10240x16xf32, #tpu.memory_space<vmem_shared>>
      tpu.wait_indirect_dma semaphore(%arg9 : memref<!tpu.dma_semaphore, #tpu.memory_space<semaphore_mem>>) src(%arg5 : memref<128x16xf32, #tpu.memory_space<vmem>>) dst(%dma_wait3A_138 : memref<10240x16xf32, #tpu.memory_space<vmem_shared>>)
      %mul3A_139 = arith.constant 8 : i32
      %mul3A_140 = arith.muli %scan3A_33, %mul3A_139 : i32
      %add3A_141 = arith.constant 7 : i32
      %add3A_142 = arith.addi %mul3A_140, %add3A_141 : i32
      %dma_start3A_143 = arith.constant 0 : i32
      %dma_start3A_144 = tpu.memref_slice %arg4[%add3A_142, %dma_start3A_143] : memref<80x128xi32, #tpu.memory_space<vmem>> -> memref<1x128xi32, #tpu.memory_space<vmem>>
      %dma_start3A_145 = tpu.memref_squeeze %dma_start3A_144 : memref<1x128xi32, #tpu.memory_space<vmem>> -> memref<128xi32, #tpu.memory_space<vmem>>
      %dma_start3A_146 = arith.constant 0 : i32
      %dma_start3A_147 = arith.constant 0 : i32
      %dma_start3A_148 = tpu.memref_slice %arg7[%dma_start3A_146, %dma_start3A_147] : memref<10240x16xf32, #tpu.memory_space<vmem_shared>> -> memref<10240x16xf32, #tpu.memory_space<vmem_shared>>
      tpu.enqueue_indirect_dma source(%arg5 : memref<128x16xf32, #tpu.memory_space<vmem>>) target(%dma_start3A_148 : memref<10240x16xf32, #tpu.memory_space<vmem_shared>>) offsets(%dma_start3A_145 : memref<128xi32, #tpu.memory_space<vmem>>) semaphore(%arg9 : memref<!tpu.dma_semaphore, #tpu.memory_space<semaphore_mem>>) {add = true}
      %dma_wait3A_149 = arith.constant 0 : i32
      %dma_wait3A_150 = tpu.memref_slice %arg4[%add3A_126, %dma_wait3A_149] : memref<80x128xi32, #tpu.memory_space<vmem>> -> memref<1x128xi32, #tpu.memory_space<vmem>>
      %dma_wait3A_151 = tpu.memref_squeeze %dma_wait3A_150 : memref<1x128xi32, #tpu.memory_space<vmem>> -> memref<128xi32, #tpu.memory_space<vmem>>
      %dma_wait3A_152 = arith.constant 0 : i32
      %dma_wait3A_153 = arith.constant 0 : i32
      %dma_wait3A_154 = tpu.memref_slice %arg7[%dma_wait3A_152, %dma_wait3A_153] : memref<10240x16xf32, #tpu.memory_space<vmem_shared>> -> memref<10240x16xf32, #tpu.memory_space<vmem_shared>>
      tpu.wait_indirect_dma semaphore(%arg8 : memref<!tpu.dma_semaphore, #tpu.memory_space<semaphore_mem>>) src(%arg5 : memref<128x16xf32, #tpu.memory_space<vmem>>) dst(%dma_wait3A_154 : memref<10240x16xf32, #tpu.memory_space<vmem_shared>>)
      %dma_wait3A_155 = arith.constant 0 : i32
      %dma_wait3A_156 = tpu.memref_slice %arg4[%add3A_142, %dma_wait3A_155] : memref<80x128xi32, #tpu.memory_space<vmem>> -> memref<1x128xi32, #tpu.memory_space<vmem>>
      %dma_wait3A_157 = tpu.memref_squeeze %dma_wait3A_156 : memref<1x128xi32, #tpu.memory_space<vmem>> -> memref<128xi32, #tpu.memory_space<vmem>>
      %dma_wait3A_158 = arith.constant 0 : i32
      %dma_wait3A_159 = arith.constant 0 : i32
      %dma_wait3A_160 = tpu.memref_slice %arg7[%dma_wait3A_158, %dma_wait3A_159] : memref<10240x16xf32, #tpu.memory_space<vmem_shared>> -> memref<10240x16xf32, #tpu.memory_space<vmem_shared>>
      tpu.wait_indirect_dma semaphore(%arg9 : memref<!tpu.dma_semaphore, #tpu.memory_space<semaphore_mem>>) src(%arg5 : memref<128x16xf32, #tpu.memory_space<vmem>>) dst(%dma_wait3A_160 : memref<10240x16xf32, #tpu.memory_space<vmem_shared>>)
      %scan3A_161 = arith.constant 0 : i32
      scf.yield %scan3A_161 : i32
    }
    %scan3A_27 = arith.constant 10 : i32
    %barrier3A_28 = arith.constant 0 : index
    tpu.barrier barrier_id(%barrier3A_28)
    %mul3A_29 = arith.constant 640 : i32
    %mul3A_30 = arith.muli %arg1, %mul3A_29 : i32
    %mul3A_31 = arith.constant 640 : i32
    %mul3A_32 = arith.muli %arg1, %mul3A_31 : i32
    "tpu.region"() ({
      %run_scoped3A = tpu.sem_alloc : memref<!tpu.dma_semaphore, #tpu.memory_space<semaphore_mem>>
      %dma_start3A = arith.constant 0 : i32
      %dma_start3A_33 = tpu.memref_slice %arg3[%arg0, %mul3A_32, %dma_start3A] : memref<2x10240x16xf32, #tpu.memory_space<hbm>> -> memref<1x640x16xf32, #tpu.memory_space<hbm>>
      %dma_start3A_34 = tpu.memref_squeeze %dma_start3A_33 : memref<1x640x16xf32, #tpu.memory_space<hbm>> -> memref<640x16xf32, #tpu.memory_space<hbm>>
      %dma_start3A_35 = arith.constant 0 : i32
      %dma_start3A_36 = tpu.memref_slice %arg7[%mul3A_30, %dma_start3A_35] : memref<10240x16xf32, #tpu.memory_space<vmem_shared>> -> memref<640x16xf32, #tpu.memory_space<vmem_shared>>
      tpu.enqueue_dma source(%dma_start3A_36 : memref<640x16xf32, #tpu.memory_space<vmem_shared>>) target(%dma_start3A_34 : memref<640x16xf32, #tpu.memory_space<hbm>>) target_semaphore(%run_scoped3A : memref<!tpu.dma_semaphore, #tpu.memory_space<semaphore_mem>>)
      %dma_wait3A = arith.constant 0 : i32
      %dma_wait3A_37 = tpu.memref_slice %arg3[%arg0, %mul3A_32, %dma_wait3A] : memref<2x10240x16xf32, #tpu.memory_space<hbm>> -> memref<1x640x16xf32, #tpu.memory_space<hbm>>
      %dma_wait3A_38 = tpu.memref_squeeze %dma_wait3A_37 : memref<1x640x16xf32, #tpu.memory_space<hbm>> -> memref<640x16xf32, #tpu.memory_space<hbm>>
      %dma_wait3A_39 = arith.constant 0 : i32
      %dma_wait3A_40 = tpu.memref_slice %arg7[%mul3A_30, %dma_wait3A_39] : memref<10240x16xf32, #tpu.memory_space<vmem_shared>> -> memref<640x16xf32, #tpu.memory_space<vmem_shared>>
      tpu.wait_dma2 semaphore(%run_scoped3A : memref<!tpu.dma_semaphore, #tpu.memory_space<semaphore_mem>>) src(%dma_wait3A_40 : memref<640x16xf32, #tpu.memory_space<vmem_shared>>) dst(%dma_wait3A_38 : memref<640x16xf32, #tpu.memory_space<hbm>>)
      tpu.yield
    }) : () -> ()
    return
  }
}

#map = affine_map<(d0, d1) -> (0, 0)>
#map1 = affine_map<(d0, d1) -> (0, 0, 0)>
module attributes {stable_mosaic.version = 14 : i64} {
  func.func @_segsum_body(%arg0: i32, %arg1: i32, %arg2: memref<10000x128xf32, #tpu.memory_space<hbm>>, %arg3: memref<32x80x128xi32, #tpu.memory_space<hbm>>, %arg4: memref<32x80x128xi32, #tpu.memory_space<hbm>>, %arg5: memref<2x10240x128xf32, #tpu.memory_space<hbm>>, %arg6: memref<8x128xi32, #tpu.memory_space<vmem>>, %arg7: memref<80x128xi32, #tpu.memory_space<vmem>>, %arg8: memref<128x128xf32, #tpu.memory_space<vmem>>, %arg9: memref<128x128xf32, #tpu.memory_space<vmem>>, %arg10: memref<10240x128xf32, #tpu.memory_space<vmem_shared>>, %arg11: memref<!tpu.dma_semaphore, #tpu.memory_space<semaphore_mem>>, %arg12: memref<!tpu.dma_semaphore, #tpu.memory_space<semaphore_mem>>, %arg13: memref<!tpu.dma_semaphore, #tpu.memory_space<semaphore_mem>>, %arg14: memref<!tpu.dma_semaphore, #tpu.memory_space<semaphore_mem>>) attributes {dimension_semantics = [#tpu.dimension_semantics<core_parallel>, #tpu.dimension_semantics<subcore_parallel>], iteration_bounds = array<i64: 2, 16>, scalar_prefetch = 0 : i64, scratch_operands = 9 : i64, tpu.core_type = #tpu.core_type<sc_vector_subcore>, window_params = [{transform_indices = #map}, {transform_indices = #map1}, {transform_indices = #map1}, {transform_indices = #map1}]} {
    %mul3A = arith.constant 2 : i32
    %mul3A_0 = arith.muli %arg1, %mul3A : i32
    %add3A = arith.addi %mul3A_0, %arg0 : i32
    "tpu.region"() ({
      %run_scoped3A = tpu.sem_alloc : memref<!tpu.dma_semaphore, #tpu.memory_space<semaphore_mem>>
      %dma_start3A = arith.constant 0 : i32
      %dma_start3A_26 = arith.constant 0 : i32
      %dma_start3A_27 = tpu.memref_slice %arg4[%add3A, %dma_start3A, %dma_start3A_26] : memref<32x80x128xi32, #tpu.memory_space<hbm>> -> memref<1x80x128xi32, #tpu.memory_space<hbm>>
      %dma_start3A_28 = tpu.memref_squeeze %dma_start3A_27 : memref<1x80x128xi32, #tpu.memory_space<hbm>> -> memref<80x128xi32, #tpu.memory_space<hbm>>
      %dma_start3A_29 = arith.constant 0 : i32
      %dma_start3A_30 = arith.constant 0 : i32
      %dma_start3A_31 = tpu.memref_slice %arg4[%add3A, %dma_start3A_29, %dma_start3A_30] : memref<32x80x128xi32, #tpu.memory_space<hbm>> -> memref<1x80x128xi32, #tpu.memory_space<hbm>>
      %dma_start3A_32 = tpu.memref_squeeze %dma_start3A_31 : memref<1x80x128xi32, #tpu.memory_space<hbm>> -> memref<80x128xi32, #tpu.memory_space<hbm>>
      tpu.enqueue_dma source(%dma_start3A_32 : memref<80x128xi32, #tpu.memory_space<hbm>>) target(%arg7 : memref<80x128xi32, #tpu.memory_space<vmem>>) target_semaphore(%run_scoped3A : memref<!tpu.dma_semaphore, #tpu.memory_space<semaphore_mem>>)
      %dma_wait3A = arith.constant 0 : i32
      %dma_wait3A_33 = arith.constant 0 : i32
      %dma_wait3A_34 = tpu.memref_slice %arg4[%add3A, %dma_wait3A, %dma_wait3A_33] : memref<32x80x128xi32, #tpu.memory_space<hbm>> -> memref<1x80x128xi32, #tpu.memory_space<hbm>>
      %dma_wait3A_35 = tpu.memref_squeeze %dma_wait3A_34 : memref<1x80x128xi32, #tpu.memory_space<hbm>> -> memref<80x128xi32, #tpu.memory_space<hbm>>
      %dma_wait3A_36 = arith.constant 0 : i32
      %dma_wait3A_37 = arith.constant 0 : i32
      %dma_wait3A_38 = tpu.memref_slice %arg4[%add3A, %dma_wait3A_36, %dma_wait3A_37] : memref<32x80x128xi32, #tpu.memory_space<hbm>> -> memref<1x80x128xi32, #tpu.memory_space<hbm>>
      %dma_wait3A_39 = tpu.memref_squeeze %dma_wait3A_38 : memref<1x80x128xi32, #tpu.memory_space<hbm>> -> memref<80x128xi32, #tpu.memory_space<hbm>>
      tpu.wait_dma2 semaphore(%run_scoped3A : memref<!tpu.dma_semaphore, #tpu.memory_space<semaphore_mem>>) src(%dma_wait3A_39 : memref<80x128xi32, #tpu.memory_space<hbm>>) dst(%arg7 : memref<80x128xi32, #tpu.memory_space<vmem>>)
      tpu.yield
    }) : () -> ()
    %scan3A = arith.constant 0 : i32
    %scan3A_1 = arith.constant 0 : i32
    %scan3A_2 = arith.constant 128 : i32
    %scan3A_3 = arith.addi %scan3A_1, %scan3A_2 : i32
    %scan3A_4 = arith.constant 1 : i32
    %scan3A_5 = scf.for %scan3A_26 = %scan3A_1 to %scan3A_3 step %scan3A_4 iter_args(%scan3A_27 = %scan3A) -> (i32)  : i32 {
      %broadcast_in_dim3A = arith.constant 0.000000e+00 : f32
      %broadcast_in_dim3A_28 = vector.broadcast %broadcast_in_dim3A : f32 to vector<16xf32>
      %swap3A = arith.index_cast %scan3A_26 : i32 to index
      %swap3A_29 = arith.constant 0 : index
      %swap3A_30 = tpu.vector_load %arg8[%swap3A, %swap3A_29] {strides = array<i32>} : memref<128x128xf32, #tpu.memory_space<vmem>>, vector<1x16xf32>,
      %swap3A_31 = vector.shape_cast %swap3A_30 : vector<1x16xf32> to vector<16xf32>
      %swap3A_32 = vector.shape_cast %broadcast_in_dim3A_28 : vector<16xf32> to vector<1x16xf32>
      tpu.vector_store %arg8[%swap3A, %swap3A_29], %swap3A_32 {strides = array<i32>} : memref<128x128xf32, #tpu.memory_space<vmem>>, vector<1x16xf32>,
      %broadcast_in_dim3A_33 = arith.constant 0.000000e+00 : f32
      %broadcast_in_dim3A_34 = vector.broadcast %broadcast_in_dim3A_33 : f32 to vector<16xf32>
      %swap3A_35 = arith.index_cast %scan3A_26 : i32 to index
      %swap3A_36 = arith.constant 16 : index
      %swap3A_37 = tpu.vector_load %arg8[%swap3A_35, %swap3A_36] {strides = array<i32>} : memref<128x128xf32, #tpu.memory_space<vmem>>, vector<1x16xf32>,
      %swap3A_38 = vector.shape_cast %swap3A_37 : vector<1x16xf32> to vector<16xf32>
      %swap3A_39 = vector.shape_cast %broadcast_in_dim3A_34 : vector<16xf32> to vector<1x16xf32>
      tpu.vector_store %arg8[%swap3A_35, %swap3A_36], %swap3A_39 {strides = array<i32>} : memref<128x128xf32, #tpu.memory_space<vmem>>, vector<1x16xf32>,
      %broadcast_in_dim3A_40 = arith.constant 0.000000e+00 : f32
      %broadcast_in_dim3A_41 = vector.broadcast %broadcast_in_dim3A_40 : f32 to vector<16xf32>
      %swap3A_42 = arith.index_cast %scan3A_26 : i32 to index
      %swap3A_43 = arith.constant 32 : index
      %swap3A_44 = tpu.vector_load %arg8[%swap3A_42, %swap3A_43] {strides = array<i32>} : memref<128x128xf32, #tpu.memory_space<vmem>>, vector<1x16xf32>,
      %swap3A_45 = vector.shape_cast %swap3A_44 : vector<1x16xf32> to vector<16xf32>
      %swap3A_46 = vector.shape_cast %broadcast_in_dim3A_41 : vector<16xf32> to vector<1x16xf32>
      tpu.vector_store %arg8[%swap3A_42, %swap3A_43], %swap3A_46 {strides = array<i32>} : memref<128x128xf32, #tpu.memory_space<vmem>>, vector<1x16xf32>,
      %broadcast_in_dim3A_47 = arith.constant 0.000000e+00 : f32
      %broadcast_in_dim3A_48 = vector.broadcast %broadcast_in_dim3A_47 : f32 to vector<16xf32>
      %swap3A_49 = arith.index_cast %scan3A_26 : i32 to index
      %swap3A_50 = arith.constant 48 : index
      %swap3A_51 = tpu.vector_load %arg8[%swap3A_49, %swap3A_50] {strides = array<i32>} : memref<128x128xf32, #tpu.memory_space<vmem>>, vector<1x16xf32>,
      %swap3A_52 = vector.shape_cast %swap3A_51 : vector<1x16xf32> to vector<16xf32>
      %swap3A_53 = vector.shape_cast %broadcast_in_dim3A_48 : vector<16xf32> to vector<1x16xf32>
      tpu.vector_store %arg8[%swap3A_49, %swap3A_50], %swap3A_53 {strides = array<i32>} : memref<128x128xf32, #tpu.memory_space<vmem>>, vector<1x16xf32>,
      %broadcast_in_dim3A_54 = arith.constant 0.000000e+00 : f32
      %broadcast_in_dim3A_55 = vector.broadcast %broadcast_in_dim3A_54 : f32 to vector<16xf32>
      %swap3A_56 = arith.index_cast %scan3A_26 : i32 to index
      %swap3A_57 = arith.constant 64 : index
      %swap3A_58 = tpu.vector_load %arg8[%swap3A_56, %swap3A_57] {strides = array<i32>} : memref<128x128xf32, #tpu.memory_space<vmem>>, vector<1x16xf32>,
      %swap3A_59 = vector.shape_cast %swap3A_58 : vector<1x16xf32> to vector<16xf32>
      %swap3A_60 = vector.shape_cast %broadcast_in_dim3A_55 : vector<16xf32> to vector<1x16xf32>
      tpu.vector_store %arg8[%swap3A_56, %swap3A_57], %swap3A_60 {strides = array<i32>} : memref<128x128xf32, #tpu.memory_space<vmem>>, vector<1x16xf32>,
      %broadcast_in_dim3A_61 = arith.constant 0.000000e+00 : f32
      %broadcast_in_dim3A_62 = vector.broadcast %broadcast_in_dim3A_61 : f32 to vector<16xf32>
      %swap3A_63 = arith.index_cast %scan3A_26 : i32 to index
      %swap3A_64 = arith.constant 80 : index
      %swap3A_65 = tpu.vector_load %arg8[%swap3A_63, %swap3A_64] {strides = array<i32>} : memref<128x128xf32, #tpu.memory_space<vmem>>, vector<1x16xf32>,
      %swap3A_66 = vector.shape_cast %swap3A_65 : vector<1x16xf32> to vector<16xf32>
      %swap3A_67 = vector.shape_cast %broadcast_in_dim3A_62 : vector<16xf32> to vector<1x16xf32>
      tpu.vector_store %arg8[%swap3A_63, %swap3A_64], %swap3A_67 {strides = array<i32>} : memref<128x128xf32, #tpu.memory_space<vmem>>, vector<1x16xf32>,
      %broadcast_in_dim3A_68 = arith.constant 0.000000e+00 : f32
      %broadcast_in_dim3A_69 = vector.broadcast %broadcast_in_dim3A_68 : f32 to vector<16xf32>
      %swap3A_70 = arith.index_cast %scan3A_26 : i32 to index
      %swap3A_71 = arith.constant 96 : index
      %swap3A_72 = tpu.vector_load %arg8[%swap3A_70, %swap3A_71] {strides = array<i32>} : memref<128x128xf32, #tpu.memory_space<vmem>>, vector<1x16xf32>,
      %swap3A_73 = vector.shape_cast %swap3A_72 : vector<1x16xf32> to vector<16xf32>
      %swap3A_74 = vector.shape_cast %broadcast_in_dim3A_69 : vector<16xf32> to vector<1x16xf32>
      tpu.vector_store %arg8[%swap3A_70, %swap3A_71], %swap3A_74 {strides = array<i32>} : memref<128x128xf32, #tpu.memory_space<vmem>>, vector<1x16xf32>,
      %broadcast_in_dim3A_75 = arith.constant 0.000000e+00 : f32
      %broadcast_in_dim3A_76 = vector.broadcast %broadcast_in_dim3A_75 : f32 to vector<16xf32>
      %swap3A_77 = arith.index_cast %scan3A_26 : i32 to index
      %swap3A_78 = arith.constant 112 : index
      %swap3A_79 = tpu.vector_load %arg8[%swap3A_77, %swap3A_78] {strides = array<i32>} : memref<128x128xf32, #tpu.memory_space<vmem>>, vector<1x16xf32>,
      %swap3A_80 = vector.shape_cast %swap3A_79 : vector<1x16xf32> to vector<16xf32>
      %swap3A_81 = vector.shape_cast %broadcast_in_dim3A_76 : vector<16xf32> to vector<1x16xf32>
      tpu.vector_store %arg8[%swap3A_77, %swap3A_78], %swap3A_81 {strides = array<i32>} : memref<128x128xf32, #tpu.memory_space<vmem>>, vector<1x16xf32>,
      %scan3A_82 = arith.constant 0 : i32
      scf.yield %scan3A_82 : i32
    }
    %scan3A_6 = arith.constant 128 : i32
    %scan3A_7 = arith.constant 0 : i32
    %scan3A_8 = arith.constant 0 : i32
    %scan3A_9 = arith.constant 5 : i32
    %scan3A_10 = arith.addi %scan3A_8, %scan3A_9 : i32
    %scan3A_11 = arith.constant 1 : i32
    %scan3A_12 = scf.for %scan3A_26 = %scan3A_8 to %scan3A_10 step %scan3A_11 iter_args(%scan3A_27 = %scan3A_7) -> (i32)  : i32 {
      %mul3A_28 = arith.constant 640 : i32
      %mul3A_29 = arith.muli %arg1, %mul3A_28 : i32
      %mul3A_30 = arith.constant 128 : i32
      %mul3A_31 = arith.muli %scan3A_26, %mul3A_30 : i32
      %add3A_32 = arith.addi %mul3A_29, %mul3A_31 : i32
      "tpu.region"() ({
        %run_scoped3A = tpu.sem_alloc : memref<!tpu.dma_semaphore, #tpu.memory_space<semaphore_mem>>
        %dma_start3A = arith.constant 0 : i32
        %dma_start3A_34 = tpu.memref_slice %arg10[%add3A_32, %dma_start3A] : memref<10240x128xf32, #tpu.memory_space<vmem_shared>> -> memref<128x128xf32, #tpu.memory_space<vmem_shared>>
        %dma_start3A_35 = arith.constant 0 : i32
        %dma_start3A_36 = tpu.memref_slice %arg10[%add3A_32, %dma_start3A_35] : memref<10240x128xf32, #tpu.memory_space<vmem_shared>> -> memref<128x128xf32, #tpu.memory_space<vmem_shared>>
        tpu.enqueue_dma source(%arg8 : memref<128x128xf32, #tpu.memory_space<vmem>>) target(%dma_start3A_36 : memref<128x128xf32, #tpu.memory_space<vmem_shared>>) target_semaphore(%run_scoped3A : memref<!tpu.dma_semaphore, #tpu.memory_space<semaphore_mem>>)
        %dma_wait3A = arith.constant 0 : i32
        %dma_wait3A_37 = tpu.memref_slice %arg10[%add3A_32, %dma_wait3A] : memref<10240x128xf32, #tpu.memory_space<vmem_shared>> -> memref<128x128xf32, #tpu.memory_space<vmem_shared>>
        %dma_wait3A_38 = arith.constant 0 : i32
        %dma_wait3A_39 = tpu.memref_slice %arg10[%add3A_32, %dma_wait3A_38] : memref<10240x128xf32, #tpu.memory_space<vmem_shared>> -> memref<128x128xf32, #tpu.memory_space<vmem_shared>>
        tpu.wait_dma2 semaphore(%run_scoped3A : memref<!tpu.dma_semaphore, #tpu.memory_space<semaphore_mem>>) src(%arg8 : memref<128x128xf32, #tpu.memory_space<vmem>>) dst(%dma_wait3A_39 : memref<128x128xf32, #tpu.memory_space<vmem_shared>>)
        tpu.yield
      }) : () -> ()
      %scan3A_33 = arith.constant 0 : i32
      scf.yield %scan3A_33 : i32
    }
    %scan3A_13 = arith.constant 5 : i32
    %barrier3A = arith.constant 0 : index
    tpu.barrier barrier_id(%barrier3A)
    %scan3A_14 = arith.constant 0 : i32
    %scan3A_15 = arith.constant 0 : i32
    %scan3A_16 = arith.constant 10 : i32
    %scan3A_17 = arith.addi %scan3A_15, %scan3A_16 : i32
    %scan3A_18 = arith.constant 1 : i32
    %scan3A_19 = scf.for %scan3A_26 = %scan3A_15 to %scan3A_17 step %scan3A_18 iter_args(%scan3A_27 = %scan3A_14) -> (i32)  : i32 {
      %mul3A_28 = arith.constant 8 : i32
      %mul3A_29 = arith.muli %scan3A_26, %mul3A_28 : i32
      "tpu.region"() ({
        %run_scoped3A = tpu.sem_alloc : memref<!tpu.dma_semaphore, #tpu.memory_space<semaphore_mem>>
        %dma_start3A_269 = arith.constant 0 : i32
        %dma_start3A_270 = tpu.memref_slice %arg3[%add3A, %mul3A_29, %dma_start3A_269] : memref<32x80x128xi32, #tpu.memory_space<hbm>> -> memref<1x8x128xi32, #tpu.memory_space<hbm>>
        %dma_start3A_271 = tpu.memref_squeeze %dma_start3A_270 : memref<1x8x128xi32, #tpu.memory_space<hbm>> -> memref<8x128xi32, #tpu.memory_space<hbm>>
        %dma_start3A_272 = arith.constant 0 : i32
        %dma_start3A_273 = tpu.memref_slice %arg3[%add3A, %mul3A_29, %dma_start3A_272] : memref<32x80x128xi32, #tpu.memory_space<hbm>> -> memref<1x8x128xi32, #tpu.memory_space<hbm>>
        %dma_start3A_274 = tpu.memref_squeeze %dma_start3A_273 : memref<1x8x128xi32, #tpu.memory_space<hbm>> -> memref<8x128xi32, #tpu.memory_space<hbm>>
        tpu.enqueue_dma source(%dma_start3A_274 : memref<8x128xi32, #tpu.memory_space<hbm>>) target(%arg6 : memref<8x128xi32, #tpu.memory_space<vmem>>) target_semaphore(%run_scoped3A : memref<!tpu.dma_semaphore, #tpu.memory_space<semaphore_mem>>)
        %dma_wait3A_275 = arith.constant 0 : i32
        %dma_wait3A_276 = tpu.memref_slice %arg3[%add3A, %mul3A_29, %dma_wait3A_275] : memref<32x80x128xi32, #tpu.memory_space<hbm>> -> memref<1x8x128xi32, #tpu.memory_space<hbm>>
        %dma_wait3A_277 = tpu.memref_squeeze %dma_wait3A_276 : memref<1x8x128xi32, #tpu.memory_space<hbm>> -> memref<8x128xi32, #tpu.memory_space<hbm>>
        %dma_wait3A_278 = arith.constant 0 : i32
        %dma_wait3A_279 = tpu.memref_slice %arg3[%add3A, %mul3A_29, %dma_wait3A_278] : memref<32x80x128xi32, #tpu.memory_space<hbm>> -> memref<1x8x128xi32, #tpu.memory_space<hbm>>
        %dma_wait3A_280 = tpu.memref_squeeze %dma_wait3A_279 : memref<1x8x128xi32, #tpu.memory_space<hbm>> -> memref<8x128xi32, #tpu.memory_space<hbm>>
        tpu.wait_dma2 semaphore(%run_scoped3A : memref<!tpu.dma_semaphore, #tpu.memory_space<semaphore_mem>>) src(%dma_wait3A_280 : memref<8x128xi32, #tpu.memory_space<hbm>>) dst(%arg6 : memref<8x128xi32, #tpu.memory_space<vmem>>)
        tpu.yield
      }) : () -> ()
      %dma_start3A = arith.constant 0 : i32
      %dma_start3A_30 = arith.constant 0 : i32
      %dma_start3A_31 = tpu.memref_slice %arg6[%dma_start3A, %dma_start3A_30] : memref<8x128xi32, #tpu.memory_space<vmem>> -> memref<1x128xi32, #tpu.memory_space<vmem>>
      %dma_start3A_32 = tpu.memref_squeeze %dma_start3A_31 : memref<1x128xi32, #tpu.memory_space<vmem>> -> memref<128xi32, #tpu.memory_space<vmem>>
      %dma_start3A_33 = arith.constant 0 : i32
      %dma_start3A_34 = arith.constant 0 : i32
      %dma_start3A_35 = tpu.memref_slice %arg2[%dma_start3A_33, %dma_start3A_34] : memref<10000x128xf32, #tpu.memory_space<hbm>> -> memref<10000x128xf32, #tpu.memory_space<hbm>>
      tpu.enqueue_indirect_dma source(%dma_start3A_35 : memref<10000x128xf32, #tpu.memory_space<hbm>>) target(%arg8 : memref<128x128xf32, #tpu.memory_space<vmem>>) offsets(%dma_start3A_32 : memref<128xi32, #tpu.memory_space<vmem>>) semaphore(%arg11 : memref<!tpu.dma_semaphore, #tpu.memory_space<semaphore_mem>>)
      %dma_start3A_36 = arith.constant 1 : i32
      %dma_start3A_37 = arith.constant 0 : i32
      %dma_start3A_38 = tpu.memref_slice %arg6[%dma_start3A_36, %dma_start3A_37] : memref<8x128xi32, #tpu.memory_space<vmem>> -> memref<1x128xi32, #tpu.memory_space<vmem>>
      %dma_start3A_39 = tpu.memref_squeeze %dma_start3A_38 : memref<1x128xi32, #tpu.memory_space<vmem>> -> memref<128xi32, #tpu.memory_space<vmem>>
      %dma_start3A_40 = arith.constant 0 : i32
      %dma_start3A_41 = arith.constant 0 : i32
      %dma_start3A_42 = tpu.memref_slice %arg2[%dma_start3A_40, %dma_start3A_41] : memref<10000x128xf32, #tpu.memory_space<hbm>> -> memref<10000x128xf32, #tpu.memory_space<hbm>>
      tpu.enqueue_indirect_dma source(%dma_start3A_42 : memref<10000x128xf32, #tpu.memory_space<hbm>>) target(%arg9 : memref<128x128xf32, #tpu.memory_space<vmem>>) offsets(%dma_start3A_39 : memref<128xi32, #tpu.memory_space<vmem>>) semaphore(%arg12 : memref<!tpu.dma_semaphore, #tpu.memory_space<semaphore_mem>>)
      %dma_wait3A = arith.constant 0 : i32
      %dma_wait3A_43 = arith.constant 0 : i32
      %dma_wait3A_44 = tpu.memref_slice %arg6[%dma_wait3A, %dma_wait3A_43] : memref<8x128xi32, #tpu.memory_space<vmem>> -> memref<1x128xi32, #tpu.memory_space<vmem>>
      %dma_wait3A_45 = tpu.memref_squeeze %dma_wait3A_44 : memref<1x128xi32, #tpu.memory_space<vmem>> -> memref<128xi32, #tpu.memory_space<vmem>>
      %dma_wait3A_46 = arith.constant 0 : i32
      %dma_wait3A_47 = arith.constant 0 : i32
      %dma_wait3A_48 = tpu.memref_slice %arg2[%dma_wait3A_46, %dma_wait3A_47] : memref<10000x128xf32, #tpu.memory_space<hbm>> -> memref<10000x128xf32, #tpu.memory_space<hbm>>
      tpu.wait_indirect_dma semaphore(%arg11 : memref<!tpu.dma_semaphore, #tpu.memory_space<semaphore_mem>>) src(%dma_wait3A_48 : memref<10000x128xf32, #tpu.memory_space<hbm>>) dst(%arg8 : memref<128x128xf32, #tpu.memory_space<vmem>>)
      %mul3A_49 = arith.constant 8 : i32
      %mul3A_50 = arith.muli %scan3A_26, %mul3A_49 : i32
      %add3A_51 = arith.constant 0 : i32
      %add3A_52 = arith.addi %mul3A_50, %add3A_51 : i32
      %dma_start3A_53 = arith.constant 0 : i32
      %dma_start3A_54 = tpu.memref_slice %arg7[%add3A_52, %dma_start3A_53] : memref<80x128xi32, #tpu.memory_space<vmem>> -> memref<1x128xi32, #tpu.memory_space<vmem>>
      %dma_start3A_55 = tpu.memref_squeeze %dma_start3A_54 : memref<1x128xi32, #tpu.memory_space<vmem>> -> memref<128xi32, #tpu.memory_space<vmem>>
      %dma_start3A_56 = arith.constant 0 : i32
      %dma_start3A_57 = arith.constant 0 : i32
      %dma_start3A_58 = tpu.memref_slice %arg10[%dma_start3A_56, %dma_start3A_57] : memref<10240x128xf32, #tpu.memory_space<vmem_shared>> -> memref<10240x128xf32, #tpu.memory_space<vmem_shared>>
      tpu.enqueue_indirect_dma source(%arg8 : memref<128x128xf32, #tpu.memory_space<vmem>>) target(%dma_start3A_58 : memref<10240x128xf32, #tpu.memory_space<vmem_shared>>) offsets(%dma_start3A_55 : memref<128xi32, #tpu.memory_space<vmem>>) semaphore(%arg13 : memref<!tpu.dma_semaphore, #tpu.memory_space<semaphore_mem>>) {add = true}
      %dma_wait3A_59 = arith.constant 0 : i32
      %dma_wait3A_60 = tpu.memref_slice %arg7[%add3A_52, %dma_wait3A_59] : memref<80x128xi32, #tpu.memory_space<vmem>> -> memref<1x128xi32, #tpu.memory_space<vmem>>
      %dma_wait3A_61 = tpu.memref_squeeze %dma_wait3A_60 : memref<1x128xi32, #tpu.memory_space<vmem>> -> memref<128xi32, #tpu.memory_space<vmem>>
      %dma_wait3A_62 = arith.constant 0 : i32
      %dma_wait3A_63 = arith.constant 0 : i32
      %dma_wait3A_64 = tpu.memref_slice %arg10[%dma_wait3A_62, %dma_wait3A_63] : memref<10240x128xf32, #tpu.memory_space<vmem_shared>> -> memref<10240x128xf32, #tpu.memory_space<vmem_shared>>
      tpu.wait_indirect_dma semaphore(%arg13 : memref<!tpu.dma_semaphore, #tpu.memory_space<semaphore_mem>>) src(%arg8 : memref<128x128xf32, #tpu.memory_space<vmem>>) dst(%dma_wait3A_64 : memref<10240x128xf32, #tpu.memory_space<vmem_shared>>)
      %dma_start3A_65 = arith.constant 2 : i32
      %dma_start3A_66 = arith.constant 0 : i32
      %dma_start3A_67 = tpu.memref_slice %arg6[%dma_start3A_65, %dma_start3A_66] : memref<8x128xi32, #tpu.memory_space<vmem>> -> memref<1x128xi32, #tpu.memory_space<vmem>>
      %dma_start3A_68 = tpu.memref_squeeze %dma_start3A_67 : memref<1x128xi32, #tpu.memory_space<vmem>> -> memref<128xi32, #tpu.memory_space<vmem>>
      %dma_start3A_69 = arith.constant 0 : i32
      %dma_start3A_70 = arith.constant 0 : i32
      %dma_start3A_71 = tpu.memref_slice %arg2[%dma_start3A_69, %dma_start3A_70] : memref<10000x128xf32, #tpu.memory_space<hbm>> -> memref<10000x128xf32, #tpu.memory_space<hbm>>
      tpu.enqueue_indirect_dma source(%dma_start3A_71 : memref<10000x128xf32, #tpu.memory_space<hbm>>) target(%arg8 : memref<128x128xf32, #tpu.memory_space<vmem>>) offsets(%dma_start3A_68 : memref<128xi32, #tpu.memory_space<vmem>>) semaphore(%arg11 : memref<!tpu.dma_semaphore, #tpu.memory_space<semaphore_mem>>)
      %dma_wait3A_72 = arith.constant 1 : i32
      %dma_wait3A_73 = arith.constant 0 : i32
      %dma_wait3A_74 = tpu.memref_slice %arg6[%dma_wait3A_72, %dma_wait3A_73] : memref<8x128xi32, #tpu.memory_space<vmem>> -> memref<1x128xi32, #tpu.memory_space<vmem>>
      %dma_wait3A_75 = tpu.memref_squeeze %dma_wait3A_74 : memref<1x128xi32, #tpu.memory_space<vmem>> -> memref<128xi32, #tpu.memory_space<vmem>>
      %dma_wait3A_76 = arith.constant 0 : i32
      %dma_wait3A_77 = arith.constant 0 : i32
      %dma_wait3A_78 = tpu.memref_slice %arg2[%dma_wait3A_76, %dma_wait3A_77] : memref<10000x128xf32, #tpu.memory_space<hbm>> -> memref<10000x128xf32, #tpu.memory_space<hbm>>
      tpu.wait_indirect_dma semaphore(%arg12 : memref<!tpu.dma_semaphore, #tpu.memory_space<semaphore_mem>>) src(%dma_wait3A_78 : memref<10000x128xf32, #tpu.memory_space<hbm>>) dst(%arg9 : memref<128x128xf32, #tpu.memory_space<vmem>>)
      %mul3A_79 = arith.constant 8 : i32
      %mul3A_80 = arith.muli %scan3A_26, %mul3A_79 : i32
      %add3A_81 = arith.constant 1 : i32
      %add3A_82 = arith.addi %mul3A_80, %add3A_81 : i32
      %dma_start3A_83 = arith.constant 0 : i32
      %dma_start3A_84 = tpu.memref_slice %arg7[%add3A_82, %dma_start3A_83] : memref<80x128xi32, #tpu.memory_space<vmem>> -> memref<1x128xi32, #tpu.memory_space<vmem>>
      %dma_start3A_85 = tpu.memref_squeeze %dma_start3A_84 : memref<1x128xi32, #tpu.memory_space<vmem>> -> memref<128xi32, #tpu.memory_space<vmem>>
      %dma_start3A_86 = arith.constant 0 : i32
      %dma_start3A_87 = arith.constant 0 : i32
      %dma_start3A_88 = tpu.memref_slice %arg10[%dma_start3A_86, %dma_start3A_87] : memref<10240x128xf32, #tpu.memory_space<vmem_shared>> -> memref<10240x128xf32, #tpu.memory_space<vmem_shared>>
      tpu.enqueue_indirect_dma source(%arg9 : memref<128x128xf32, #tpu.memory_space<vmem>>) target(%dma_start3A_88 : memref<10240x128xf32, #tpu.memory_space<vmem_shared>>) offsets(%dma_start3A_85 : memref<128xi32, #tpu.memory_space<vmem>>) semaphore(%arg14 : memref<!tpu.dma_semaphore, #tpu.memory_space<semaphore_mem>>) {add = true}
      %dma_wait3A_89 = arith.constant 0 : i32
      %dma_wait3A_90 = tpu.memref_slice %arg7[%add3A_82, %dma_wait3A_89] : memref<80x128xi32, #tpu.memory_space<vmem>> -> memref<1x128xi32, #tpu.memory_space<vmem>>
      %dma_wait3A_91 = tpu.memref_squeeze %dma_wait3A_90 : memref<1x128xi32, #tpu.memory_space<vmem>> -> memref<128xi32, #tpu.memory_space<vmem>>
      %dma_wait3A_92 = arith.constant 0 : i32
      %dma_wait3A_93 = arith.constant 0 : i32
      %dma_wait3A_94 = tpu.memref_slice %arg10[%dma_wait3A_92, %dma_wait3A_93] : memref<10240x128xf32, #tpu.memory_space<vmem_shared>> -> memref<10240x128xf32, #tpu.memory_space<vmem_shared>>
      tpu.wait_indirect_dma semaphore(%arg14 : memref<!tpu.dma_semaphore, #tpu.memory_space<semaphore_mem>>) src(%arg9 : memref<128x128xf32, #tpu.memory_space<vmem>>) dst(%dma_wait3A_94 : memref<10240x128xf32, #tpu.memory_space<vmem_shared>>)
      %dma_start3A_95 = arith.constant 3 : i32
      %dma_start3A_96 = arith.constant 0 : i32
      %dma_start3A_97 = tpu.memref_slice %arg6[%dma_start3A_95, %dma_start3A_96] : memref<8x128xi32, #tpu.memory_space<vmem>> -> memref<1x128xi32, #tpu.memory_space<vmem>>
      %dma_start3A_98 = tpu.memref_squeeze %dma_start3A_97 : memref<1x128xi32, #tpu.memory_space<vmem>> -> memref<128xi32, #tpu.memory_space<vmem>>
      %dma_start3A_99 = arith.constant 0 : i32
      %dma_start3A_100 = arith.constant 0 : i32
      %dma_start3A_101 = tpu.memref_slice %arg2[%dma_start3A_99, %dma_start3A_100] : memref<10000x128xf32, #tpu.memory_space<hbm>> -> memref<10000x128xf32, #tpu.memory_space<hbm>>
      tpu.enqueue_indirect_dma source(%dma_start3A_101 : memref<10000x128xf32, #tpu.memory_space<hbm>>) target(%arg9 : memref<128x128xf32, #tpu.memory_space<vmem>>) offsets(%dma_start3A_98 : memref<128xi32, #tpu.memory_space<vmem>>) semaphore(%arg12 : memref<!tpu.dma_semaphore, #tpu.memory_space<semaphore_mem>>)
      %dma_wait3A_102 = arith.constant 2 : i32
      %dma_wait3A_103 = arith.constant 0 : i32
      %dma_wait3A_104 = tpu.memref_slice %arg6[%dma_wait3A_102, %dma_wait3A_103] : memref<8x128xi32, #tpu.memory_space<vmem>> -> memref<1x128xi32, #tpu.memory_space<vmem>>
      %dma_wait3A_105 = tpu.memref_squeeze %dma_wait3A_104 : memref<1x128xi32, #tpu.memory_space<vmem>> -> memref<128xi32, #tpu.memory_space<vmem>>
      %dma_wait3A_106 = arith.constant 0 : i32
      %dma_wait3A_107 = arith.constant 0 : i32
      %dma_wait3A_108 = tpu.memref_slice %arg2[%dma_wait3A_106, %dma_wait3A_107] : memref<10000x128xf32, #tpu.memory_space<hbm>> -> memref<10000x128xf32, #tpu.memory_space<hbm>>
      tpu.wait_indirect_dma semaphore(%arg11 : memref<!tpu.dma_semaphore, #tpu.memory_space<semaphore_mem>>) src(%dma_wait3A_108 : memref<10000x128xf32, #tpu.memory_space<hbm>>) dst(%arg8 : memref<128x128xf32, #tpu.memory_space<vmem>>)
      %mul3A_109 = arith.constant 8 : i32
      %mul3A_110 = arith.muli %scan3A_26, %mul3A_109 : i32
      %add3A_111 = arith.constant 2 : i32
      %add3A_112 = arith.addi %mul3A_110, %add3A_111 : i32
      %dma_start3A_113 = arith.constant 0 : i32
      %dma_start3A_114 = tpu.memref_slice %arg7[%add3A_112, %dma_start3A_113] : memref<80x128xi32, #tpu.memory_space<vmem>> -> memref<1x128xi32, #tpu.memory_space<vmem>>
      %dma_start3A_115 = tpu.memref_squeeze %dma_start3A_114 : memref<1x128xi32, #tpu.memory_space<vmem>> -> memref<128xi32, #tpu.memory_space<vmem>>
      %dma_start3A_116 = arith.constant 0 : i32
      %dma_start3A_117 = arith.constant 0 : i32
      %dma_start3A_118 = tpu.memref_slice %arg10[%dma_start3A_116, %dma_start3A_117] : memref<10240x128xf32, #tpu.memory_space<vmem_shared>> -> memref<10240x128xf32, #tpu.memory_space<vmem_shared>>
      tpu.enqueue_indirect_dma source(%arg8 : memref<128x128xf32, #tpu.memory_space<vmem>>) target(%dma_start3A_118 : memref<10240x128xf32, #tpu.memory_space<vmem_shared>>) offsets(%dma_start3A_115 : memref<128xi32, #tpu.memory_space<vmem>>) semaphore(%arg13 : memref<!tpu.dma_semaphore, #tpu.memory_space<semaphore_mem>>) {add = true}
      %dma_wait3A_119 = arith.constant 0 : i32
      %dma_wait3A_120 = tpu.memref_slice %arg7[%add3A_112, %dma_wait3A_119] : memref<80x128xi32, #tpu.memory_space<vmem>> -> memref<1x128xi32, #tpu.memory_space<vmem>>
      %dma_wait3A_121 = tpu.memref_squeeze %dma_wait3A_120 : memref<1x128xi32, #tpu.memory_space<vmem>> -> memref<128xi32, #tpu.memory_space<vmem>>
      %dma_wait3A_122 = arith.constant 0 : i32
      %dma_wait3A_123 = arith.constant 0 : i32
      %dma_wait3A_124 = tpu.memref_slice %arg10[%dma_wait3A_122, %dma_wait3A_123] : memref<10240x128xf32, #tpu.memory_space<vmem_shared>> -> memref<10240x128xf32, #tpu.memory_space<vmem_shared>>
      tpu.wait_indirect_dma semaphore(%arg13 : memref<!tpu.dma_semaphore, #tpu.memory_space<semaphore_mem>>) src(%arg8 : memref<128x128xf32, #tpu.memory_space<vmem>>) dst(%dma_wait3A_124 : memref<10240x128xf32, #tpu.memory_space<vmem_shared>>)
      %dma_start3A_125 = arith.constant 4 : i32
      %dma_start3A_126 = arith.constant 0 : i32
      %dma_start3A_127 = tpu.memref_slice %arg6[%dma_start3A_125, %dma_start3A_126] : memref<8x128xi32, #tpu.memory_space<vmem>> -> memref<1x128xi32, #tpu.memory_space<vmem>>
      %dma_start3A_128 = tpu.memref_squeeze %dma_start3A_127 : memref<1x128xi32, #tpu.memory_space<vmem>> -> memref<128xi32, #tpu.memory_space<vmem>>
      %dma_start3A_129 = arith.constant 0 : i32
      %dma_start3A_130 = arith.constant 0 : i32
      %dma_start3A_131 = tpu.memref_slice %arg2[%dma_start3A_129, %dma_start3A_130] : memref<10000x128xf32, #tpu.memory_space<hbm>> -> memref<10000x128xf32, #tpu.memory_space<hbm>>
      tpu.enqueue_indirect_dma source(%dma_start3A_131 : memref<10000x128xf32, #tpu.memory_space<hbm>>) target(%arg8 : memref<128x128xf32, #tpu.memory_space<vmem>>) offsets(%dma_start3A_128 : memref<128xi32, #tpu.memory_space<vmem>>) semaphore(%arg11 : memref<!tpu.dma_semaphore, #tpu.memory_space<semaphore_mem>>)
      %dma_wait3A_132 = arith.constant 3 : i32
      %dma_wait3A_133 = arith.constant 0 : i32
      %dma_wait3A_134 = tpu.memref_slice %arg6[%dma_wait3A_132, %dma_wait3A_133] : memref<8x128xi32, #tpu.memory_space<vmem>> -> memref<1x128xi32, #tpu.memory_space<vmem>>
      %dma_wait3A_135 = tpu.memref_squeeze %dma_wait3A_134 : memref<1x128xi32, #tpu.memory_space<vmem>> -> memref<128xi32, #tpu.memory_space<vmem>>
      %dma_wait3A_136 = arith.constant 0 : i32
      %dma_wait3A_137 = arith.constant 0 : i32
      %dma_wait3A_138 = tpu.memref_slice %arg2[%dma_wait3A_136, %dma_wait3A_137] : memref<10000x128xf32, #tpu.memory_space<hbm>> -> memref<10000x128xf32, #tpu.memory_space<hbm>>
      tpu.wait_indirect_dma semaphore(%arg12 : memref<!tpu.dma_semaphore, #tpu.memory_space<semaphore_mem>>) src(%dma_wait3A_138 : memref<10000x128xf32, #tpu.memory_space<hbm>>) dst(%arg9 : memref<128x128xf32, #tpu.memory_space<vmem>>)
      %mul3A_139 = arith.constant 8 : i32
      %mul3A_140 = arith.muli %scan3A_26, %mul3A_139 : i32
      %add3A_141 = arith.constant 3 : i32
      %add3A_142 = arith.addi %mul3A_140, %add3A_141 : i32
      %dma_start3A_143 = arith.constant 0 : i32
      %dma_start3A_144 = tpu.memref_slice %arg7[%add3A_142, %dma_start3A_143] : memref<80x128xi32, #tpu.memory_space<vmem>> -> memref<1x128xi32, #tpu.memory_space<vmem>>
      %dma_start3A_145 = tpu.memref_squeeze %dma_start3A_144 : memref<1x128xi32, #tpu.memory_space<vmem>> -> memref<128xi32, #tpu.memory_space<vmem>>
      %dma_start3A_146 = arith.constant 0 : i32
      %dma_start3A_147 = arith.constant 0 : i32
      %dma_start3A_148 = tpu.memref_slice %arg10[%dma_start3A_146, %dma_start3A_147] : memref<10240x128xf32, #tpu.memory_space<vmem_shared>> -> memref<10240x128xf32, #tpu.memory_space<vmem_shared>>
      tpu.enqueue_indirect_dma source(%arg9 : memref<128x128xf32, #tpu.memory_space<vmem>>) target(%dma_start3A_148 : memref<10240x128xf32, #tpu.memory_space<vmem_shared>>) offsets(%dma_start3A_145 : memref<128xi32, #tpu.memory_space<vmem>>) semaphore(%arg14 : memref<!tpu.dma_semaphore, #tpu.memory_space<semaphore_mem>>) {add = true}
      %dma_wait3A_149 = arith.constant 0 : i32
      %dma_wait3A_150 = tpu.memref_slice %arg7[%add3A_142, %dma_wait3A_149] : memref<80x128xi32, #tpu.memory_space<vmem>> -> memref<1x128xi32, #tpu.memory_space<vmem>>
      %dma_wait3A_151 = tpu.memref_squeeze %dma_wait3A_150 : memref<1x128xi32, #tpu.memory_space<vmem>> -> memref<128xi32, #tpu.memory_space<vmem>>
      %dma_wait3A_152 = arith.constant 0 : i32
      %dma_wait3A_153 = arith.constant 0 : i32
      %dma_wait3A_154 = tpu.memref_slice %arg10[%dma_wait3A_152, %dma_wait3A_153] : memref<10240x128xf32, #tpu.memory_space<vmem_shared>> -> memref<10240x128xf32, #tpu.memory_space<vmem_shared>>
      tpu.wait_indirect_dma semaphore(%arg14 : memref<!tpu.dma_semaphore, #tpu.memory_space<semaphore_mem>>) src(%arg9 : memref<128x128xf32, #tpu.memory_space<vmem>>) dst(%dma_wait3A_154 : memref<10240x128xf32, #tpu.memory_space<vmem_shared>>)
      %dma_start3A_155 = arith.constant 5 : i32
      %dma_start3A_156 = arith.constant 0 : i32
      %dma_start3A_157 = tpu.memref_slice %arg6[%dma_start3A_155, %dma_start3A_156] : memref<8x128xi32, #tpu.memory_space<vmem>> -> memref<1x128xi32, #tpu.memory_space<vmem>>
      %dma_start3A_158 = tpu.memref_squeeze %dma_start3A_157 : memref<1x128xi32, #tpu.memory_space<vmem>> -> memref<128xi32, #tpu.memory_space<vmem>>
      %dma_start3A_159 = arith.constant 0 : i32
      %dma_start3A_160 = arith.constant 0 : i32
      %dma_start3A_161 = tpu.memref_slice %arg2[%dma_start3A_159, %dma_start3A_160] : memref<10000x128xf32, #tpu.memory_space<hbm>> -> memref<10000x128xf32, #tpu.memory_space<hbm>>
      tpu.enqueue_indirect_dma source(%dma_start3A_161 : memref<10000x128xf32, #tpu.memory_space<hbm>>) target(%arg9 : memref<128x128xf32, #tpu.memory_space<vmem>>) offsets(%dma_start3A_158 : memref<128xi32, #tpu.memory_space<vmem>>) semaphore(%arg12 : memref<!tpu.dma_semaphore, #tpu.memory_space<semaphore_mem>>)
      %dma_wait3A_162 = arith.constant 4 : i32
      %dma_wait3A_163 = arith.constant 0 : i32
      %dma_wait3A_164 = tpu.memref_slice %arg6[%dma_wait3A_162, %dma_wait3A_163] : memref<8x128xi32, #tpu.memory_space<vmem>> -> memref<1x128xi32, #tpu.memory_space<vmem>>
      %dma_wait3A_165 = tpu.memref_squeeze %dma_wait3A_164 : memref<1x128xi32, #tpu.memory_space<vmem>> -> memref<128xi32, #tpu.memory_space<vmem>>
      %dma_wait3A_166 = arith.constant 0 : i32
      %dma_wait3A_167 = arith.constant 0 : i32
      %dma_wait3A_168 = tpu.memref_slice %arg2[%dma_wait3A_166, %dma_wait3A_167] : memref<10000x128xf32, #tpu.memory_space<hbm>> -> memref<10000x128xf32, #tpu.memory_space<hbm>>
      tpu.wait_indirect_dma semaphore(%arg11 : memref<!tpu.dma_semaphore, #tpu.memory_space<semaphore_mem>>) src(%dma_wait3A_168 : memref<10000x128xf32, #tpu.memory_space<hbm>>) dst(%arg8 : memref<128x128xf32, #tpu.memory_space<vmem>>)
      %mul3A_169 = arith.constant 8 : i32
      %mul3A_170 = arith.muli %scan3A_26, %mul3A_169 : i32
      %add3A_171 = arith.constant 4 : i32
      %add3A_172 = arith.addi %mul3A_170, %add3A_171 : i32
      %dma_start3A_173 = arith.constant 0 : i32
      %dma_start3A_174 = tpu.memref_slice %arg7[%add3A_172, %dma_start3A_173] : memref<80x128xi32, #tpu.memory_space<vmem>> -> memref<1x128xi32, #tpu.memory_space<vmem>>
      %dma_start3A_175 = tpu.memref_squeeze %dma_start3A_174 : memref<1x128xi32, #tpu.memory_space<vmem>> -> memref<128xi32, #tpu.memory_space<vmem>>
      %dma_start3A_176 = arith.constant 0 : i32
      %dma_start3A_177 = arith.constant 0 : i32
      %dma_start3A_178 = tpu.memref_slice %arg10[%dma_start3A_176, %dma_start3A_177] : memref<10240x128xf32, #tpu.memory_space<vmem_shared>> -> memref<10240x128xf32, #tpu.memory_space<vmem_shared>>
      tpu.enqueue_indirect_dma source(%arg8 : memref<128x128xf32, #tpu.memory_space<vmem>>) target(%dma_start3A_178 : memref<10240x128xf32, #tpu.memory_space<vmem_shared>>) offsets(%dma_start3A_175 : memref<128xi32, #tpu.memory_space<vmem>>) semaphore(%arg13 : memref<!tpu.dma_semaphore, #tpu.memory_space<semaphore_mem>>) {add = true}
      %dma_wait3A_179 = arith.constant 0 : i32
      %dma_wait3A_180 = tpu.memref_slice %arg7[%add3A_172, %dma_wait3A_179] : memref<80x128xi32, #tpu.memory_space<vmem>> -> memref<1x128xi32, #tpu.memory_space<vmem>>
      %dma_wait3A_181 = tpu.memref_squeeze %dma_wait3A_180 : memref<1x128xi32, #tpu.memory_space<vmem>> -> memref<128xi32, #tpu.memory_space<vmem>>
      %dma_wait3A_182 = arith.constant 0 : i32
      %dma_wait3A_183 = arith.constant 0 : i32
      %dma_wait3A_184 = tpu.memref_slice %arg10[%dma_wait3A_182, %dma_wait3A_183] : memref<10240x128xf32, #tpu.memory_space<vmem_shared>> -> memref<10240x128xf32, #tpu.memory_space<vmem_shared>>
      tpu.wait_indirect_dma semaphore(%arg13 : memref<!tpu.dma_semaphore, #tpu.memory_space<semaphore_mem>>) src(%arg8 : memref<128x128xf32, #tpu.memory_space<vmem>>) dst(%dma_wait3A_184 : memref<10240x128xf32, #tpu.memory_space<vmem_shared>>)
      %dma_start3A_185 = arith.constant 6 : i32
      %dma_start3A_186 = arith.constant 0 : i32
      %dma_start3A_187 = tpu.memref_slice %arg6[%dma_start3A_185, %dma_start3A_186] : memref<8x128xi32, #tpu.memory_space<vmem>> -> memref<1x128xi32, #tpu.memory_space<vmem>>
      %dma_start3A_188 = tpu.memref_squeeze %dma_start3A_187 : memref<1x128xi32, #tpu.memory_space<vmem>> -> memref<128xi32, #tpu.memory_space<vmem>>
      %dma_start3A_189 = arith.constant 0 : i32
      %dma_start3A_190 = arith.constant 0 : i32
      %dma_start3A_191 = tpu.memref_slice %arg2[%dma_start3A_189, %dma_start3A_190] : memref<10000x128xf32, #tpu.memory_space<hbm>> -> memref<10000x128xf32, #tpu.memory_space<hbm>>
      tpu.enqueue_indirect_dma source(%dma_start3A_191 : memref<10000x128xf32, #tpu.memory_space<hbm>>) target(%arg8 : memref<128x128xf32, #tpu.memory_space<vmem>>) offsets(%dma_start3A_188 : memref<128xi32, #tpu.memory_space<vmem>>) semaphore(%arg11 : memref<!tpu.dma_semaphore, #tpu.memory_space<semaphore_mem>>)
      %dma_wait3A_192 = arith.constant 5 : i32
      %dma_wait3A_193 = arith.constant 0 : i32
      %dma_wait3A_194 = tpu.memref_slice %arg6[%dma_wait3A_192, %dma_wait3A_193] : memref<8x128xi32, #tpu.memory_space<vmem>> -> memref<1x128xi32, #tpu.memory_space<vmem>>
      %dma_wait3A_195 = tpu.memref_squeeze %dma_wait3A_194 : memref<1x128xi32, #tpu.memory_space<vmem>> -> memref<128xi32, #tpu.memory_space<vmem>>
      %dma_wait3A_196 = arith.constant 0 : i32
      %dma_wait3A_197 = arith.constant 0 : i32
      %dma_wait3A_198 = tpu.memref_slice %arg2[%dma_wait3A_196, %dma_wait3A_197] : memref<10000x128xf32, #tpu.memory_space<hbm>> -> memref<10000x128xf32, #tpu.memory_space<hbm>>
      tpu.wait_indirect_dma semaphore(%arg12 : memref<!tpu.dma_semaphore, #tpu.memory_space<semaphore_mem>>) src(%dma_wait3A_198 : memref<10000x128xf32, #tpu.memory_space<hbm>>) dst(%arg9 : memref<128x128xf32, #tpu.memory_space<vmem>>)
      %mul3A_199 = arith.constant 8 : i32
      %mul3A_200 = arith.muli %scan3A_26, %mul3A_199 : i32
      %add3A_201 = arith.constant 5 : i32
      %add3A_202 = arith.addi %mul3A_200, %add3A_201 : i32
      %dma_start3A_203 = arith.constant 0 : i32
      %dma_start3A_204 = tpu.memref_slice %arg7[%add3A_202, %dma_start3A_203] : memref<80x128xi32, #tpu.memory_space<vmem>> -> memref<1x128xi32, #tpu.memory_space<vmem>>
      %dma_start3A_205 = tpu.memref_squeeze %dma_start3A_204 : memref<1x128xi32, #tpu.memory_space<vmem>> -> memref<128xi32, #tpu.memory_space<vmem>>
      %dma_start3A_206 = arith.constant 0 : i32
      %dma_start3A_207 = arith.constant 0 : i32
      %dma_start3A_208 = tpu.memref_slice %arg10[%dma_start3A_206, %dma_start3A_207] : memref<10240x128xf32, #tpu.memory_space<vmem_shared>> -> memref<10240x128xf32, #tpu.memory_space<vmem_shared>>
      tpu.enqueue_indirect_dma source(%arg9 : memref<128x128xf32, #tpu.memory_space<vmem>>) target(%dma_start3A_208 : memref<10240x128xf32, #tpu.memory_space<vmem_shared>>) offsets(%dma_start3A_205 : memref<128xi32, #tpu.memory_space<vmem>>) semaphore(%arg14 : memref<!tpu.dma_semaphore, #tpu.memory_space<semaphore_mem>>) {add = true}
      %dma_wait3A_209 = arith.constant 0 : i32
      %dma_wait3A_210 = tpu.memref_slice %arg7[%add3A_202, %dma_wait3A_209] : memref<80x128xi32, #tpu.memory_space<vmem>> -> memref<1x128xi32, #tpu.memory_space<vmem>>
      %dma_wait3A_211 = tpu.memref_squeeze %dma_wait3A_210 : memref<1x128xi32, #tpu.memory_space<vmem>> -> memref<128xi32, #tpu.memory_space<vmem>>
      %dma_wait3A_212 = arith.constant 0 : i32
      %dma_wait3A_213 = arith.constant 0 : i32
      %dma_wait3A_214 = tpu.memref_slice %arg10[%dma_wait3A_212, %dma_wait3A_213] : memref<10240x128xf32, #tpu.memory_space<vmem_shared>> -> memref<10240x128xf32, #tpu.memory_space<vmem_shared>>
      tpu.wait_indirect_dma semaphore(%arg14 : memref<!tpu.dma_semaphore, #tpu.memory_space<semaphore_mem>>) src(%arg9 : memref<128x128xf32, #tpu.memory_space<vmem>>) dst(%dma_wait3A_214 : memref<10240x128xf32, #tpu.memory_space<vmem_shared>>)
      %dma_start3A_215 = arith.constant 7 : i32
      %dma_start3A_216 = arith.constant 0 : i32
      %dma_start3A_217 = tpu.memref_slice %arg6[%dma_start3A_215, %dma_start3A_216] : memref<8x128xi32, #tpu.memory_space<vmem>> -> memref<1x128xi32, #tpu.memory_space<vmem>>
      %dma_start3A_218 = tpu.memref_squeeze %dma_start3A_217 : memref<1x128xi32, #tpu.memory_space<vmem>> -> memref<128xi32, #tpu.memory_space<vmem>>
      %dma_start3A_219 = arith.constant 0 : i32
      %dma_start3A_220 = arith.constant 0 : i32
      %dma_start3A_221 = tpu.memref_slice %arg2[%dma_start3A_219, %dma_start3A_220] : memref<10000x128xf32, #tpu.memory_space<hbm>> -> memref<10000x128xf32, #tpu.memory_space<hbm>>
      tpu.enqueue_indirect_dma source(%dma_start3A_221 : memref<10000x128xf32, #tpu.memory_space<hbm>>) target(%arg9 : memref<128x128xf32, #tpu.memory_space<vmem>>) offsets(%dma_start3A_218 : memref<128xi32, #tpu.memory_space<vmem>>) semaphore(%arg12 : memref<!tpu.dma_semaphore, #tpu.memory_space<semaphore_mem>>)
      %dma_wait3A_222 = arith.constant 6 : i32
      %dma_wait3A_223 = arith.constant 0 : i32
      %dma_wait3A_224 = tpu.memref_slice %arg6[%dma_wait3A_222, %dma_wait3A_223] : memref<8x128xi32, #tpu.memory_space<vmem>> -> memref<1x128xi32, #tpu.memory_space<vmem>>
      %dma_wait3A_225 = tpu.memref_squeeze %dma_wait3A_224 : memref<1x128xi32, #tpu.memory_space<vmem>> -> memref<128xi32, #tpu.memory_space<vmem>>
      %dma_wait3A_226 = arith.constant 0 : i32
      %dma_wait3A_227 = arith.constant 0 : i32
      %dma_wait3A_228 = tpu.memref_slice %arg2[%dma_wait3A_226, %dma_wait3A_227] : memref<10000x128xf32, #tpu.memory_space<hbm>> -> memref<10000x128xf32, #tpu.memory_space<hbm>>
      tpu.wait_indirect_dma semaphore(%arg11 : memref<!tpu.dma_semaphore, #tpu.memory_space<semaphore_mem>>) src(%dma_wait3A_228 : memref<10000x128xf32, #tpu.memory_space<hbm>>) dst(%arg8 : memref<128x128xf32, #tpu.memory_space<vmem>>)
      %mul3A_229 = arith.constant 8 : i32
      %mul3A_230 = arith.muli %scan3A_26, %mul3A_229 : i32
      %add3A_231 = arith.constant 6 : i32
      %add3A_232 = arith.addi %mul3A_230, %add3A_231 : i32
      %dma_start3A_233 = arith.constant 0 : i32
      %dma_start3A_234 = tpu.memref_slice %arg7[%add3A_232, %dma_start3A_233] : memref<80x128xi32, #tpu.memory_space<vmem>> -> memref<1x128xi32, #tpu.memory_space<vmem>>
      %dma_start3A_235 = tpu.memref_squeeze %dma_start3A_234 : memref<1x128xi32, #tpu.memory_space<vmem>> -> memref<128xi32, #tpu.memory_space<vmem>>
      %dma_start3A_236 = arith.constant 0 : i32
      %dma_start3A_237 = arith.constant 0 : i32
      %dma_start3A_238 = tpu.memref_slice %arg10[%dma_start3A_236, %dma_start3A_237] : memref<10240x128xf32, #tpu.memory_space<vmem_shared>> -> memref<10240x128xf32, #tpu.memory_space<vmem_shared>>
      tpu.enqueue_indirect_dma source(%arg8 : memref<128x128xf32, #tpu.memory_space<vmem>>) target(%dma_start3A_238 : memref<10240x128xf32, #tpu.memory_space<vmem_shared>>) offsets(%dma_start3A_235 : memref<128xi32, #tpu.memory_space<vmem>>) semaphore(%arg13 : memref<!tpu.dma_semaphore, #tpu.memory_space<semaphore_mem>>) {add = true}
      %dma_wait3A_239 = arith.constant 7 : i32
      %dma_wait3A_240 = arith.constant 0 : i32
      %dma_wait3A_241 = tpu.memref_slice %arg6[%dma_wait3A_239, %dma_wait3A_240] : memref<8x128xi32, #tpu.memory_space<vmem>> -> memref<1x128xi32, #tpu.memory_space<vmem>>
      %dma_wait3A_242 = tpu.memref_squeeze %dma_wait3A_241 : memref<1x128xi32, #tpu.memory_space<vmem>> -> memref<128xi32, #tpu.memory_space<vmem>>
      %dma_wait3A_243 = arith.constant 0 : i32
      %dma_wait3A_244 = arith.constant 0 : i32
      %dma_wait3A_245 = tpu.memref_slice %arg2[%dma_wait3A_243, %dma_wait3A_244] : memref<10000x128xf32, #tpu.memory_space<hbm>> -> memref<10000x128xf32, #tpu.memory_space<hbm>>
      tpu.wait_indirect_dma semaphore(%arg12 : memref<!tpu.dma_semaphore, #tpu.memory_space<semaphore_mem>>) src(%dma_wait3A_245 : memref<10000x128xf32, #tpu.memory_space<hbm>>) dst(%arg9 : memref<128x128xf32, #tpu.memory_space<vmem>>)
      %mul3A_246 = arith.constant 8 : i32
      %mul3A_247 = arith.muli %scan3A_26, %mul3A_246 : i32
      %add3A_248 = arith.constant 7 : i32
      %add3A_249 = arith.addi %mul3A_247, %add3A_248 : i32
      %dma_start3A_250 = arith.constant 0 : i32
      %dma_start3A_251 = tpu.memref_slice %arg7[%add3A_249, %dma_start3A_250] : memref<80x128xi32, #tpu.memory_space<vmem>> -> memref<1x128xi32, #tpu.memory_space<vmem>>
      %dma_start3A_252 = tpu.memref_squeeze %dma_start3A_251 : memref<1x128xi32, #tpu.memory_space<vmem>> -> memref<128xi32, #tpu.memory_space<vmem>>
      %dma_start3A_253 = arith.constant 0 : i32
      %dma_start3A_254 = arith.constant 0 : i32
      %dma_start3A_255 = tpu.memref_slice %arg10[%dma_start3A_253, %dma_start3A_254] : memref<10240x128xf32, #tpu.memory_space<vmem_shared>> -> memref<10240x128xf32, #tpu.memory_space<vmem_shared>>
      tpu.enqueue_indirect_dma source(%arg9 : memref<128x128xf32, #tpu.memory_space<vmem>>) target(%dma_start3A_255 : memref<10240x128xf32, #tpu.memory_space<vmem_shared>>) offsets(%dma_start3A_252 : memref<128xi32, #tpu.memory_space<vmem>>) semaphore(%arg14 : memref<!tpu.dma_semaphore, #tpu.memory_space<semaphore_mem>>) {add = true}
      %dma_wait3A_256 = arith.constant 0 : i32
      %dma_wait3A_257 = tpu.memref_slice %arg7[%add3A_232, %dma_wait3A_256] : memref<80x128xi32, #tpu.memory_space<vmem>> -> memref<1x128xi32, #tpu.memory_space<vmem>>
      %dma_wait3A_258 = tpu.memref_squeeze %dma_wait3A_257 : memref<1x128xi32, #tpu.memory_space<vmem>> -> memref<128xi32, #tpu.memory_space<vmem>>
      %dma_wait3A_259 = arith.constant 0 : i32
      %dma_wait3A_260 = arith.constant 0 : i32
      %dma_wait3A_261 = tpu.memref_slice %arg10[%dma_wait3A_259, %dma_wait3A_260] : memref<10240x128xf32, #tpu.memory_space<vmem_shared>> -> memref<10240x128xf32, #tpu.memory_space<vmem_shared>>
      tpu.wait_indirect_dma semaphore(%arg13 : memref<!tpu.dma_semaphore, #tpu.memory_space<semaphore_mem>>) src(%arg8 : memref<128x128xf32, #tpu.memory_space<vmem>>) dst(%dma_wait3A_261 : memref<10240x128xf32, #tpu.memory_space<vmem_shared>>)
      %dma_wait3A_262 = arith.constant 0 : i32
      %dma_wait3A_263 = tpu.memref_slice %arg7[%add3A_249, %dma_wait3A_262] : memref<80x128xi32, #tpu.memory_space<vmem>> -> memref<1x128xi32, #tpu.memory_space<vmem>>
      %dma_wait3A_264 = tpu.memref_squeeze %dma_wait3A_263 : memref<1x128xi32, #tpu.memory_space<vmem>> -> memref<128xi32, #tpu.memory_space<vmem>>
      %dma_wait3A_265 = arith.constant 0 : i32
      %dma_wait3A_266 = arith.constant 0 : i32
      %dma_wait3A_267 = tpu.memref_slice %arg10[%dma_wait3A_265, %dma_wait3A_266] : memref<10240x128xf32, #tpu.memory_space<vmem_shared>> -> memref<10240x128xf32, #tpu.memory_space<vmem_shared>>
      tpu.wait_indirect_dma semaphore(%arg14 : memref<!tpu.dma_semaphore, #tpu.memory_space<semaphore_mem>>) src(%arg9 : memref<128x128xf32, #tpu.memory_space<vmem>>) dst(%dma_wait3A_267 : memref<10240x128xf32, #tpu.memory_space<vmem_shared>>)
      %scan3A_268 = arith.constant 0 : i32
      scf.yield %scan3A_268 : i32
    }
    %scan3A_20 = arith.constant 10 : i32
    %barrier3A_21 = arith.constant 0 : index
    tpu.barrier barrier_id(%barrier3A_21)
    %mul3A_22 = arith.constant 640 : i32
    %mul3A_23 = arith.muli %arg1, %mul3A_22 : i32
    %mul3A_24 = arith.constant 640 : i32
    %mul3A_25 = arith.muli %arg1, %mul3A_24 : i32
    "tpu.region"() ({
      %run_scoped3A = tpu.sem_alloc : memref<!tpu.dma_semaphore, #tpu.memory_space<semaphore_mem>>
      %dma_start3A = arith.constant 0 : i32
      %dma_start3A_26 = tpu.memref_slice %arg5[%arg0, %mul3A_25, %dma_start3A] : memref<2x10240x128xf32, #tpu.memory_space<hbm>> -> memref<1x640x128xf32, #tpu.memory_space<hbm>>
      %dma_start3A_27 = tpu.memref_squeeze %dma_start3A_26 : memref<1x640x128xf32, #tpu.memory_space<hbm>> -> memref<640x128xf32, #tpu.memory_space<hbm>>
      %dma_start3A_28 = arith.constant 0 : i32
      %dma_start3A_29 = tpu.memref_slice %arg10[%mul3A_23, %dma_start3A_28] : memref<10240x128xf32, #tpu.memory_space<vmem_shared>> -> memref<640x128xf32, #tpu.memory_space<vmem_shared>>
      tpu.enqueue_dma source(%dma_start3A_29 : memref<640x128xf32, #tpu.memory_space<vmem_shared>>) target(%dma_start3A_27 : memref<640x128xf32, #tpu.memory_space<hbm>>) target_semaphore(%run_scoped3A : memref<!tpu.dma_semaphore, #tpu.memory_space<semaphore_mem>>)
      %dma_wait3A = arith.constant 0 : i32
      %dma_wait3A_30 = tpu.memref_slice %arg5[%arg0, %mul3A_25, %dma_wait3A] : memref<2x10240x128xf32, #tpu.memory_space<hbm>> -> memref<1x640x128xf32, #tpu.memory_space<hbm>>
      %dma_wait3A_31 = tpu.memref_squeeze %dma_wait3A_30 : memref<1x640x128xf32, #tpu.memory_space<hbm>> -> memref<640x128xf32, #tpu.memory_space<hbm>>
      %dma_wait3A_32 = arith.constant 0 : i32
      %dma_wait3A_33 = tpu.memref_slice %arg10[%mul3A_23, %dma_wait3A_32] : memref<10240x128xf32, #tpu.memory_space<vmem_shared>> -> memref<640x128xf32, #tpu.memory_space<vmem_shared>>
      tpu.wait_dma2 semaphore(%run_scoped3A : memref<!tpu.dma_semaphore, #tpu.memory_space<semaphore_mem>>) src(%dma_wait3A_33 : memref<640x128xf32, #tpu.memory_space<vmem_shared>>) dst(%dma_wait3A_31 : memref<640x128xf32, #tpu.memory_space<hbm>>)
      tpu.yield
    }) : () -> ()
    return
  }
}

module attributes {stable_mosaic.version = 14 : i64} {
  func.func @_tc1_body(%arg0: i32, %arg1: memref<1000x128xf32, #tpu.memory_space<vmem>>, %arg2: memref<128x128xf32, #tpu.memory_space<vmem>>, %arg3: memref<2x1000x16xf32, #tpu.memory_space<vmem>>, %arg4: memref<1000x128xf32, #tpu.memory_space<vmem>>) attributes {dimension_semantics = [#tpu.dimension_semantics<arbitrary>], iteration_bounds = array<i64: 10>, scalar_prefetch = 0 : i64, scratch_operands = 0 : i64, tpu.core_type = #tpu.core_type<tc>, window_params = [{transform_indices = @transform_0, window_bounds = array<i64: 1000, 128>}, {pipeline_mode = #tpu.pipeline_mode<synchronous>, transform_indices = @transform_1, window_bounds = array<i64: 128, 128>}, {transform_indices = @transform_2, window_bounds = array<i64: 2, 1000, 16>}, {transform_indices = @transform_3, window_bounds = array<i64: 1000, 128>}]} {
    %get3A = arith.constant 0 : index
    %get3A_0 = arith.constant 0 : index
    %get3A_1 = arith.constant 0 : index
    %get3A_2 = vector.load %arg3[%get3A, %get3A_0, %get3A_1] : memref<2x1000x16xf32, #tpu.memory_space<vmem>>, vector<1x1000x1xf32>
    %get3A_3 = vector.shape_cast %get3A_2 : vector<1x1000x1xf32> to vector<1000x1xf32>
    %get3A_4 = arith.constant 1 : index
    %get3A_5 = arith.constant 0 : index
    %get3A_6 = arith.constant 0 : index
    %get3A_7 = vector.load %arg3[%get3A_4, %get3A_5, %get3A_6] : memref<2x1000x16xf32, #tpu.memory_space<vmem>>, vector<1x1000x1xf32>
    %get3A_8 = vector.shape_cast %get3A_7 : vector<1x1000x1xf32> to vector<1000x1xf32>
    %add3A = arith.addf %get3A_3, %get3A_8 : vector<1000x1xf32>
    %add3A_9 = arith.constant 1.000000e+00 : f32
    %add3A_10 = vector.broadcast %add3A_9 : f32 to vector<1000x1xf32>
    %add3A_11 = arith.addf %add3A, %add3A_10 : vector<1000x1xf32>
    %rsqrt3A = math.rsqrt %add3A_11 : vector<1000x1xf32>
    %get3A_12 = arith.constant 0 : index
    %get3A_13 = arith.constant 0 : index
    %get3A_14 = vector.load %arg1[%get3A_12, %get3A_13] : memref<1000x128xf32, #tpu.memory_space<vmem>>, vector<1000x128xf32>
    %get3A_15 = arith.constant 0 : index
    %get3A_16 = arith.constant 0 : index
    %get3A_17 = vector.load %arg2[%get3A_15, %get3A_16] : memref<128x128xf32, #tpu.memory_space<vmem>>, vector<128x128xf32>
    %dot_general3A = arith.constant dense<0.000000e+00> : vector<1000x128xf32>
    %dot_general3A_18 = tpu.matmul %get3A_14, %get3A_17, %dot_general3A {dimension_numbers = #tpu.dot_dimension_numbers<[1], [0], [0], [1], [0, 0, 1, 1], [], []>, transpose_lhs_hint = false} : vector<1000x128xf32>, vector<128x128xf32>, vector<1000x128xf32> -> vector<1000x128xf32>
    %mul3A = vector.broadcast %rsqrt3A : vector<1000x1xf32> to vector<1000x128xf32>
    %mul3A_19 = arith.mulf %dot_general3A_18, %mul3A : vector<1000x128xf32>
    %swap3A = arith.constant 0 : index
    %swap3A_20 = arith.constant 0 : index
    %swap3A_21 = vector.load %arg4[%swap3A, %swap3A_20] : memref<1000x128xf32, #tpu.memory_space<vmem>>, vector<1000x128xf32>
    tpu.vector_store %arg4[%swap3A, %swap3A_20], %mul3A_19 {strides = array<i32>} : memref<1000x128xf32, #tpu.memory_space<vmem>>, vector<1000x128xf32>,
    return
  }
  func.func @transform_0(%arg0: i32) -> (i32, i32) {
    %c0_i32 = arith.constant 0 : i32
    %c0_i32_0 = arith.constant 0 : i32
    return %arg0, %c0_i32 : i32, i32
  }
  func.func @transform_1(%arg0: i32) -> (i32, i32) {
    %c0_i32 = arith.constant 0 : i32
    %c0_i32_0 = arith.constant 0 : i32
    %c0_i32_1 = arith.constant 0 : i32
    return %c0_i32, %c0_i32_0 : i32, i32
  }
  func.func @transform_2(%arg0: i32) -> (i32, i32, i32) {
    %c0_i32 = arith.constant 0 : i32
    %c0_i32_0 = arith.constant 0 : i32
    %c0_i32_1 = arith.constant 0 : i32
    return %c0_i32, %arg0, %c0_i32_0 : i32, i32, i32
  }
  func.func @transform_3(%arg0: i32) -> (i32, i32) {
    %c0_i32 = arith.constant 0 : i32
    %c0_i32_0 = arith.constant 0 : i32
    return %arg0, %c0_i32 : i32, i32
  }
}

module attributes {stable_mosaic.version = 14 : i64} {
  func.func @_tc2_body(%arg0: i32, %arg1: memref<2x1000x128xf32, #tpu.memory_space<vmem>>, %arg2: memref<1000x128xf32, #tpu.memory_space<vmem>>, %arg3: memref<2x1000x16xf32, #tpu.memory_space<vmem>>, %arg4: memref<1x128xf32, #tpu.memory_space<vmem>>, %arg5: memref<128x128xf32, #tpu.memory_space<vmem>>, %arg6: memref<1000x128xf32, #tpu.memory_space<vmem>>) attributes {dimension_semantics = [#tpu.dimension_semantics<arbitrary>], iteration_bounds = array<i64: 10>, scalar_prefetch = 0 : i64, scratch_operands = 0 : i64, tpu.core_type = #tpu.core_type<tc>, window_params = [{transform_indices = @transform_0, window_bounds = array<i64: 2, 1000, 128>}, {transform_indices = @transform_1, window_bounds = array<i64: 1000, 128>}, {transform_indices = @transform_2, window_bounds = array<i64: 2, 1000, 16>}, {pipeline_mode = #tpu.pipeline_mode<synchronous>, transform_indices = @transform_3, window_bounds = array<i64: 1, 128>}, {pipeline_mode = #tpu.pipeline_mode<synchronous>, transform_indices = @transform_4, window_bounds = array<i64: 128, 128>}, {transform_indices = @transform_5, window_bounds = array<i64: 1000, 128>}]} {
    %get3A = arith.constant 0 : index
    %get3A_0 = arith.constant 0 : index
    %get3A_1 = arith.constant 0 : index
    %get3A_2 = vector.load %arg3[%get3A, %get3A_0, %get3A_1] : memref<2x1000x16xf32, #tpu.memory_space<vmem>>, vector<1x1000x1xf32>
    %get3A_3 = vector.shape_cast %get3A_2 : vector<1x1000x1xf32> to vector<1000x1xf32>
    %get3A_4 = arith.constant 1 : index
    %get3A_5 = arith.constant 0 : index
    %get3A_6 = arith.constant 0 : index
    %get3A_7 = vector.load %arg3[%get3A_4, %get3A_5, %get3A_6] : memref<2x1000x16xf32, #tpu.memory_space<vmem>>, vector<1x1000x1xf32>
    %get3A_8 = vector.shape_cast %get3A_7 : vector<1x1000x1xf32> to vector<1000x1xf32>
    %add3A = arith.addf %get3A_3, %get3A_8 : vector<1000x1xf32>
    %add3A_9 = arith.constant 1.000000e+00 : f32
    %add3A_10 = vector.broadcast %add3A_9 : f32 to vector<1000x1xf32>
    %add3A_11 = arith.addf %add3A, %add3A_10 : vector<1000x1xf32>
    %rsqrt3A = math.rsqrt %add3A_11 : vector<1000x1xf32>
    %get3A_12 = arith.constant 0 : index
    %get3A_13 = arith.constant 0 : index
    %get3A_14 = arith.constant 0 : index
    %get3A_15 = vector.load %arg1[%get3A_12, %get3A_13, %get3A_14] : memref<2x1000x128xf32, #tpu.memory_space<vmem>>, vector<1x1000x128xf32>
    %get3A_16 = vector.shape_cast %get3A_15 : vector<1x1000x128xf32> to vector<1000x128xf32>
    %get3A_17 = arith.constant 1 : index
    %get3A_18 = arith.constant 0 : index
    %get3A_19 = arith.constant 0 : index
    %get3A_20 = vector.load %arg1[%get3A_17, %get3A_18, %get3A_19] : memref<2x1000x128xf32, #tpu.memory_space<vmem>>, vector<1x1000x128xf32>
    %get3A_21 = vector.shape_cast %get3A_20 : vector<1x1000x128xf32> to vector<1000x128xf32>
    %add3A_22 = arith.addf %get3A_16, %get3A_21 : vector<1000x128xf32>
    %get3A_23 = arith.constant 0 : index
    %get3A_24 = arith.constant 0 : index
    %get3A_25 = vector.load %arg2[%get3A_23, %get3A_24] : memref<1000x128xf32, #tpu.memory_space<vmem>>, vector<1000x128xf32>
    %add3A_26 = arith.addf %add3A_22, %get3A_25 : vector<1000x128xf32>
    %mul3A = vector.broadcast %rsqrt3A : vector<1000x1xf32> to vector<1000x128xf32>
    %mul3A_27 = arith.mulf %mul3A, %add3A_26 : vector<1000x128xf32>
    %get3A_28 = arith.constant 0 : index
    %get3A_29 = arith.constant 0 : index
    %get3A_30 = vector.load %arg4[%get3A_28, %get3A_29] : memref<1x128xf32, #tpu.memory_space<vmem>>, vector<1x128xf32>
    %add3A_31 = vector.broadcast %get3A_30 : vector<1x128xf32> to vector<1000x128xf32>
    %add3A_32 = arith.addf %mul3A_27, %add3A_31 : vector<1000x128xf32>
    %max3A = arith.constant 0.000000e+00 : f32
    %max3A_33 = vector.broadcast %max3A : f32 to vector<1000x128xf32>
    %max3A_34 = arith.maximumf %add3A_32, %max3A_33 : vector<1000x128xf32>
    %get3A_35 = arith.constant 0 : index
    %get3A_36 = arith.constant 0 : index
    %get3A_37 = vector.load %arg5[%get3A_35, %get3A_36] : memref<128x128xf32, #tpu.memory_space<vmem>>, vector<128x128xf32>
    %dot_general3A = arith.constant dense<0.000000e+00> : vector<1000x128xf32>
    %dot_general3A_38 = tpu.matmul %max3A_34, %get3A_37, %dot_general3A {dimension_numbers = #tpu.dot_dimension_numbers<[1], [0], [0], [1], [0, 0, 1, 1], [], []>, transpose_lhs_hint = false} : vector<1000x128xf32>, vector<128x128xf32>, vector<1000x128xf32> -> vector<1000x128xf32>
    %mul3A_39 = vector.broadcast %rsqrt3A : vector<1000x1xf32> to vector<1000x128xf32>
    %mul3A_40 = arith.mulf %dot_general3A_38, %mul3A_39 : vector<1000x128xf32>
    %swap3A = arith.constant 0 : index
    %swap3A_41 = arith.constant 0 : index
    %swap3A_42 = vector.load %arg6[%swap3A, %swap3A_41] : memref<1000x128xf32, #tpu.memory_space<vmem>>, vector<1000x128xf32>
    tpu.vector_store %arg6[%swap3A, %swap3A_41], %mul3A_40 {strides = array<i32>} : memref<1000x128xf32, #tpu.memory_space<vmem>>, vector<1000x128xf32>,
    return
  }
  func.func @transform_0(%arg0: i32) -> (i32, i32, i32) {
    %c0_i32 = arith.constant 0 : i32
    %c0_i32_0 = arith.constant 0 : i32
    %c0_i32_1 = arith.constant 0 : i32
    return %c0_i32, %arg0, %c0_i32_0 : i32, i32, i32
  }
  func.func @transform_1(%arg0: i32) -> (i32, i32) {
    %c0_i32 = arith.constant 0 : i32
    %c0_i32_0 = arith.constant 0 : i32
    return %arg0, %c0_i32 : i32, i32
  }
  func.func @transform_2(%arg0: i32) -> (i32, i32, i32) {
    %c0_i32 = arith.constant 0 : i32
    %c0_i32_0 = arith.constant 0 : i32
    %c0_i32_1 = arith.constant 0 : i32
    return %c0_i32, %arg0, %c0_i32_0 : i32, i32, i32
  }
  func.func @transform_3(%arg0: i32) -> (i32, i32) {
    %c0_i32 = arith.constant 0 : i32
    %c0_i32_0 = arith.constant 0 : i32
    %c0_i32_1 = arith.constant 0 : i32
    return %c0_i32, %c0_i32_0 : i32, i32
  }
  func.func @transform_4(%arg0: i32) -> (i32, i32) {
    %c0_i32 = arith.constant 0 : i32
    %c0_i32_0 = arith.constant 0 : i32
    %c0_i32_1 = arith.constant 0 : i32
    return %c0_i32, %c0_i32_0 : i32, i32
  }
  func.func @transform_5(%arg0: i32) -> (i32, i32) {
    %c0_i32 = arith.constant 0 : i32
    %c0_i32_0 = arith.constant 0 : i32
    return %arg0, %c0_i32 : i32, i32
  }
}

module attributes {stable_mosaic.version = 14 : i64} {
  func.func @_tc3_body(%arg0: i32, %arg1: memref<2x1000x128xf32, #tpu.memory_space<vmem>>, %arg2: memref<1000x128xf32, #tpu.memory_space<vmem>>, %arg3: memref<2x1000x16xf32, #tpu.memory_space<vmem>>, %arg4: memref<1x128xf32, #tpu.memory_space<vmem>>, %arg5: memref<1000x128xf32, #tpu.memory_space<vmem>>) attributes {dimension_semantics = [#tpu.dimension_semantics<arbitrary>], iteration_bounds = array<i64: 10>, scalar_prefetch = 0 : i64, scratch_operands = 0 : i64, tpu.core_type = #tpu.core_type<tc>, window_params = [{transform_indices = @transform_0, window_bounds = array<i64: 2, 1000, 128>}, {transform_indices = @transform_1, window_bounds = array<i64: 1000, 128>}, {transform_indices = @transform_2, window_bounds = array<i64: 2, 1000, 16>}, {pipeline_mode = #tpu.pipeline_mode<synchronous>, transform_indices = @transform_3, window_bounds = array<i64: 1, 128>}, {transform_indices = @transform_4, window_bounds = array<i64: 1000, 128>}]} {
    %get3A = arith.constant 0 : index
    %get3A_0 = arith.constant 0 : index
    %get3A_1 = arith.constant 0 : index
    %get3A_2 = vector.load %arg3[%get3A, %get3A_0, %get3A_1] : memref<2x1000x16xf32, #tpu.memory_space<vmem>>, vector<1x1000x1xf32>
    %get3A_3 = vector.shape_cast %get3A_2 : vector<1x1000x1xf32> to vector<1000x1xf32>
    %get3A_4 = arith.constant 1 : index
    %get3A_5 = arith.constant 0 : index
    %get3A_6 = arith.constant 0 : index
    %get3A_7 = vector.load %arg3[%get3A_4, %get3A_5, %get3A_6] : memref<2x1000x16xf32, #tpu.memory_space<vmem>>, vector<1x1000x1xf32>
    %get3A_8 = vector.shape_cast %get3A_7 : vector<1x1000x1xf32> to vector<1000x1xf32>
    %add3A = arith.addf %get3A_3, %get3A_8 : vector<1000x1xf32>
    %add3A_9 = arith.constant 1.000000e+00 : f32
    %add3A_10 = vector.broadcast %add3A_9 : f32 to vector<1000x1xf32>
    %add3A_11 = arith.addf %add3A, %add3A_10 : vector<1000x1xf32>
    %rsqrt3A = math.rsqrt %add3A_11 : vector<1000x1xf32>
    %get3A_12 = arith.constant 0 : index
    %get3A_13 = arith.constant 0 : index
    %get3A_14 = arith.constant 0 : index
    %get3A_15 = vector.load %arg1[%get3A_12, %get3A_13, %get3A_14] : memref<2x1000x128xf32, #tpu.memory_space<vmem>>, vector<1x1000x128xf32>
    %get3A_16 = vector.shape_cast %get3A_15 : vector<1x1000x128xf32> to vector<1000x128xf32>
    %get3A_17 = arith.constant 1 : index
    %get3A_18 = arith.constant 0 : index
    %get3A_19 = arith.constant 0 : index
    %get3A_20 = vector.load %arg1[%get3A_17, %get3A_18, %get3A_19] : memref<2x1000x128xf32, #tpu.memory_space<vmem>>, vector<1x1000x128xf32>
    %get3A_21 = vector.shape_cast %get3A_20 : vector<1x1000x128xf32> to vector<1000x128xf32>
    %add3A_22 = arith.addf %get3A_16, %get3A_21 : vector<1000x128xf32>
    %get3A_23 = arith.constant 0 : index
    %get3A_24 = arith.constant 0 : index
    %get3A_25 = vector.load %arg2[%get3A_23, %get3A_24] : memref<1000x128xf32, #tpu.memory_space<vmem>>, vector<1000x128xf32>
    %add3A_26 = arith.addf %add3A_22, %get3A_25 : vector<1000x128xf32>
    %mul3A = vector.broadcast %rsqrt3A : vector<1000x1xf32> to vector<1000x128xf32>
    %mul3A_27 = arith.mulf %mul3A, %add3A_26 : vector<1000x128xf32>
    %get3A_28 = arith.constant 0 : index
    %get3A_29 = arith.constant 0 : index
    %get3A_30 = vector.load %arg4[%get3A_28, %get3A_29] : memref<1x128xf32, #tpu.memory_space<vmem>>, vector<1x128xf32>
    %add3A_31 = vector.broadcast %get3A_30 : vector<1x128xf32> to vector<1000x128xf32>
    %add3A_32 = arith.addf %mul3A_27, %add3A_31 : vector<1000x128xf32>
    %reduce_max3A = arith.constant dense<0xFF800000> : vector<1000xf32>
    %reduce_max3A_33 = vector.multi_reduction <maximumf>, %add3A_32, %reduce_max3A [1] : vector<1000x128xf32> to vector<1000xf32>
    %broadcast_in_dim3A = vector.shape_cast %reduce_max3A_33 : vector<1000xf32> to vector<1000x1xf32>
    %sub3A = vector.broadcast %broadcast_in_dim3A : vector<1000x1xf32> to vector<1000x128xf32>
    %sub3A_34 = arith.subf %add3A_32, %sub3A : vector<1000x128xf32>
    %exp3A = math.exp %sub3A_34 : vector<1000x128xf32>
    %reduce_sum3A = arith.constant dense<0.000000e+00> : vector<1000xf32>
    %reduce_sum3A_35 = vector.multi_reduction <add>, %exp3A, %reduce_sum3A [1] : vector<1000x128xf32> to vector<1000xf32>
    %broadcast_in_dim3A_36 = vector.shape_cast %reduce_sum3A_35 : vector<1000xf32> to vector<1000x1xf32>
    %sub3A_37 = vector.broadcast %broadcast_in_dim3A : vector<1000x1xf32> to vector<1000x128xf32>
    %sub3A_38 = arith.subf %add3A_32, %sub3A_37 : vector<1000x128xf32>
    %log3A = math.log %broadcast_in_dim3A_36 : vector<1000x1xf32>
    %sub3A_39 = vector.broadcast %log3A : vector<1000x1xf32> to vector<1000x128xf32>
    %sub3A_40 = arith.subf %sub3A_38, %sub3A_39 : vector<1000x128xf32>
    %swap3A = arith.constant 0 : index
    %swap3A_41 = arith.constant 0 : index
    %swap3A_42 = vector.load %arg5[%swap3A, %swap3A_41] : memref<1000x128xf32, #tpu.memory_space<vmem>>, vector<1000x128xf32>
    tpu.vector_store %arg5[%swap3A, %swap3A_41], %sub3A_40 {strides = array<i32>} : memref<1000x128xf32, #tpu.memory_space<vmem>>, vector<1000x128xf32>,
    return
  }
  func.func @transform_0(%arg0: i32) -> (i32, i32, i32) {
    %c0_i32 = arith.constant 0 : i32
    %c0_i32_0 = arith.constant 0 : i32
    %c0_i32_1 = arith.constant 0 : i32
    return %c0_i32, %arg0, %c0_i32_0 : i32, i32, i32
  }
  func.func @transform_1(%arg0: i32) -> (i32, i32) {
    %c0_i32 = arith.constant 0 : i32
    %c0_i32_0 = arith.constant 0 : i32
    return %arg0, %c0_i32 : i32, i32
  }
  func.func @transform_2(%arg0: i32) -> (i32, i32, i32) {
    %c0_i32 = arith.constant 0 : i32
    %c0_i32_0 = arith.constant 0 : i32
    %c0_i32_1 = arith.constant 0 : i32
    return %c0_i32, %arg0, %c0_i32_0 : i32, i32, i32
  }
  func.func @transform_3(%arg0: i32) -> (i32, i32) {
    %c0_i32 = arith.constant 0 : i32
    %c0_i32_0 = arith.constant 0 : i32
    %c0_i32_1 = arith.constant 0 : i32
    return %c0_i32, %c0_i32_0 : i32, i32
  }
  func.func @transform_4(%arg0: i32) -> (i32, i32) {
    %c0_i32 = arith.constant 0 : i32
    %c0_i32_0 = arith.constant 0 : i32
    return %arg0, %c0_i32 : i32, i32
  }
}

</mosaic_0001>

<sc_bundles>
// kernel: kernel.11.cloned.1.call-start
scs
__scs_entry_jumppad:
0x0: {  	(pc) =	sbr.rel $0x88, $3  }
0x1: {  	(tag) =	ssettag $0x0;
	lr =	simm.s32 $0x1  }
0x2: {  	[smem:$0x3F9B] =	sst lr;
	_ =	strace $0xD0000000  }
0x3: {  	_ = 	snop  }
0x4: {  	_ = 	snop  }
0x5: {  	_ = 	snop  }
0x6: {  	_ = 	snop  }
0x7: {  	_ = 	snop  }
__scs_overlays_trampoline_lowered:
0x8: {  	[smem:$0x3FAA] =	sst s0  }
0x9: {  	[smem:$0x3FAB] =	sst s1  }
0xa: {  	[smem:$0x3FAC] =	sst s2  }
0xb: {  	[smem:$0x3FAD] =	sst s3  }
0xc: {  	[smem:$0x3FAE] =	sst s4  }
0xd: {  	[smem:$0x3FAF] =	sst s5  }
0xe: {  	[smem:$0x3FB0] =	sst s6  }
0xf: {  	[smem:$0x3FB1] =	sst s7  }
0x10: {  	[smem:$0x3FB2] =	sst s8  }
0x11: {  	[smem:$0x3FB3] =	sst s9;
	s0 =	simm.s32 @!p0 $0x0  }
0x12: {  	s1 =	sld [smem:$0x3F99];
	s0 =	simm.s32 @p0 $0x1  }
0x13: {  	[smem:$0x3FB4] =	sst s0;
	s0 =	simm.s32 @!p1 $0x0  }
0x14: {  	s2 =	sld [smem:$0x3F98];
	s0 =	simm.s32 @p1 $0x1  }
0x15: {  	[smem:$0x3FB5] =	sst s0;
	s0 =	simm.s32 @!p2 $0x0  }
0x16: {  	s3 =	sld [smem:$0x3FDB];
	s0 =	simm.s32 @p2 $0x1  }
0x17: {  	s4 =	simm.s32 $0x1BF5;
	[smem:$0x3FB7] =	sst s0  }
0x18: {  	s0 =	sld [smem:$0x3F9A];
	_ =	swait.ge [sflag:s4], $0x0  }
0x19: {  	s7 =	sld [smem:$0x3F9B]  }
0x1a: {  	s8 =	sadd.s32 $0xFFFFE003, lr  }
0x1b: {  	s9 =	sadd.s32 $0xFFFFFEF7, lr;
	s5 =	simm.s32 $0xFFFFFFFF;
	p2 =	slt.u32 s8, $0xFFFFF086  }
0x1c: {  	p1 =	slt.u32 s9, $0xF7A;
	s5 =	simm.s32 @!p2 $0x0  }
0x1d: {  	s5 =	simm.s32 @p1 $0x1;
	p0 =	seq.s32 s7, s2  }
0x1e: {  	s7 =	smul.u32 @!p0 $0xF7A, s2;
	p2 =	seq.s32 @!p0 s5, $0x0  }
0x1f: {  	s9 =	smul.u32 $0xF7A, s1;
	s8 =	simm.s32 @!p0 $0x1BF5;
	p2 =	por !p2, p0  }
0x20: {  	[sflag:s8] =	ssyncset.s32 @!p0 $0xFFFFF086;
	s6 =	sadd.s32 @!p0 s3, s7;
	s7 =	simm.s32 @!p0 $0x108  }
0x21: {  	s3 =	sadd.s32 s3, s9;
	s6 =	sadd.s32 @!p0 $0x88, s6;
	s7 =	simm.s32 @p2 $0x1082  }
0x22: {  	[simem:s7], [sflag:s8] =	dma.local @!p0 [hbm:s6], $0xF7A  }
0x23: {  	s9 =	sor.u32 $0xD0000000, s2;
	s6 =	simm.s32 $0x108;
	_ =	swait.ge @!p0 [sflag:s8], $0x0  }
0x24: {  	s3 =	sadd.s32 $0x88, s3;
	s6 =	simm.s32 @!p1 $0x1082;
	[sflag:s4] =	ssyncset.s32 $0xFFFFF086  }
0x25: {  	[simem:s6], [sflag:s4] =	dma.local [hbm:s3], $0xF7A  }
0x26: {  	[smem:$0x3F9B] =	sst s1;
	(tag) =	ssettag s2;
	_ =	strace s9  }
0x27: {  	s1 =	sld [smem:$0x3FAB]  }
0x28: {  	s2 =	sld [smem:$0x3FAC]  }
0x29: {  	s4 =	sld [smem:$0x3FAE]  }
0x2a: {  	p0 =	seq.s32 s5, $0x0;
	s5 =	sld [smem:$0x3FAF]  }
0x2b: {  	s6 =	sld [smem:$0x3FB0]  }
0x2c: {  	s7 =	sld [smem:$0x3FB1]  }
0x2d: {  	s3 =	simm.s32 $0x108;
	s8 =	sld [smem:$0x3FB2]  }
0x2e: {  	s3 =	simm.s32 @!p0 $0x1082;
	s9 =	sld [smem:$0x3FB3]  }
0x2f: {  	lr =	sadd.s32 s0, s3;
	s0 =	sld [smem:$0x3FAA]  }
0x30: {  	s3 =	sld [smem:$0x3FAD]  }
0x31: {  	[smem:$0x3FB6] =	sst s10  }
0x32: {  	s10 =	sld [smem:$0x3FB4];
	_ =	sdelay $0x3  }
0x33: {  	p0 =	seq.s32 s10, $0x1;
	s10 =	sld [smem:$0x3FB6];
	_ =	sdelay $0x3  }
0x34: {  	[smem:$0x3FB6] =	sst s10  }
0x35: {  	s10 =	sld [smem:$0x3FB5];
	_ =	sdelay $0x3  }
0x36: {  	p1 =	seq.s32 s10, $0x1;
	s10 =	sld [smem:$0x3FB6];
	_ =	sdelay $0x3  }
0x37: {  	[smem:$0x3FB6] =	sst s10  }
0x38: {  	s10 =	sld [smem:$0x3FB7]  }
0x39: {  	_ = 	snop;
	(pc) =	sbr.ind lr, $3  }
0x3a: {  	_ = 	snop  }
0x3b: {  	_ = 	snop  }
0x3c: {  	p2 =	seq.s32 s10, $0x1;
	s10 =	sld [smem:$0x3FB6]  }
0x3d: {  	_ =	shalt  }
0x3e: {  	_ =	shalt  }
0x3f: {  	_ =	shalt  }
0x40: {  	_ =	shalt  }
0x41: {  	_ =	shalt  }
0x42: {  	_ =	shalt  }
0x43: {  	_ =	shalt  }
0x44: {  	_ =	shalt  }
0x45: {  	_ =	shalt  }
0x46: {  	_ =	shalt  }
0x47: {  	_ =	shalt  }
0x48: {  	_ =	shalt  }
0x49: {  	_ =	shalt  }
0x4a: {  	_ =	shalt  }
0x4b: {  	_ =	shalt  }
0x4c: {  	_ =	shalt  }
0x4d: {  	_ =	shalt  }
0x4e: {  	_ =	shalt  }
0x4f: {  	_ =	shalt  }
0x50: {  	_ =	shalt  }
0x51: {  	_ =	shalt  }
0x52: {  	_ =	shalt  }
0x53: {  	_ =	shalt  }
0x54: {  	_ =	shalt  }
0x55: {  	_ =	shalt  }
0x56: {  	_ =	shalt  }
0x57: {  	_ =	shalt  }
0x58: {  	_ =	shalt  }
0x59: {  	_ =	shalt  }
0x5a: {  	_ =	shalt  }
0x5b: {  	_ =	shalt  }
0x5c: {  	_ =	shalt  }
0x5d: {  	_ =	shalt  }
0x5e: {  	_ =	shalt  }
0x5f: {  	_ =	shalt  }
0x60: {  	_ =	shalt  }
0x61: {  	_ =	shalt  }
0x62: {  	_ =	shalt  }
0x63: {  	_ =	shalt  }
0x64: {  	_ =	shalt  }
0x65: {  	_ =	shalt  }
0x66: {  	_ =	shalt  }
0x67: {  	_ =	shalt  }
0x68: {  	_ =	shalt  }
0x69: {  	_ =	shalt  }
0x6a: {  	_ =	shalt  }
0x6b: {  	_ =	shalt  }
0x6c: {  	_ =	shalt  }
0x6d: {  	_ =	shalt  }
0x6e: {  	_ =	shalt  }
0x6f: {  	_ =	shalt  }
0x70: {  	_ =	shalt  }
0x71: {  	_ =	shalt  }
0x72: {  	_ =	shalt  }
0x73: {  	_ =	shalt  }
0x74: {  	_ =	shalt  }
0x75: {  	_ =	shalt  }
0x76: {  	_ =	shalt  }
0x77: {  	_ =	shalt  }
0x78: {  	_ =	shalt  }
0x79: {  	_ =	shalt  }
0x7a: {  	_ =	shalt  }
0x7b: {  	_ =	shalt  }
0x7c: {  	_ =	shalt  }
0x7d: {  	_ =	shalt  }
0x7e: {  	_ =	shalt  }
0x7f: {  	_ =	shalt  }
0x80: {  	_ =	shalt  }
0x81: {  	_ =	shalt  }
0x82: {  	_ =	shalt  }
0x83: {  	_ =	shalt  }
0x84: {  	_ =	shalt  }
0x85: {  	_ =	shalt  }
0x86: {  	_ =	shalt  }
0x87: {  	_ =	shalt  }
.Lfunc_end0:
.L_simem_size_0:
called_computation.1_lowered:
.L_overlay_start_0:
0x88: {  	s2 =	sld [smem:$0x3FD9]  }
0x89: {  	s3 =	sld [smem:$0x3FFE];
	_ =	sdelay $0x1  }
0x8a: {  	s1 =	srdreg.scid  }
0x8b: {  	s0 =	sand.u32 $0x1, s1  }
0x8c: {  	s17 =	sshll.u32 s0, $0xA;
	s2 =	sadd.s32 s3, s2  }
0x8d: {  	s2 =	sadd.s32 s2, s17  }
0x8e: {  	[smem:$0x3FC2] =	sst s2  }
0x8f: {  	_ = 	snop  }
0x90: {  	s2 =	sld [smem:$0x3FD0];
	(tm) =	ssettm $0x1  }
0x91: {  	s18 =	sld [smem:$0x3FFB];
	_ =	sdelay $0x3  }
0x92: {  	_ =	strace s18  }
0x93: {  	s3 =	sld [smem:$0x3FFC];
	_ =	sdelay $0x3  }
0x94: {  	_ =	strace s3  }
0x95: {  	s3 =	sld [smem:$0x3FFD];
	_ =	sdelay $0x3  }
0x96: {  	_ =	strace s3  }
0x97: {  	_ =	strace $0x8FFFFFFF  }
0x98: {  	s19 =	sld [smem:$0x3FDB];
	_ =	sdelay $0x1  }
0x99: {  	s4 =	simm.s32 $_scs_section_size  }
0x9a: {  	s5 =	simm.s32 $_size__tile_overlayer_lowered;
	s6 =	simm.s32 $_tile_overlayer_lowered  }
0x9b: {  	s22 =	simm.s32 $0x1BFF;
	s21 =	sshll.u32 s6, $0x1;
	s3 =	sadd.s32 s4, s19  }
0x9c: {  	s7 =	simm.s32 $0x0;
	s20 =	sshll.u32 s5, $0x1;
	s5 =	sadd.s32 s21, s3  }
0x9d: {  	[timem:s7], [sflag:s22] =	dma.local [hbm:s5], s20  }
0x9e: {  	_ =	swait.ge [sflag:s22], s20  }
0x9f: {  	s4 =	ssub.s32 $0x0, s20;
	[sflag:s22] =	ssyncset.done $0x0  }
0xa0: {  	[sflag:s22] =	ssyncadd.s32 s4;
	_ =	sdelay $0x1  }
0xa1: {  	s23 =	simm.s32 $0x1B8B  }
0xa2: {  	_ =	swait.ge [sflag:s23], $0x1  }
0xa3: {  	[sflag:s23] =	ssyncset.done $0x0  }
0xa4: {  	s25 =	simm.s32 $0x1B8E;
	s24 =	sld [smem:$0x3FFE];
	[sflag:s23] =	ssyncadd.s32 $0xFFFFFFFF  }
0xa5: {  	s26 =	simm.s32 $execute0_lowered;
	[smem:$0x3FD2] =	sst s25  }
0xa6: {  	s5 =	sshll.u32 s26, $0x1;
	_ =	strace $0x80000049;
	[dreg:$0x1] =	wrdreg $0xFFFFFFFF  }
0xa7: {  	s28 =	simm.s32 $_size_execute0_lowered;
	s3 =	sadd.s32 s3, s5;
	[dreg:$0x0] =	wrdreg $0x0  }
0xa8: {  	s5 =	sshll.u32 s28, $0x1;
	[dreg:$0x2] =	wrdreg s3  }
0xa9: {  	[dreg:$0x3] =	wrdreg s5  }
0xaa: {  	[dreg:$0x4] =	wrdreg $0xC0  }
0xab: {  	_ =	task [dreg:s7], $0x5FFFF  }
0xac: {  	[dreg:$0x1] =	wrdreg $0xFFFFFFFF  }
0xad: {  	[dreg:$0x0] =	wrdreg $0x60  }
0xae: {  	[dreg:$0x2] =	wrdreg s2  }
0xaf: {  	[dreg:$0x3] =	wrdreg s24  }
0xb0: {  	[dreg:$0x4] =	wrdreg $0xAC000  }
0xb1: {  	[dreg:$0x5] =	wrdreg $0x9  }
0xb2: {  	_ =	task.clear_ibuf [dreg:s7], $0x6FFFF;
	_ =	strace $0x90000049  }
0xb3: {  	s29 =	simm.s32 $0x9;
	_ =	strace $0x8000004B  }
0xb4: {  	_ =	swait.ge [sflag:s29], $0x1  }
0xb5: {  	[sflag:s29] =	ssyncadd.s32 $0xFFFFFFFF  }
0xb6: {  	_ =	strace $0x9000004B  }
0xb7: {  	_ =	sfence  }
0xb8: {  	s30 =	sld [smem:$0x0];
	_ =	sdelay $0x2  }
0xb9: {  	s31 =	sshll.u32 s1, $0xD;
	s1 =	sshrl.u32 s1, $0x2  }
0xba: {  	s3 =	sand.u32 $0x4000, s31;
	s1 =	sadd.s32 s1, s30  }
0xbb: {  	s0 =	sor.u32 s3, s0;
	s1 =	sshll.u32 s1, $0x11  }
0xbc: {  	s0 =	sor.u32 s1, s0  }
0xbd: {  	s0 =	sadd.s32 $0x8F2B, s0  }
0xbe: {  	[sflag:s0] =	ssyncadd.remote.s32 $0x1  }
0xbf: {  	_ =	sfence.sel $0xFFFF  }
0xc0: {  	[dreg:$0x0] =	wrdreg $0xFFFFFFFF;
	(pc) =	sbr.abs _section_cstart, $3  }
0xc1: {  	[dreg:$0x1] =	wrdreg $0xFFFFFFFF  }
0xc2: {  	_ =	task.clear_ibuf [dreg:s7], $0x2FFFF;
	_ =	strace $0x9FFFFFFF  }
0xc3: {  	(tm) =	ssettm $0x7FFFFFFF  }
tec
execute0_lowered:
.L_overlay_start_1:
0x0: {  	(tag) =	ssettag $0x1  }
0x1: {  	s1 =	rddreg [dreg:$0x0];
	s2 =	srdreg.scid  }
0x2: {  	s0 =	stileid.u32;
	s6 =	rddreg [dreg:$0x1];
	s15 =	simm.s32 $0x5  }
0x3: {  	s16 =	simm.s32 $0x2C00;
	s17 =	simm.s32 $0x80;
	s18 =	simm.s32 $0x6C00  }
0x4: {  	s19 =	simm.s32 $0x1;
	s20 =	simm.s32 $0x3;
	s5 =	smul.u32 $0x5000, s0  }
0x5: {  	s21 =	simm.s32 $0x100;
	s22 =	simm.s32 $0x2;
	s23 =	smul.u32 $0x14000, s0  }
0x6: {  	s28 =	simm.s32 $0x300;
	s2 =	sand.u32 $0x1, s2;
	s25 =	smul.u32 $0x50000, s0  }
0x7: {  	s29 =	simm.s32 $0x380;
	s3 =	sshll.u32 s0, $0x1;
	s7 =	smul.u32 $0x2800, s2  }
0x8: {  	s30 =	simm.s32 $0x0;
	s4 =	sor.u32 s2, s3;
	s9 =	smul.u32 $0x140000, s2  }
0x9: {  	s3 =	rddreg [dreg:$0x2];
	s2 =	ssub.s32 $0x2, s2;
	s8 =	smul.u32 $0x2800, s4  }
0xa: {  	s4 =	simm.s32 $0x0;
	s26 =	sshrl.u32 s2, $0x1;
	s31 =	sshrl.u32 s25, $0x2  }
0xb: {  	s25 =	simm.s32 $0x200;
	[smem:$0x7FF] =	sst s4;
	s5 =	sadd.s32 s7, s5  }
0xc: {  	s7 =	sadd.s32 s23, s9;
	s2 =	ssub.s32 s2, s26;
	s23 =	simm.s32 $0x4  }
0xd: {  	s26 =	simm.s32 $0x280;
	_ =	strace $0x8000004A;
	s5 =	sshrl.u32 s5, $0x3  }
0xe: {  	s24 =	sshrl.u32 s8, $0x3;
	s7 =	sshrl.u32 s7, $0x3;
	s8 =	smax.u32 s2, $0x1  }
0xf: {  	s13 =	sadd.s32 s5, s6;
	s5 =	sadd.s32 s24, s6;
	s7 =	sadd.s32 s7, s6  }
0x10: {  	s6 =	sadd.s32 s31, s3;
	s24 =	simm.s32 $0x180;
	s5 =	sadd.s32 $0x2A00, s5  }
0x11: {  	s7 =	sadd.s32 $0x66A00, s7;
	s9 =	sadd.s32 $0x4000, s6;
	s10 =	sadd.s32 $0x8000, s6  }
0x12: {  	v0 =	vimm.f32 $0.0e+00;
	s11 =	sadd.s32 $0xC000, s6;
	s12 =	sadd.s32 $0x10000, s6;
	s2 =	sadd.s32 $0xCA00, s13  }
.LBB2_1:
0x13: {  	s0 =	simm.s32 $0x400  }
0x14: {  	[tilespmem:s0], [sflag:$0x5] =	stream.linear.gather [hbm4b:s5+s4], $0x2800, $0x38;
	[tilespmem:$0x1EC00] =	vst v63  }
0x15: {  	_ =	swait.ge [sflag:s15], $0x2800  }
0x16: {  	[sflag:s15] =	ssyncset.done $0x0  }
0x17: {  	s13 =	simm.s32 $0x0;
	s14 =	simm.s32 $0x200;
	[sflag:s15] =	ssyncadd.s32 $0xFFFFD800  }
.LBB2_2:
0x18: {  	p0 =	sne.s32 s14, $0xFE00;
	[tilespmem:s13+$0x2C70] =	vst v0  }
0x19: {  	[tilespmem:s13+$0x2C00] =	vst v0  }
0x1a: {  	[tilespmem:s13+$0x2C10] =	vst v0  }
.Ltmp0:
0x1b: {  	[tilespmem:s13+$0x2C20] =	vst v0;
	(pc) =	sbr.rel @p0 .LBB2_2-.Ltmp0, $4  }
0x1c: {  	[tilespmem:s13+$0x2C30] =	vst v0  }
0x1d: {  	[tilespmem:s13+$0x2C40] =	vst v0  }
0x1e: {  	[tilespmem:s13+$0x2C50] =	vst v0  }
0x1f: {  	[tilespmem:s13+$0x2C60] =	vst v0;
	s13 =	sshra.s32 s14, $0x2;
	s14 =	sadd.s32 $0x200, s14  }
0x20: {  	[tilespmem:s13+$0x2C70] =	vst v0  }
0x21: {  	[tilespmem:s13+$0x2C00] =	vst v0  }
0x22: {  	[tilespmem:s13+$0x2C10] =	vst v0  }
0x23: {  	[tilespmem:s13+$0x2C20] =	vst v0  }
0x24: {  	[tilespmem:s13+$0x2C30] =	vst v0  }
0x25: {  	[tilespmem:s13+$0x2C40] =	vst v0  }
0x26: {  	[tilespmem:s13+$0x2C50] =	vst v0  }
0x27: {  	[tilespmem:s13+$0x2C60] =	vst v0  }
0x28: {  	[spmem:s6] =	stream.linear.scatter [tilespmem:s16], [sflag:$0x5], $0x4000, $0x38;
	[tilespmem:$0x1EC00] =	vst v63  }
0x29: {  	_ =	swait.ge [sflag:s15], $0x4000  }
0x2a: {  	[sflag:s15] =	ssyncset.done $0x0  }
0x2b: {  	[sflag:s15] =	ssyncadd.s32 $0xFFFFC000  }
0x2c: {  	[spmem:s9] =	stream.linear.scatter [tilespmem:s16], [sflag:$0x5], $0x4000, $0x38;
	[tilespmem:$0x1EC00] =	vst v63  }
0x2d: {  	_ =	swait.ge [sflag:s15], $0x4000  }
0x2e: {  	[sflag:s15] =	ssyncset.done $0x0  }
0x2f: {  	[sflag:s15] =	ssyncadd.s32 $0xFFFFC000  }
0x30: {  	[spmem:s10] =	stream.linear.scatter [tilespmem:s16], [sflag:$0x5], $0x4000, $0x38;
	[tilespmem:$0x1EC00] =	vst v63  }
0x31: {  	_ =	swait.ge [sflag:s15], $0x4000  }
0x32: {  	[sflag:s15] =	ssyncset.done $0x0  }
0x33: {  	[sflag:s15] =	ssyncadd.s32 $0xFFFFC000  }
0x34: {  	[spmem:s11] =	stream.linear.scatter [tilespmem:s16], [sflag:$0x5], $0x4000, $0x38;
	[tilespmem:$0x1EC00] =	vst v63  }
0x35: {  	_ =	swait.ge [sflag:s15], $0x4000  }
0x36: {  	[sflag:s15] =	ssyncset.done $0x0  }
0x37: {  	[sflag:s15] =	ssyncadd.s32 $0xFFFFC000  }
0x38: {  	[spmem:s12] =	stream.linear.scatter [tilespmem:s16], [sflag:$0x5], $0x4000, $0x38;
	[tilespmem:$0x1EC00] =	vst v63  }
0x39: {  	_ =	swait.ge [sflag:s15], $0x4000  }
0x3a: {  	[sflag:s15] =	ssyncset.done $0x0  }
0x3b: {  	[sflag:s15] =	ssyncadd.s32 $0xFFFFC000  }
0x3c: {  	[bflag:$0x0] =	sbarrier.arrive $0xFFFF  }
0x3d: {  	[tilespmem:s4], [sflag:$0x5] =	stream.linear.gather [hbm4b:s2+s4], $0x400, $0x38;
	[tilespmem:$0x1EC00] =	vst v63  }
0x3e: {  	_ =	swait.ge [sflag:s15], $0x400  }
0x3f: {  	[sflag:s15] =	ssyncset.done $0x0  }
0x40: {  	[sflag:s15] =	ssyncadd.s32 $0xFFFFFC00  }
0x41: {  	[tilespmem:s16], [sflag:$0x1] =	stream.indirect.gather [hbm4b:s1+s17], $0x80, s4, s17, $0xb8;
	[tilespmem:$0x1EC00] =	vst v63  }
0x42: {  	_ = 	snop  }
0x43: {  	[tilespmem:s18], [sflag:$0x2] =	stream.indirect.gather [hbm4b:s1+s17], $0x80, s17, s17, $0xb8;
	[tilespmem:$0x1EC00] =	vst v63  }
0x44: {  	_ =	swait.ge [sflag:s19], $0x4000  }
0x45: {  	[sflag:s19] =	ssyncset.done $0x0  }
0x46: {  	s0 =	simm.s32 $0x400;
	[sflag:s19] =	ssyncadd.s32 $0xFFFFC000  }
0x47: {  	[spmem:s3] =	stream.indirect.scatter.add.f32 [tilespmem:s16], [sflag:$0x3], $0x80, s0, s17, $0xb8;
	[tilespmem:$0x1EC00] =	vst v63  }
0x48: {  	_ =	swait.ge [sflag:s20], $0x4000  }
0x49: {  	[sflag:s20] =	ssyncset.done $0x0  }
0x4a: {  	[sflag:s20] =	ssyncadd.s32 $0xFFFFC000  }
0x4b: {  	[tilespmem:s16], [sflag:$0x1] =	stream.indirect.gather [hbm4b:s1+s17], $0x80, s21, s17, $0xb8;
	[tilespmem:$0x1EC00] =	vst v63  }
0x4c: {  	_ =	swait.ge [sflag:s22], $0x4000  }
0x4d: {  	[sflag:s22] =	ssyncset.done $0x0  }
0x4e: {  	s14 =	simm.s32 $0x480;
	[sflag:s22] =	ssyncadd.s32 $0xFFFFC000  }
0x4f: {  	[spmem:s3] =	stream.indirect.scatter.add.f32 [tilespmem:s18], [sflag:$0x4], $0x80, s14, s17, $0xb8;
	[tilespmem:$0x1EC00] =	vst v63  }
0x50: {  	_ =	swait.ge [sflag:s23], $0x4000  }
0x51: {  	[sflag:s23] =	ssyncset.done $0x0  }
0x52: {  	[sflag:s23] =	ssyncadd.s32 $0xFFFFC000  }
0x53: {  	[tilespmem:s18], [sflag:$0x2] =	stream.indirect.gather [hbm4b:s1+s17], $0x80, s24, s17, $0xb8;
	[tilespmem:$0x1EC00] =	vst v63  }
0x54: {  	_ =	swait.ge [sflag:s19], $0x4000  }
0x55: {  	[sflag:s19] =	ssyncset.done $0x0  }
0x56: {  	s0 =	simm.s32 $0x500;
	[sflag:s19] =	ssyncadd.s32 $0xFFFFC000  }
0x57: {  	[spmem:s3] =	stream.indirect.scatter.add.f32 [tilespmem:s16], [sflag:$0x3], $0x80, s0, s17, $0xb8;
	[tilespmem:$0x1EC00] =	vst v63  }
0x58: {  	_ =	swait.ge [sflag:s20], $0x4000  }
0x59: {  	[sflag:s20] =	ssyncset.done $0x0  }
0x5a: {  	[sflag:s20] =	ssyncadd.s32 $0xFFFFC000  }
0x5b: {  	[tilespmem:s16], [sflag:$0x1] =	stream.indirect.gather [hbm4b:s1+s17], $0x80, s25, s17, $0xb8;
	[tilespmem:$0x1EC00] =	vst v63  }
0x5c: {  	_ =	swait.ge [sflag:s22], $0x4000  }
0x5d: {  	[sflag:s22] =	ssyncset.done $0x0  }
0x5e: {  	s14 =	simm.s32 $0x580;
	[sflag:s22] =	ssyncadd.s32 $0xFFFFC000  }
0x5f: {  	[spmem:s3] =	stream.indirect.scatter.add.f32 [tilespmem:s18], [sflag:$0x4], $0x80, s14, s17, $0xb8;
	[tilespmem:$0x1EC00] =	vst v63  }
0x60: {  	_ =	swait.ge [sflag:s23], $0x4000  }
0x61: {  	[sflag:s23] =	ssyncset.done $0x0  }
0x62: {  	[sflag:s23] =	ssyncadd.s32 $0xFFFFC000  }
0x63: {  	[tilespmem:s18], [sflag:$0x2] =	stream.indirect.gather [hbm4b:s1+s17], $0x80, s26, s17, $0xb8;
	[tilespmem:$0x1EC00] =	vst v63  }
0x64: {  	_ =	swait.ge [sflag:s19], $0x4000  }
0x65: {  	[sflag:s19] =	ssyncset.done $0x0  }
0x66: {  	s0 =	simm.s32 $0x600;
	[sflag:s19] =	ssyncadd.s32 $0xFFFFC000  }
0x67: {  	[spmem:s3] =	stream.indirect.scatter.add.f32 [tilespmem:s16], [sflag:$0x3], $0x80, s0, s17, $0xb8;
	[tilespmem:$0x1EC00] =	vst v63  }
0x68: {  	_ =	swait.ge [sflag:s20], $0x4000  }
0x69: {  	[sflag:s20] =	ssyncset.done $0x0  }
0x6a: {  	[sflag:s20] =	ssyncadd.s32 $0xFFFFC000  }
0x6b: {  	[tilespmem:s16], [sflag:$0x1] =	stream.indirect.gather [hbm4b:s1+s17], $0x80, s28, s17, $0xb8;
	[tilespmem:$0x1EC00] =	vst v63  }
0x6c: {  	_ =	swait.ge [sflag:s22], $0x4000  }
0x6d: {  	[sflag:s22] =	ssyncset.done $0x0  }
0x6e: {  	s14 =	simm.s32 $0x680;
	[sflag:s22] =	ssyncadd.s32 $0xFFFFC000  }
0x6f: {  	[spmem:s3] =	stream.indirect.scatter.add.f32 [tilespmem:s18], [sflag:$0x4], $0x80, s14, s17, $0xb8;
	[tilespmem:$0x1EC00] =	vst v63  }
0x70: {  	_ =	swait.ge [sflag:s23], $0x4000  }
0x71: {  	[sflag:s23] =	ssyncset.done $0x0  }
0x72: {  	[sflag:s23] =	ssyncadd.s32 $0xFFFFC000  }
0x73: {  	[tilespmem:s18], [sflag:$0x2] =	stream.indirect.gather [hbm4b:s1+s17], $0x80, s29, s17, $0xb8;
	[tilespmem:$0x1EC00] =	vst v63  }
0x74: {  	_ =	swait.ge [sflag:s19], $0x4000  }
0x75: {  	[sflag:s19] =	ssyncset.done $0x0  }
0x76: {  	s0 =	simm.s32 $0x700;
	[sflag:s19] =	ssyncadd.s32 $0xFFFFC000  }
0x77: {  	[spmem:s3] =	stream.indirect.scatter.add.f32 [tilespmem:s16], [sflag:$0x3], $0x80, s0, s17, $0xb8;
	[tilespmem:$0x1EC00] =	vst v63  }
0x78: {  	_ =	swait.ge [sflag:s22], $0x4000  }
0x79: {  	[sflag:s22] =	ssyncset.done $0x0  }
0x7a: {  	s14 =	simm.s32 $0x780;
	[sflag:s22] =	ssyncadd.s32 $0xFFFFC000  }
0x7b: {  	[spmem:s3] =	stream.indirect.scatter.add.f32 [tilespmem:s18], [sflag:$0x4], $0x80, s14, s17, $0xb8;
	[tilespmem:$0x1EC00] =	vst v63  }
0x7c: {  	_ =	swait.ge [sflag:s20], $0x4000  }
0x7d: {  	[sflag:s20] =	ssyncset.done $0x0  }
0x7e: {  	[sflag:s20] =	ssyncadd.s32 $0xFFFFC000  }
0x7f: {  	_ =	swait.ge [sflag:s23], $0x4000  }
0x80: {  	s31 =	simm.s32 $0x1000;
	s13 =	smov.u32 s2;
	[sflag:s23] =	ssyncset.done $0x0  }
.LBB2_4:
0x81: {  	p0 =	sne.s32 s31, $0x9000;
	[sflag:s23] =	ssyncadd.s32 $0xFFFFC000;
	s13 =	sadd.s32 $0x80, s13  }
0x82: {  	[tilespmem:s4], [sflag:$0x5] =	stream.linear.gather [hbm4b:s13+s4], $0x400, $0x38;
	[tilespmem:$0x1EC00] =	vst v63  }
0x83: {  	s14 =	smov.u32 s31;
	s31 =	sadd.s32 $0x1000, s31;
	_ =	swait.ge [sflag:s15], $0x400  }
0x84: {  	[sflag:s15] =	ssyncset.done $0x0  }
0x85: {  	[sflag:s15] =	ssyncadd.s32 $0xFFFFFC00  }
0x86: {  	[tilespmem:s16], [sflag:$0x1] =	stream.indirect.gather [hbm4b:s1+s17], $0x80, s4, s17, $0xb8;
	[tilespmem:$0x1EC00] =	vst v63  }
0x87: {  	_ = 	snop  }
0x88: {  	[tilespmem:s18], [sflag:$0x2] =	stream.indirect.gather [hbm4b:s1+s17], $0x80, s17, s17, $0xb8;
	[tilespmem:$0x1EC00] =	vst v63  }
0x89: {  	_ =	swait.ge [sflag:s19], $0x4000  }
0x8a: {  	s14 =	sshra.s32 s14, $0x2;
	[sflag:s19] =	ssyncset.done $0x0  }
0x8b: {  	s0 =	sadd.s32 $0x400, s14;
	[sflag:s19] =	ssyncadd.s32 $0xFFFFC000  }
0x8c: {  	[spmem:s3] =	stream.indirect.scatter.add.f32 [tilespmem:s16], [sflag:$0x3], $0x80, s0, s17, $0xb8;
	[tilespmem:$0x1EC00] =	vst v63  }
0x8d: {  	_ =	swait.ge [sflag:s20], $0x4000  }
0x8e: {  	[sflag:s20] =	ssyncset.done $0x0  }
0x8f: {  	[sflag:s20] =	ssyncadd.s32 $0xFFFFC000  }
0x90: {  	[tilespmem:s16], [sflag:$0x1] =	stream.indirect.gather [hbm4b:s1+s17], $0x80, s21, s17, $0xb8;
	[tilespmem:$0x1EC00] =	vst v63  }
0x91: {  	_ =	swait.ge [sflag:s22], $0x4000  }
0x92: {  	[sflag:s22] =	ssyncset.done $0x0  }
0x93: {  	s0 =	sadd.s32 $0x480, s14;
	[sflag:s22] =	ssyncadd.s32 $0xFFFFC000  }
0x94: {  	[spmem:s3] =	stream.indirect.scatter.add.f32 [tilespmem:s18], [sflag:$0x4], $0x80, s0, s17, $0xb8;
	[tilespmem:$0x1EC00] =	vst v63  }
0x95: {  	_ =	swait.ge [sflag:s23], $0x4000  }
0x96: {  	[sflag:s23] =	ssyncset.done $0x0  }
0x97: {  	[sflag:s23] =	ssyncadd.s32 $0xFFFFC000  }
0x98: {  	[tilespmem:s18], [sflag:$0x2] =	stream.indirect.gather [hbm4b:s1+s17], $0x80, s24, s17, $0xb8;
	[tilespmem:$0x1EC00] =	vst v63  }
0x99: {  	_ =	swait.ge [sflag:s19], $0x4000  }
0x9a: {  	[sflag:s19] =	ssyncset.done $0x0  }
0x9b: {  	s0 =	sadd.s32 $0x500, s14;
	[sflag:s19] =	ssyncadd.s32 $0xFFFFC000  }
0x9c: {  	[spmem:s3] =	stream.indirect.scatter.add.f32 [tilespmem:s16], [sflag:$0x3], $0x80, s0, s17, $0xb8;
	[tilespmem:$0x1EC00] =	vst v63  }
0x9d: {  	_ =	swait.ge [sflag:s20], $0x4000  }
0x9e: {  	[sflag:s20] =	ssyncset.done $0x0  }
0x9f: {  	[sflag:s20] =	ssyncadd.s32 $0xFFFFC000  }
0xa0: {  	[tilespmem:s16], [sflag:$0x1] =	stream.indirect.gather [hbm4b:s1+s17], $0x80, s25, s17, $0xb8;
	[tilespmem:$0x1EC00] =	vst v63  }
0xa1: {  	_ =	swait.ge [sflag:s22], $0x4000  }
0xa2: {  	[sflag:s22] =	ssyncset.done $0x0  }
0xa3: {  	s0 =	sadd.s32 $0x580, s14;
	[sflag:s22] =	ssyncadd.s32 $0xFFFFC000  }
0xa4: {  	[spmem:s3] =	stream.indirect.scatter.add.f32 [tilespmem:s18], [sflag:$0x4], $0x80, s0, s17, $0xb8;
	[tilespmem:$0x1EC00] =	vst v63  }
0xa5: {  	_ =	swait.ge [sflag:s23], $0x4000  }
0xa6: {  	[sflag:s23] =	ssyncset.done $0x0  }
0xa7: {  	[sflag:s23] =	ssyncadd.s32 $0xFFFFC000  }
0xa8: {  	[tilespmem:s18], [sflag:$0x2] =	stream.indirect.gather [hbm4b:s1+s17], $0x80, s26, s17, $0xb8;
	[tilespmem:$0x1EC00] =	vst v63  }
0xa9: {  	_ =	swait.ge [sflag:s19], $0x4000  }
0xaa: {  	[sflag:s19] =	ssyncset.done $0x0  }
0xab: {  	s0 =	sadd.s32 $0x600, s14;
	[sflag:s19] =	ssyncadd.s32 $0xFFFFC000  }
0xac: {  	[spmem:s3] =	stream.indirect.scatter.add.f32 [tilespmem:s16], [sflag:$0x3], $0x80, s0, s17, $0xb8;
	[tilespmem:$0x1EC00] =	vst v63  }
0xad: {  	_ =	swait.ge [sflag:s20], $0x4000  }
0xae: {  	[sflag:s20] =	ssyncset.done $0x0  }
0xaf: {  	[sflag:s20] =	ssyncadd.s32 $0xFFFFC000  }
0xb0: {  	[tilespmem:s16], [sflag:$0x1] =	stream.indirect.gather [hbm4b:s1+s17], $0x80, s28, s17, $0xb8;
	[tilespmem:$0x1EC00] =	vst v63  }
0xb1: {  	_ =	swait.ge [sflag:s22], $0x4000  }
0xb2: {  	[sflag:s22] =	ssyncset.done $0x0  }
0xb3: {  	s0 =	sadd.s32 $0x680, s14;
	[sflag:s22] =	ssyncadd.s32 $0xFFFFC000  }
0xb4: {  	[spmem:s3] =	stream.indirect.scatter.add.f32 [tilespmem:s18], [sflag:$0x4], $0x80, s0, s17, $0xb8;
	[tilespmem:$0x1EC00] =	vst v63  }
0xb5: {  	_ =	swait.ge [sflag:s23], $0x4000  }
0xb6: {  	[sflag:s23] =	ssyncset.done $0x0  }
0xb7: {  	[sflag:s23] =	ssyncadd.s32 $0xFFFFC000  }
0xb8: {  	[tilespmem:s18], [sflag:$0x2] =	stream.indirect.gather [hbm4b:s1+s17], $0x80, s29, s17, $0xb8;
	[tilespmem:$0x1EC00] =	vst v63  }
0xb9: {  	_ =	swait.ge [sflag:s19], $0x4000  }
0xba: {  	[sflag:s19] =	ssyncset.done $0x0  }
0xbb: {  	s0 =	sadd.s32 $0x700, s14;
	[sflag:s19] =	ssyncadd.s32 $0xFFFFC000  }
0xbc: {  	[spmem:s3] =	stream.indirect.scatter.add.f32 [tilespmem:s16], [sflag:$0x3], $0x80, s0, s17, $0xb8;
	[tilespmem:$0x1EC00] =	vst v63  }
0xbd: {  	_ =	swait.ge [sflag:s22], $0x4000  }
0xbe: {  	[sflag:s22] =	ssyncset.done $0x0  }
0xbf: {  	s0 =	sadd.s32 $0x780, s14;
	[sflag:s22] =	ssyncadd.s32 $0xFFFFC000  }
0xc0: {  	[spmem:s3] =	stream.indirect.scatter.add.f32 [tilespmem:s18], [sflag:$0x4], $0x80, s0, s17, $0xb8;
	[tilespmem:$0x1EC00] =	vst v63  }
.Ltmp1:
0xc1: {  	_ =	swait.ge [sflag:s20], $0x4000;
	(pc) =	sbr.rel @p0 .LBB2_4-.Ltmp1, $4  }
0xc2: {  	[sflag:s20] =	ssyncset.done $0x0  }
0xc3: {  	[sflag:s20] =	ssyncadd.s32 $0xFFFFC000  }
0xc4: {  	_ =	swait.ge [sflag:s23], $0x4000  }
0xc5: {  	[sflag:s23] =	ssyncset.done $0x0  }
0xc6: {  	[sflag:s23] =	ssyncadd.s32 $0xFFFFC000;
	s0 =	stileid.u32;
	s30 =	sadd.s32 $0x1, s30  }
0xc7: {  	s13 =	sshrl.u32 s6, $0x3;
	s0 =	sshll.u32 s0, $0x6;
	p0 =	sne.s32 s30, s8  }
.Ltmp2:
0xc8: {  	[bflag:$0x0] =	sbarrier.arrive $0xFFFF;
	s0 =	sor.u32 $0x1C05, s0;
	(pc) =	sbr.rel @p0 .LBB2_1-.Ltmp2, $4  }
0xc9: {  	[hbm:s7], [sflag:s0] =	dma.local [spmem:s13], $0x2800  }
0xca: {  	_ =	swait.ge [sflag:s15], $0x2800  }
0xcb: {  	[sflag:s15] =	ssyncset.done $0x0  }
0xcc: {  	[sflag:s15] =	ssyncadd.s32 $0xFFFFD800  }
0xcd: {  	_ =	sfence.sel $0x180000  }
0xce: {  	[bflag:$0x0] =	sbarrier.arrive $0xFFFF  }
0xcf: {  	_ =	strace $0x9000004A  }
0xd0: {  	s0 =	stileid.u32;
	[bflag:$0x2] =	sbarrier.arrive $0xFFFF  }
0xd1: {  	p0 =	sne.s32 s0, $0x0;
	s0 =	rddreg [dreg:$0x3]  }
0xd2: {  	s0 =	sadd.s32 @!p0 $0x100000, s0  }
0xd3: {  	[sflag:s0] =	ssyncadd.tile.s32 @!p0 $0x1;
	_ =	shalt  }
.Lfunc_end2:
_tile_overlayer_lowered:
.L_overlay_start_2:
0xd4: {  	(tag) =	ssettag $0x2  }
0xd5: {  	s0 =	rddreg [dreg:$0x0];
	s2 =	stileid.u32  }
0xd6: {  	s1 =	rddreg [dreg:$0x1];
	p0 =	sne.s32 s2, $0x0  }
0xd7: {  	s3 =	rddreg [dreg:$0x2];
	[bflag:$0x3] =	sbarrier.arrive $0xFFFF;
	s2 =	simm.s32 @!p0 $0x1C05  }
0xd8: {  	[timem:s3], [sflag:s2] =	dma.local @!p0 [hbm:s0], s1  }
0xd9: {  	s0 =	simm.s32 @!p0 $0x5  }
0xda: {  	_ =	swait.ge @!p0 [sflag:s0], s1  }
0xdb: {  	s1 =	ssub.s32 @!p0 $0x0, s1;
	[sflag:s0] =	ssyncset.done @!p0 $0x0  }
0xdc: {  	[sflag:s0] =	ssyncadd.s32 @!p0 s1  }
0xdd: {  	[bflag:$0x3] =	sbarrier.arrive $0xFFFF  }
0xde: {  	_ =	shalt  }

// kernel: kernel.14.cloned.1.call-start
scs
__scs_entry_jumppad:
0x0: {  	(pc) =	sbr.rel $0x88, $3  }
0x1: {  	(tag) =	ssettag $0x0;
	lr =	simm.s32 $0x1  }
0x2: {  	[smem:$0x3F9B] =	sst lr;
	_ =	strace $0xD0000000  }
0x3: {  	_ = 	snop  }
0x4: {  	_ = 	snop  }
0x5: {  	_ = 	snop  }
0x6: {  	_ = 	snop  }
0x7: {  	_ = 	snop  }
__scs_overlays_trampoline_lowered:
0x8: {  	[smem:$0x3FAA] =	sst s0  }
0x9: {  	[smem:$0x3FAB] =	sst s1  }
0xa: {  	[smem:$0x3FAC] =	sst s2  }
0xb: {  	[smem:$0x3FAD] =	sst s3  }
0xc: {  	[smem:$0x3FAE] =	sst s4  }
0xd: {  	[smem:$0x3FAF] =	sst s5  }
0xe: {  	[smem:$0x3FB0] =	sst s6  }
0xf: {  	[smem:$0x3FB1] =	sst s7  }
0x10: {  	[smem:$0x3FB2] =	sst s8  }
0x11: {  	[smem:$0x3FB3] =	sst s9;
	s0 =	simm.s32 @!p0 $0x0  }
0x12: {  	s1 =	sld [smem:$0x3F99];
	s0 =	simm.s32 @p0 $0x1  }
0x13: {  	[smem:$0x3FB4] =	sst s0;
	s0 =	simm.s32 @!p1 $0x0  }
0x14: {  	s2 =	sld [smem:$0x3F98];
	s0 =	simm.s32 @p1 $0x1  }
0x15: {  	[smem:$0x3FB5] =	sst s0;
	s0 =	simm.s32 @!p2 $0x0  }
0x16: {  	s3 =	sld [smem:$0x3FDB];
	s0 =	simm.s32 @p2 $0x1  }
0x17: {  	s4 =	simm.s32 $0x1BF5;
	[smem:$0x3FB7] =	sst s0  }
0x18: {  	s0 =	sld [smem:$0x3F9A];
	_ =	swait.ge [sflag:s4], $0x0  }
0x19: {  	s7 =	sld [smem:$0x3F9B]  }
0x1a: {  	s8 =	sadd.s32 $0xFFFFE003, lr  }
0x1b: {  	s9 =	sadd.s32 $0xFFFFFEF7, lr;
	s5 =	simm.s32 $0xFFFFFFFF;
	p2 =	slt.u32 s8, $0xFFFFF086  }
0x1c: {  	p1 =	slt.u32 s9, $0xF7A;
	s5 =	simm.s32 @!p2 $0x0  }
0x1d: {  	s5 =	simm.s32 @p1 $0x1;
	p0 =	seq.s32 s7, s2  }
0x1e: {  	s7 =	smul.u32 @!p0 $0xF7A, s2;
	p2 =	seq.s32 @!p0 s5, $0x0  }
0x1f: {  	s9 =	smul.u32 $0xF7A, s1;
	s8 =	simm.s32 @!p0 $0x1BF5;
	p2 =	por !p2, p0  }
0x20: {  	[sflag:s8] =	ssyncset.s32 @!p0 $0xFFFFF086;
	s6 =	sadd.s32 @!p0 s3, s7;
	s7 =	simm.s32 @!p0 $0x108  }
0x21: {  	s3 =	sadd.s32 s3, s9;
	s6 =	sadd.s32 @!p0 $0x88, s6;
	s7 =	simm.s32 @p2 $0x1082  }
0x22: {  	[simem:s7], [sflag:s8] =	dma.local @!p0 [hbm:s6], $0xF7A  }
0x23: {  	s9 =	sor.u32 $0xD0000000, s2;
	s6 =	simm.s32 $0x108;
	_ =	swait.ge @!p0 [sflag:s8], $0x0  }
0x24: {  	s3 =	sadd.s32 $0x88, s3;
	s6 =	simm.s32 @!p1 $0x1082;
	[sflag:s4] =	ssyncset.s32 $0xFFFFF086  }
0x25: {  	[simem:s6], [sflag:s4] =	dma.local [hbm:s3], $0xF7A  }
0x26: {  	[smem:$0x3F9B] =	sst s1;
	(tag) =	ssettag s2;
	_ =	strace s9  }
0x27: {  	s1 =	sld [smem:$0x3FAB]  }
0x28: {  	s2 =	sld [smem:$0x3FAC]  }
0x29: {  	s4 =	sld [smem:$0x3FAE]  }
0x2a: {  	p0 =	seq.s32 s5, $0x0;
	s5 =	sld [smem:$0x3FAF]  }
0x2b: {  	s6 =	sld [smem:$0x3FB0]  }
0x2c: {  	s7 =	sld [smem:$0x3FB1]  }
0x2d: {  	s3 =	simm.s32 $0x108;
	s8 =	sld [smem:$0x3FB2]  }
0x2e: {  	s3 =	simm.s32 @!p0 $0x1082;
	s9 =	sld [smem:$0x3FB3]  }
0x2f: {  	lr =	sadd.s32 s0, s3;
	s0 =	sld [smem:$0x3FAA]  }
0x30: {  	s3 =	sld [smem:$0x3FAD]  }
0x31: {  	[smem:$0x3FB6] =	sst s10  }
0x32: {  	s10 =	sld [smem:$0x3FB4];
	_ =	sdelay $0x3  }
0x33: {  	p0 =	seq.s32 s10, $0x1;
	s10 =	sld [smem:$0x3FB6];
	_ =	sdelay $0x3  }
0x34: {  	[smem:$0x3FB6] =	sst s10  }
0x35: {  	s10 =	sld [smem:$0x3FB5];
	_ =	sdelay $0x3  }
0x36: {  	p1 =	seq.s32 s10, $0x1;
	s10 =	sld [smem:$0x3FB6];
	_ =	sdelay $0x3  }
0x37: {  	[smem:$0x3FB6] =	sst s10  }
0x38: {  	s10 =	sld [smem:$0x3FB7]  }
0x39: {  	_ = 	snop;
	(pc) =	sbr.ind lr, $3  }
0x3a: {  	_ = 	snop  }
0x3b: {  	_ = 	snop  }
0x3c: {  	p2 =	seq.s32 s10, $0x1;
	s10 =	sld [smem:$0x3FB6]  }
0x3d: {  	_ =	shalt  }
0x3e: {  	_ =	shalt  }
0x3f: {  	_ =	shalt  }
0x40: {  	_ =	shalt  }
0x41: {  	_ =	shalt  }
0x42: {  	_ =	shalt  }
0x43: {  	_ =	shalt  }
0x44: {  	_ =	shalt  }
0x45: {  	_ =	shalt  }
0x46: {  	_ =	shalt  }
0x47: {  	_ =	shalt  }
0x48: {  	_ =	shalt  }
0x49: {  	_ =	shalt  }
0x4a: {  	_ =	shalt  }
0x4b: {  	_ =	shalt  }
0x4c: {  	_ =	shalt  }
0x4d: {  	_ =	shalt  }
0x4e: {  	_ =	shalt  }
0x4f: {  	_ =	shalt  }
0x50: {  	_ =	shalt  }
0x51: {  	_ =	shalt  }
0x52: {  	_ =	shalt  }
0x53: {  	_ =	shalt  }
0x54: {  	_ =	shalt  }
0x55: {  	_ =	shalt  }
0x56: {  	_ =	shalt  }
0x57: {  	_ =	shalt  }
0x58: {  	_ =	shalt  }
0x59: {  	_ =	shalt  }
0x5a: {  	_ =	shalt  }
0x5b: {  	_ =	shalt  }
0x5c: {  	_ =	shalt  }
0x5d: {  	_ =	shalt  }
0x5e: {  	_ =	shalt  }
0x5f: {  	_ =	shalt  }
0x60: {  	_ =	shalt  }
0x61: {  	_ =	shalt  }
0x62: {  	_ =	shalt  }
0x63: {  	_ =	shalt  }
0x64: {  	_ =	shalt  }
0x65: {  	_ =	shalt  }
0x66: {  	_ =	shalt  }
0x67: {  	_ =	shalt  }
0x68: {  	_ =	shalt  }
0x69: {  	_ =	shalt  }
0x6a: {  	_ =	shalt  }
0x6b: {  	_ =	shalt  }
0x6c: {  	_ =	shalt  }
0x6d: {  	_ =	shalt  }
0x6e: {  	_ =	shalt  }
0x6f: {  	_ =	shalt  }
0x70: {  	_ =	shalt  }
0x71: {  	_ =	shalt  }
0x72: {  	_ =	shalt  }
0x73: {  	_ =	shalt  }
0x74: {  	_ =	shalt  }
0x75: {  	_ =	shalt  }
0x76: {  	_ =	shalt  }
0x77: {  	_ =	shalt  }
0x78: {  	_ =	shalt  }
0x79: {  	_ =	shalt  }
0x7a: {  	_ =	shalt  }
0x7b: {  	_ =	shalt  }
0x7c: {  	_ =	shalt  }
0x7d: {  	_ =	shalt  }
0x7e: {  	_ =	shalt  }
0x7f: {  	_ =	shalt  }
0x80: {  	_ =	shalt  }
0x81: {  	_ =	shalt  }
0x82: {  	_ =	shalt  }
0x83: {  	_ =	shalt  }
0x84: {  	_ =	shalt  }
0x85: {  	_ =	shalt  }
0x86: {  	_ =	shalt  }
0x87: {  	_ =	shalt  }
.Lfunc_end0:
.L_simem_size_0:
called_computation.2_lowered:
.L_overlay_start_0:
0x88: {  	s2 =	sld [smem:$0x3FD9]  }
0x89: {  	s3 =	sld [smem:$0x3FFE];
	_ =	sdelay $0x1  }
0x8a: {  	s1 =	srdreg.scid  }
0x8b: {  	s0 =	sand.u32 $0x1, s1  }
0x8c: {  	s17 =	sshll.u32 s0, $0xA;
	s2 =	sadd.s32 s3, s2  }
0x8d: {  	s2 =	sadd.s32 s2, s17  }
0x8e: {  	[smem:$0x3FC2] =	sst s2  }
0x8f: {  	_ = 	snop  }
0x90: {  	s2 =	sld [smem:$0x3FD0];
	(tm) =	ssettm $0x1  }
0x91: {  	s18 =	sld [smem:$0x3FFB];
	_ =	sdelay $0x3  }
0x92: {  	_ =	strace s18  }
0x93: {  	s3 =	sld [smem:$0x3FFC];
	_ =	sdelay $0x3  }
0x94: {  	_ =	strace s3  }
0x95: {  	s3 =	sld [smem:$0x3FFD];
	_ =	sdelay $0x3  }
0x96: {  	_ =	strace s3  }
0x97: {  	_ =	strace $0x8FFFFFFF  }
0x98: {  	s19 =	sld [smem:$0x3FDB];
	_ =	sdelay $0x1  }
0x99: {  	s4 =	simm.s32 $_scs_section_size  }
0x9a: {  	s5 =	simm.s32 $_size__tile_overlayer_lowered;
	s6 =	simm.s32 $_tile_overlayer_lowered  }
0x9b: {  	s22 =	simm.s32 $0x1BFF;
	s21 =	sshll.u32 s6, $0x1;
	s3 =	sadd.s32 s4, s19  }
0x9c: {  	s7 =	simm.s32 $0x0;
	s20 =	sshll.u32 s5, $0x1;
	s5 =	sadd.s32 s21, s3  }
0x9d: {  	[timem:s7], [sflag:s22] =	dma.local [hbm:s5], s20  }
0x9e: {  	_ =	swait.ge [sflag:s22], s20  }
0x9f: {  	s4 =	ssub.s32 $0x0, s20;
	[sflag:s22] =	ssyncset.done $0x0  }
0xa0: {  	[sflag:s22] =	ssyncadd.s32 s4;
	_ =	sdelay $0x1  }
0xa1: {  	s23 =	simm.s32 $0x1B8B  }
0xa2: {  	_ =	swait.ge [sflag:s23], $0x1  }
0xa3: {  	[sflag:s23] =	ssyncset.done $0x0  }
0xa4: {  	s25 =	simm.s32 $0x1B8E;
	s24 =	sld [smem:$0x3FFE];
	[sflag:s23] =	ssyncadd.s32 $0xFFFFFFFF  }
0xa5: {  	s26 =	simm.s32 $execute0_lowered;
	[smem:$0x3FD2] =	sst s25  }
0xa6: {  	s5 =	sshll.u32 s26, $0x1;
	_ =	strace $0x8000004C;
	[dreg:$0x1] =	wrdreg $0xFFFFFFFF  }
0xa7: {  	s28 =	simm.s32 $_size_execute0_lowered;
	s3 =	sadd.s32 s3, s5;
	[dreg:$0x0] =	wrdreg $0x0  }
0xa8: {  	s5 =	sshll.u32 s28, $0x1;
	[dreg:$0x2] =	wrdreg s3  }
0xa9: {  	[dreg:$0x3] =	wrdreg s5  }
0xaa: {  	[dreg:$0x4] =	wrdreg $0xC0  }
0xab: {  	_ =	task [dreg:s7], $0x5FFFF  }
0xac: {  	[dreg:$0x1] =	wrdreg $0xFFFFFFFF  }
0xad: {  	[dreg:$0x0] =	wrdreg $0x60  }
0xae: {  	[dreg:$0x2] =	wrdreg s2  }
0xaf: {  	[dreg:$0x3] =	wrdreg s24  }
0xb0: {  	[dreg:$0x4] =	wrdreg $0xAC000  }
0xb1: {  	[dreg:$0x5] =	wrdreg $0x9  }
0xb2: {  	_ =	task.clear_ibuf [dreg:s7], $0x6FFFF;
	_ =	strace $0x9000004C  }
0xb3: {  	s29 =	simm.s32 $0x9;
	_ =	strace $0x8000004E  }
0xb4: {  	_ =	swait.ge [sflag:s29], $0x1  }
0xb5: {  	[sflag:s29] =	ssyncadd.s32 $0xFFFFFFFF  }
0xb6: {  	_ =	strace $0x9000004E  }
0xb7: {  	_ =	sfence  }
0xb8: {  	s30 =	sld [smem:$0x0];
	_ =	sdelay $0x2  }
0xb9: {  	s31 =	sshll.u32 s1, $0xD;
	s1 =	sshrl.u32 s1, $0x2  }
0xba: {  	s3 =	sand.u32 $0x4000, s31;
	s1 =	sadd.s32 s1, s30  }
0xbb: {  	s0 =	sor.u32 s3, s0;
	s1 =	sshll.u32 s1, $0x11  }
0xbc: {  	s0 =	sor.u32 s1, s0  }
0xbd: {  	s0 =	sadd.s32 $0x8F2B, s0  }
0xbe: {  	[sflag:s0] =	ssyncadd.remote.s32 $0x1  }
0xbf: {  	_ =	sfence.sel $0xFFFF  }
0xc0: {  	[dreg:$0x0] =	wrdreg $0xFFFFFFFF;
	(pc) =	sbr.abs _section_cstart, $3  }
0xc1: {  	[dreg:$0x1] =	wrdreg $0xFFFFFFFF  }
0xc2: {  	_ =	task.clear_ibuf [dreg:s7], $0x2FFFF;
	_ =	strace $0x9FFFFFFF  }
0xc3: {  	(tm) =	ssettm $0x7FFFFFFF  }
tec
execute0_lowered:
.L_overlay_start_1:
0x0: {  	(tag) =	ssettag $0x1  }
0x1: {  	s1 =	rddreg [dreg:$0x0];
	s2 =	srdreg.scid  }
0x2: {  	s0 =	stileid.u32;
	s6 =	rddreg [dreg:$0x1];
	s15 =	simm.s32 $0x5  }
0x3: {  	s16 =	simm.s32 $0x2C00;
	s17 =	simm.s32 $0x80;
	s18 =	simm.s32 $0x6C00  }
0x4: {  	s19 =	simm.s32 $0x1;
	s20 =	simm.s32 $0x3;
	s5 =	smul.u32 $0x5000, s0  }
0x5: {  	s21 =	simm.s32 $0x100;
	s22 =	simm.s32 $0x2;
	s23 =	smul.u32 $0x14000, s0  }
0x6: {  	s28 =	simm.s32 $0x300;
	s2 =	sand.u32 $0x1, s2;
	s25 =	smul.u32 $0x50000, s0  }
0x7: {  	s29 =	simm.s32 $0x380;
	s3 =	sshll.u32 s0, $0x1;
	s7 =	smul.u32 $0x2800, s2  }
0x8: {  	s30 =	simm.s32 $0x0;
	s4 =	sor.u32 s2, s3;
	s9 =	smul.u32 $0x140000, s2  }
0x9: {  	s3 =	rddreg [dreg:$0x2];
	s2 =	ssub.s32 $0x2, s2;
	s8 =	smul.u32 $0x2800, s4  }
0xa: {  	s4 =	simm.s32 $0x0;
	s26 =	sshrl.u32 s2, $0x1;
	s31 =	sshrl.u32 s25, $0x2  }
0xb: {  	s25 =	simm.s32 $0x200;
	[smem:$0x7FF] =	sst s4;
	s5 =	sadd.s32 s7, s5  }
0xc: {  	s7 =	sadd.s32 s23, s9;
	s2 =	ssub.s32 s2, s26;
	s23 =	simm.s32 $0x4  }
0xd: {  	s26 =	simm.s32 $0x280;
	_ =	strace $0x8000004D;
	s5 =	sshrl.u32 s5, $0x3  }
0xe: {  	s24 =	sshrl.u32 s8, $0x3;
	s7 =	sshrl.u32 s7, $0x3;
	s8 =	smax.u32 s2, $0x1  }
0xf: {  	s13 =	sadd.s32 s5, s6;
	s5 =	sadd.s32 s24, s6;
	s7 =	sadd.s32 s7, s6  }
0x10: {  	s6 =	sadd.s32 s31, s3;
	s24 =	simm.s32 $0x180;
	s5 =	sadd.s32 $0x2A00, s5  }
0x11: {  	s7 =	sadd.s32 $0x66A00, s7;
	s9 =	sadd.s32 $0x4000, s6;
	s10 =	sadd.s32 $0x8000, s6  }
0x12: {  	v0 =	vimm.f32 $0.0e+00;
	s11 =	sadd.s32 $0xC000, s6;
	s12 =	sadd.s32 $0x10000, s6;
	s2 =	sadd.s32 $0xCA00, s13  }
.LBB2_1:
0x13: {  	s0 =	simm.s32 $0x400  }
0x14: {  	[tilespmem:s0], [sflag:$0x5] =	stream.linear.gather [hbm4b:s5+s4], $0x2800, $0x38;
	[tilespmem:$0x1EC00] =	vst v63  }
0x15: {  	_ =	swait.ge [sflag:s15], $0x2800  }
0x16: {  	[sflag:s15] =	ssyncset.done $0x0  }
0x17: {  	s13 =	simm.s32 $0x0;
	s14 =	simm.s32 $0x200;
	[sflag:s15] =	ssyncadd.s32 $0xFFFFD800  }
.LBB2_2:
0x18: {  	p0 =	sne.s32 s14, $0xFE00;
	[tilespmem:s13+$0x2C70] =	vst v0  }
0x19: {  	[tilespmem:s13+$0x2C00] =	vst v0  }
0x1a: {  	[tilespmem:s13+$0x2C10] =	vst v0  }
.Ltmp0:
0x1b: {  	[tilespmem:s13+$0x2C20] =	vst v0;
	(pc) =	sbr.rel @p0 .LBB2_2-.Ltmp0, $4  }
0x1c: {  	[tilespmem:s13+$0x2C30] =	vst v0  }
0x1d: {  	[tilespmem:s13+$0x2C40] =	vst v0  }
0x1e: {  	[tilespmem:s13+$0x2C50] =	vst v0  }
0x1f: {  	[tilespmem:s13+$0x2C60] =	vst v0;
	s13 =	sshra.s32 s14, $0x2;
	s14 =	sadd.s32 $0x200, s14  }
0x20: {  	[tilespmem:s13+$0x2C70] =	vst v0  }
0x21: {  	[tilespmem:s13+$0x2C00] =	vst v0  }
0x22: {  	[tilespmem:s13+$0x2C10] =	vst v0  }
0x23: {  	[tilespmem:s13+$0x2C20] =	vst v0  }
0x24: {  	[tilespmem:s13+$0x2C30] =	vst v0  }
0x25: {  	[tilespmem:s13+$0x2C40] =	vst v0  }
0x26: {  	[tilespmem:s13+$0x2C50] =	vst v0  }
0x27: {  	[tilespmem:s13+$0x2C60] =	vst v0  }
0x28: {  	[spmem:s6] =	stream.linear.scatter [tilespmem:s16], [sflag:$0x5], $0x4000, $0x38;
	[tilespmem:$0x1EC00] =	vst v63  }
0x29: {  	_ =	swait.ge [sflag:s15], $0x4000  }
0x2a: {  	[sflag:s15] =	ssyncset.done $0x0  }
0x2b: {  	[sflag:s15] =	ssyncadd.s32 $0xFFFFC000  }
0x2c: {  	[spmem:s9] =	stream.linear.scatter [tilespmem:s16], [sflag:$0x5], $0x4000, $0x38;
	[tilespmem:$0x1EC00] =	vst v63  }
0x2d: {  	_ =	swait.ge [sflag:s15], $0x4000  }
0x2e: {  	[sflag:s15] =	ssyncset.done $0x0  }
0x2f: {  	[sflag:s15] =	ssyncadd.s32 $0xFFFFC000  }
0x30: {  	[spmem:s10] =	stream.linear.scatter [tilespmem:s16], [sflag:$0x5], $0x4000, $0x38;
	[tilespmem:$0x1EC00] =	vst v63  }
0x31: {  	_ =	swait.ge [sflag:s15], $0x4000  }
0x32: {  	[sflag:s15] =	ssyncset.done $0x0  }
0x33: {  	[sflag:s15] =	ssyncadd.s32 $0xFFFFC000  }
0x34: {  	[spmem:s11] =	stream.linear.scatter [tilespmem:s16], [sflag:$0x5], $0x4000, $0x38;
	[tilespmem:$0x1EC00] =	vst v63  }
0x35: {  	_ =	swait.ge [sflag:s15], $0x4000  }
0x36: {  	[sflag:s15] =	ssyncset.done $0x0  }
0x37: {  	[sflag:s15] =	ssyncadd.s32 $0xFFFFC000  }
0x38: {  	[spmem:s12] =	stream.linear.scatter [tilespmem:s16], [sflag:$0x5], $0x4000, $0x38;
	[tilespmem:$0x1EC00] =	vst v63  }
0x39: {  	_ =	swait.ge [sflag:s15], $0x4000  }
0x3a: {  	[sflag:s15] =	ssyncset.done $0x0  }
0x3b: {  	[sflag:s15] =	ssyncadd.s32 $0xFFFFC000  }
0x3c: {  	[bflag:$0x0] =	sbarrier.arrive $0xFFFF  }
0x3d: {  	[tilespmem:s4], [sflag:$0x5] =	stream.linear.gather [hbm4b:s2+s4], $0x400, $0x38;
	[tilespmem:$0x1EC00] =	vst v63  }
0x3e: {  	_ =	swait.ge [sflag:s15], $0x400  }
0x3f: {  	[sflag:s15] =	ssyncset.done $0x0  }
0x40: {  	[sflag:s15] =	ssyncadd.s32 $0xFFFFFC00  }
0x41: {  	[tilespmem:s16], [sflag:$0x1] =	stream.indirect.gather [hbm4b:s1+s17], $0x80, s4, s17, $0xb8;
	[tilespmem:$0x1EC00] =	vst v63  }
0x42: {  	_ = 	snop  }
0x43: {  	[tilespmem:s18], [sflag:$0x2] =	stream.indirect.gather [hbm4b:s1+s17], $0x80, s17, s17, $0xb8;
	[tilespmem:$0x1EC00] =	vst v63  }
0x44: {  	_ =	swait.ge [sflag:s19], $0x4000  }
0x45: {  	[sflag:s19] =	ssyncset.done $0x0  }
0x46: {  	s0 =	simm.s32 $0x400;
	[sflag:s19] =	ssyncadd.s32 $0xFFFFC000  }
0x47: {  	[spmem:s3] =	stream.indirect.scatter.add.f32 [tilespmem:s16], [sflag:$0x3], $0x80, s0, s17, $0xb8;
	[tilespmem:$0x1EC00] =	vst v63  }
0x48: {  	_ =	swait.ge [sflag:s20], $0x4000  }
0x49: {  	[sflag:s20] =	ssyncset.done $0x0  }
0x4a: {  	[sflag:s20] =	ssyncadd.s32 $0xFFFFC000  }
0x4b: {  	[tilespmem:s16], [sflag:$0x1] =	stream.indirect.gather [hbm4b:s1+s17], $0x80, s21, s17, $0xb8;
	[tilespmem:$0x1EC00] =	vst v63  }
0x4c: {  	_ =	swait.ge [sflag:s22], $0x4000  }
0x4d: {  	[sflag:s22] =	ssyncset.done $0x0  }
0x4e: {  	s14 =	simm.s32 $0x480;
	[sflag:s22] =	ssyncadd.s32 $0xFFFFC000  }
0x4f: {  	[spmem:s3] =	stream.indirect.scatter.add.f32 [tilespmem:s18], [sflag:$0x4], $0x80, s14, s17, $0xb8;
	[tilespmem:$0x1EC00] =	vst v63  }
0x50: {  	_ =	swait.ge [sflag:s23], $0x4000  }
0x51: {  	[sflag:s23] =	ssyncset.done $0x0  }
0x52: {  	[sflag:s23] =	ssyncadd.s32 $0xFFFFC000  }
0x53: {  	[tilespmem:s18], [sflag:$0x2] =	stream.indirect.gather [hbm4b:s1+s17], $0x80, s24, s17, $0xb8;
	[tilespmem:$0x1EC00] =	vst v63  }
0x54: {  	_ =	swait.ge [sflag:s19], $0x4000  }
0x55: {  	[sflag:s19] =	ssyncset.done $0x0  }
0x56: {  	s0 =	simm.s32 $0x500;
	[sflag:s19] =	ssyncadd.s32 $0xFFFFC000  }
0x57: {  	[spmem:s3] =	stream.indirect.scatter.add.f32 [tilespmem:s16], [sflag:$0x3], $0x80, s0, s17, $0xb8;
	[tilespmem:$0x1EC00] =	vst v63  }
0x58: {  	_ =	swait.ge [sflag:s20], $0x4000  }
0x59: {  	[sflag:s20] =	ssyncset.done $0x0  }
0x5a: {  	[sflag:s20] =	ssyncadd.s32 $0xFFFFC000  }
0x5b: {  	[tilespmem:s16], [sflag:$0x1] =	stream.indirect.gather [hbm4b:s1+s17], $0x80, s25, s17, $0xb8;
	[tilespmem:$0x1EC00] =	vst v63  }
0x5c: {  	_ =	swait.ge [sflag:s22], $0x4000  }
0x5d: {  	[sflag:s22] =	ssyncset.done $0x0  }
0x5e: {  	s14 =	simm.s32 $0x580;
	[sflag:s22] =	ssyncadd.s32 $0xFFFFC000  }
0x5f: {  	[spmem:s3] =	stream.indirect.scatter.add.f32 [tilespmem:s18], [sflag:$0x4], $0x80, s14, s17, $0xb8;
	[tilespmem:$0x1EC00] =	vst v63  }
0x60: {  	_ =	swait.ge [sflag:s23], $0x4000  }
0x61: {  	[sflag:s23] =	ssyncset.done $0x0  }
0x62: {  	[sflag:s23] =	ssyncadd.s32 $0xFFFFC000  }
0x63: {  	[tilespmem:s18], [sflag:$0x2] =	stream.indirect.gather [hbm4b:s1+s17], $0x80, s26, s17, $0xb8;
	[tilespmem:$0x1EC00] =	vst v63  }
0x64: {  	_ =	swait.ge [sflag:s19], $0x4000  }
0x65: {  	[sflag:s19] =	ssyncset.done $0x0  }
0x66: {  	s0 =	simm.s32 $0x600;
	[sflag:s19] =	ssyncadd.s32 $0xFFFFC000  }
0x67: {  	[spmem:s3] =	stream.indirect.scatter.add.f32 [tilespmem:s16], [sflag:$0x3], $0x80, s0, s17, $0xb8;
	[tilespmem:$0x1EC00] =	vst v63  }
0x68: {  	_ =	swait.ge [sflag:s20], $0x4000  }
0x69: {  	[sflag:s20] =	ssyncset.done $0x0  }
0x6a: {  	[sflag:s20] =	ssyncadd.s32 $0xFFFFC000  }
0x6b: {  	[tilespmem:s16], [sflag:$0x1] =	stream.indirect.gather [hbm4b:s1+s17], $0x80, s28, s17, $0xb8;
	[tilespmem:$0x1EC00] =	vst v63  }
0x6c: {  	_ =	swait.ge [sflag:s22], $0x4000  }
0x6d: {  	[sflag:s22] =	ssyncset.done $0x0  }
0x6e: {  	s14 =	simm.s32 $0x680;
	[sflag:s22] =	ssyncadd.s32 $0xFFFFC000  }
0x6f: {  	[spmem:s3] =	stream.indirect.scatter.add.f32 [tilespmem:s18], [sflag:$0x4], $0x80, s14, s17, $0xb8;
	[tilespmem:$0x1EC00] =	vst v63  }
0x70: {  	_ =	swait.ge [sflag:s23], $0x4000  }
0x71: {  	[sflag:s23] =	ssyncset.done $0x0  }
0x72: {  	[sflag:s23] =	ssyncadd.s32 $0xFFFFC000  }
0x73: {  	[tilespmem:s18], [sflag:$0x2] =	stream.indirect.gather [hbm4b:s1+s17], $0x80, s29, s17, $0xb8;
	[tilespmem:$0x1EC00] =	vst v63  }
0x74: {  	_ =	swait.ge [sflag:s19], $0x4000  }
0x75: {  	[sflag:s19] =	ssyncset.done $0x0  }
0x76: {  	s0 =	simm.s32 $0x700;
	[sflag:s19] =	ssyncadd.s32 $0xFFFFC000  }
0x77: {  	[spmem:s3] =	stream.indirect.scatter.add.f32 [tilespmem:s16], [sflag:$0x3], $0x80, s0, s17, $0xb8;
	[tilespmem:$0x1EC00] =	vst v63  }
0x78: {  	_ =	swait.ge [sflag:s22], $0x4000  }
0x79: {  	[sflag:s22] =	ssyncset.done $0x0  }
0x7a: {  	s14 =	simm.s32 $0x780;
	[sflag:s22] =	ssyncadd.s32 $0xFFFFC000  }
0x7b: {  	[spmem:s3] =	stream.indirect.scatter.add.f32 [tilespmem:s18], [sflag:$0x4], $0x80, s14, s17, $0xb8;
	[tilespmem:$0x1EC00] =	vst v63  }
0x7c: {  	_ =	swait.ge [sflag:s20], $0x4000  }
0x7d: {  	[sflag:s20] =	ssyncset.done $0x0  }
0x7e: {  	[sflag:s20] =	ssyncadd.s32 $0xFFFFC000  }
0x7f: {  	_ =	swait.ge [sflag:s23], $0x4000  }
0x80: {  	s31 =	simm.s32 $0x1000;
	s13 =	smov.u32 s2;
	[sflag:s23] =	ssyncset.done $0x0  }
.LBB2_4:
0x81: {  	p0 =	sne.s32 s31, $0x9000;
	[sflag:s23] =	ssyncadd.s32 $0xFFFFC000;
	s13 =	sadd.s32 $0x80, s13  }
0x82: {  	[tilespmem:s4], [sflag:$0x5] =	stream.linear.gather [hbm4b:s13+s4], $0x400, $0x38;
	[tilespmem:$0x1EC00] =	vst v63  }
0x83: {  	s14 =	smov.u32 s31;
	s31 =	sadd.s32 $0x1000, s31;
	_ =	swait.ge [sflag:s15], $0x400  }
0x84: {  	[sflag:s15] =	ssyncset.done $0x0  }
0x85: {  	[sflag:s15] =	ssyncadd.s32 $0xFFFFFC00  }
0x86: {  	[tilespmem:s16], [sflag:$0x1] =	stream.indirect.gather [hbm4b:s1+s17], $0x80, s4, s17, $0xb8;
	[tilespmem:$0x1EC00] =	vst v63  }
0x87: {  	_ = 	snop  }
0x88: {  	[tilespmem:s18], [sflag:$0x2] =	stream.indirect.gather [hbm4b:s1+s17], $0x80, s17, s17, $0xb8;
	[tilespmem:$0x1EC00] =	vst v63  }
0x89: {  	_ =	swait.ge [sflag:s19], $0x4000  }
0x8a: {  	s14 =	sshra.s32 s14, $0x2;
	[sflag:s19] =	ssyncset.done $0x0  }
0x8b: {  	s0 =	sadd.s32 $0x400, s14;
	[sflag:s19] =	ssyncadd.s32 $0xFFFFC000  }
0x8c: {  	[spmem:s3] =	stream.indirect.scatter.add.f32 [tilespmem:s16], [sflag:$0x3], $0x80, s0, s17, $0xb8;
	[tilespmem:$0x1EC00] =	vst v63  }
0x8d: {  	_ =	swait.ge [sflag:s20], $0x4000  }
0x8e: {  	[sflag:s20] =	ssyncset.done $0x0  }
0x8f: {  	[sflag:s20] =	ssyncadd.s32 $0xFFFFC000  }
0x90: {  	[tilespmem:s16], [sflag:$0x1] =	stream.indirect.gather [hbm4b:s1+s17], $0x80, s21, s17, $0xb8;
	[tilespmem:$0x1EC00] =	vst v63  }
0x91: {  	_ =	swait.ge [sflag:s22], $0x4000  }
0x92: {  	[sflag:s22] =	ssyncset.done $0x0  }
0x93: {  	s0 =	sadd.s32 $0x480, s14;
	[sflag:s22] =	ssyncadd.s32 $0xFFFFC000  }
0x94: {  	[spmem:s3] =	stream.indirect.scatter.add.f32 [tilespmem:s18], [sflag:$0x4], $0x80, s0, s17, $0xb8;
	[tilespmem:$0x1EC00] =	vst v63  }
0x95: {  	_ =	swait.ge [sflag:s23], $0x4000  }
0x96: {  	[sflag:s23] =	ssyncset.done $0x0  }
0x97: {  	[sflag:s23] =	ssyncadd.s32 $0xFFFFC000  }
0x98: {  	[tilespmem:s18], [sflag:$0x2] =	stream.indirect.gather [hbm4b:s1+s17], $0x80, s24, s17, $0xb8;
	[tilespmem:$0x1EC00] =	vst v63  }
0x99: {  	_ =	swait.ge [sflag:s19], $0x4000  }
0x9a: {  	[sflag:s19] =	ssyncset.done $0x0  }
0x9b: {  	s0 =	sadd.s32 $0x500, s14;
	[sflag:s19] =	ssyncadd.s32 $0xFFFFC000  }
0x9c: {  	[spmem:s3] =	stream.indirect.scatter.add.f32 [tilespmem:s16], [sflag:$0x3], $0x80, s0, s17, $0xb8;
	[tilespmem:$0x1EC00] =	vst v63  }
0x9d: {  	_ =	swait.ge [sflag:s20], $0x4000  }
0x9e: {  	[sflag:s20] =	ssyncset.done $0x0  }
0x9f: {  	[sflag:s20] =	ssyncadd.s32 $0xFFFFC000  }
0xa0: {  	[tilespmem:s16], [sflag:$0x1] =	stream.indirect.gather [hbm4b:s1+s17], $0x80, s25, s17, $0xb8;
	[tilespmem:$0x1EC00] =	vst v63  }
0xa1: {  	_ =	swait.ge [sflag:s22], $0x4000  }
0xa2: {  	[sflag:s22] =	ssyncset.done $0x0  }
0xa3: {  	s0 =	sadd.s32 $0x580, s14;
	[sflag:s22] =	ssyncadd.s32 $0xFFFFC000  }
0xa4: {  	[spmem:s3] =	stream.indirect.scatter.add.f32 [tilespmem:s18], [sflag:$0x4], $0x80, s0, s17, $0xb8;
	[tilespmem:$0x1EC00] =	vst v63  }
0xa5: {  	_ =	swait.ge [sflag:s23], $0x4000  }
0xa6: {  	[sflag:s23] =	ssyncset.done $0x0  }
0xa7: {  	[sflag:s23] =	ssyncadd.s32 $0xFFFFC000  }
0xa8: {  	[tilespmem:s18], [sflag:$0x2] =	stream.indirect.gather [hbm4b:s1+s17], $0x80, s26, s17, $0xb8;
	[tilespmem:$0x1EC00] =	vst v63  }
0xa9: {  	_ =	swait.ge [sflag:s19], $0x4000  }
0xaa: {  	[sflag:s19] =	ssyncset.done $0x0  }
0xab: {  	s0 =	sadd.s32 $0x600, s14;
	[sflag:s19] =	ssyncadd.s32 $0xFFFFC000  }
0xac: {  	[spmem:s3] =	stream.indirect.scatter.add.f32 [tilespmem:s16], [sflag:$0x3], $0x80, s0, s17, $0xb8;
	[tilespmem:$0x1EC00] =	vst v63  }
0xad: {  	_ =	swait.ge [sflag:s20], $0x4000  }
0xae: {  	[sflag:s20] =	ssyncset.done $0x0  }
0xaf: {  	[sflag:s20] =	ssyncadd.s32 $0xFFFFC000  }
0xb0: {  	[tilespmem:s16], [sflag:$0x1] =	stream.indirect.gather [hbm4b:s1+s17], $0x80, s28, s17, $0xb8;
	[tilespmem:$0x1EC00] =	vst v63  }
0xb1: {  	_ =	swait.ge [sflag:s22], $0x4000  }
0xb2: {  	[sflag:s22] =	ssyncset.done $0x0  }
0xb3: {  	s0 =	sadd.s32 $0x680, s14;
	[sflag:s22] =	ssyncadd.s32 $0xFFFFC000  }
0xb4: {  	[spmem:s3] =	stream.indirect.scatter.add.f32 [tilespmem:s18], [sflag:$0x4], $0x80, s0, s17, $0xb8;
	[tilespmem:$0x1EC00] =	vst v63  }
0xb5: {  	_ =	swait.ge [sflag:s23], $0x4000  }
0xb6: {  	[sflag:s23] =	ssyncset.done $0x0  }
0xb7: {  	[sflag:s23] =	ssyncadd.s32 $0xFFFFC000  }
0xb8: {  	[tilespmem:s18], [sflag:$0x2] =	stream.indirect.gather [hbm4b:s1+s17], $0x80, s29, s17, $0xb8;
	[tilespmem:$0x1EC00] =	vst v63  }
0xb9: {  	_ =	swait.ge [sflag:s19], $0x4000  }
0xba: {  	[sflag:s19] =	ssyncset.done $0x0  }
0xbb: {  	s0 =	sadd.s32 $0x700, s14;
	[sflag:s19] =	ssyncadd.s32 $0xFFFFC000  }
0xbc: {  	[spmem:s3] =	stream.indirect.scatter.add.f32 [tilespmem:s16], [sflag:$0x3], $0x80, s0, s17, $0xb8;
	[tilespmem:$0x1EC00] =	vst v63  }
0xbd: {  	_ =	swait.ge [sflag:s22], $0x4000  }
0xbe: {  	[sflag:s22] =	ssyncset.done $0x0  }
0xbf: {  	s0 =	sadd.s32 $0x780, s14;
	[sflag:s22] =	ssyncadd.s32 $0xFFFFC000  }
0xc0: {  	[spmem:s3] =	stream.indirect.scatter.add.f32 [tilespmem:s18], [sflag:$0x4], $0x80, s0, s17, $0xb8;
	[tilespmem:$0x1EC00] =	vst v63  }
.Ltmp1:
0xc1: {  	_ =	swait.ge [sflag:s20], $0x4000;
	(pc) =	sbr.rel @p0 .LBB2_4-.Ltmp1, $4  }
0xc2: {  	[sflag:s20] =	ssyncset.done $0x0  }
0xc3: {  	[sflag:s20] =	ssyncadd.s32 $0xFFFFC000  }
0xc4: {  	_ =	swait.ge [sflag:s23], $0x4000  }
0xc5: {  	[sflag:s23] =	ssyncset.done $0x0  }
0xc6: {  	[sflag:s23] =	ssyncadd.s32 $0xFFFFC000;
	s0 =	stileid.u32;
	s30 =	sadd.s32 $0x1, s30  }
0xc7: {  	s13 =	sshrl.u32 s6, $0x3;
	s0 =	sshll.u32 s0, $0x6;
	p0 =	sne.s32 s30, s8  }
.Ltmp2:
0xc8: {  	[bflag:$0x0] =	sbarrier.arrive $0xFFFF;
	s0 =	sor.u32 $0x1C05, s0;
	(pc) =	sbr.rel @p0 .LBB2_1-.Ltmp2, $4  }
0xc9: {  	[hbm:s7], [sflag:s0] =	dma.local [spmem:s13], $0x2800  }
0xca: {  	_ =	swait.ge [sflag:s15], $0x2800  }
0xcb: {  	[sflag:s15] =	ssyncset.done $0x0  }
0xcc: {  	[sflag:s15] =	ssyncadd.s32 $0xFFFFD800  }
0xcd: {  	_ =	sfence.sel $0x180000  }
0xce: {  	[bflag:$0x0] =	sbarrier.arrive $0xFFFF  }
0xcf: {  	_ =	strace $0x9000004D  }
0xd0: {  	s0 =	stileid.u32;
	[bflag:$0x2] =	sbarrier.arrive $0xFFFF  }
0xd1: {  	p0 =	sne.s32 s0, $0x0;
	s0 =	rddreg [dreg:$0x3]  }
0xd2: {  	s0 =	sadd.s32 @!p0 $0x100000, s0  }
0xd3: {  	[sflag:s0] =	ssyncadd.tile.s32 @!p0 $0x1;
	_ =	shalt  }
.Lfunc_end2:
_tile_overlayer_lowered:
.L_overlay_start_2:
0xd4: {  	(tag) =	ssettag $0x2  }
0xd5: {  	s0 =	rddreg [dreg:$0x0];
	s2 =	stileid.u32  }
0xd6: {  	s1 =	rddreg [dreg:$0x1];
	p0 =	sne.s32 s2, $0x0  }
0xd7: {  	s3 =	rddreg [dreg:$0x2];
	[bflag:$0x3] =	sbarrier.arrive $0xFFFF;
	s2 =	simm.s32 @!p0 $0x1C05  }
0xd8: {  	[timem:s3], [sflag:s2] =	dma.local @!p0 [hbm:s0], s1  }
0xd9: {  	s0 =	simm.s32 @!p0 $0x5  }
0xda: {  	_ =	swait.ge @!p0 [sflag:s0], s1  }
0xdb: {  	s1 =	ssub.s32 @!p0 $0x0, s1;
	[sflag:s0] =	ssyncset.done @!p0 $0x0  }
0xdc: {  	[sflag:s0] =	ssyncadd.s32 @!p0 s1  }
0xdd: {  	[bflag:$0x3] =	sbarrier.arrive $0xFFFF  }
0xde: {  	_ =	shalt  }

// kernel: kernel.8.cloned.1.call-start
scs
__scs_entry_jumppad:
0x0: {  	(pc) =	sbr.rel $0x88, $3  }
0x1: {  	(tag) =	ssettag $0x0;
	lr =	simm.s32 $0x1  }
0x2: {  	[smem:$0x3F9B] =	sst lr;
	_ =	strace $0xD0000000  }
0x3: {  	_ = 	snop  }
0x4: {  	_ = 	snop  }
0x5: {  	_ = 	snop  }
0x6: {  	_ = 	snop  }
0x7: {  	_ = 	snop  }
__scs_overlays_trampoline_lowered:
0x8: {  	[smem:$0x3FAA] =	sst s0  }
0x9: {  	[smem:$0x3FAB] =	sst s1  }
0xa: {  	[smem:$0x3FAC] =	sst s2  }
0xb: {  	[smem:$0x3FAD] =	sst s3  }
0xc: {  	[smem:$0x3FAE] =	sst s4  }
0xd: {  	[smem:$0x3FAF] =	sst s5  }
0xe: {  	[smem:$0x3FB0] =	sst s6  }
0xf: {  	[smem:$0x3FB1] =	sst s7  }
0x10: {  	[smem:$0x3FB2] =	sst s8  }
0x11: {  	[smem:$0x3FB3] =	sst s9;
	s0 =	simm.s32 @!p0 $0x0  }
0x12: {  	s1 =	sld [smem:$0x3F99];
	s0 =	simm.s32 @p0 $0x1  }
0x13: {  	[smem:$0x3FB4] =	sst s0;
	s0 =	simm.s32 @!p1 $0x0  }
0x14: {  	s2 =	sld [smem:$0x3F98];
	s0 =	simm.s32 @p1 $0x1  }
0x15: {  	[smem:$0x3FB5] =	sst s0;
	s0 =	simm.s32 @!p2 $0x0  }
0x16: {  	s3 =	sld [smem:$0x3FDB];
	s0 =	simm.s32 @p2 $0x1  }
0x17: {  	s4 =	simm.s32 $0x1BF5;
	[smem:$0x3FB7] =	sst s0  }
0x18: {  	s0 =	sld [smem:$0x3F9A];
	_ =	swait.ge [sflag:s4], $0x0  }
0x19: {  	s7 =	sld [smem:$0x3F9B]  }
0x1a: {  	s8 =	sadd.s32 $0xFFFFE003, lr  }
0x1b: {  	s9 =	sadd.s32 $0xFFFFFEF7, lr;
	s5 =	simm.s32 $0xFFFFFFFF;
	p2 =	slt.u32 s8, $0xFFFFF086  }
0x1c: {  	p1 =	slt.u32 s9, $0xF7A;
	s5 =	simm.s32 @!p2 $0x0  }
0x1d: {  	s5 =	simm.s32 @p1 $0x1;
	p0 =	seq.s32 s7, s2  }
0x1e: {  	s7 =	smul.u32 @!p0 $0xF7A, s2;
	p2 =	seq.s32 @!p0 s5, $0x0  }
0x1f: {  	s9 =	smul.u32 $0xF7A, s1;
	s8 =	simm.s32 @!p0 $0x1BF5;
	p2 =	por !p2, p0  }
0x20: {  	[sflag:s8] =	ssyncset.s32 @!p0 $0xFFFFF086;
	s6 =	sadd.s32 @!p0 s3, s7;
	s7 =	simm.s32 @!p0 $0x108  }
0x21: {  	s3 =	sadd.s32 s3, s9;
	s6 =	sadd.s32 @!p0 $0x88, s6;
	s7 =	simm.s32 @p2 $0x1082  }
0x22: {  	[simem:s7], [sflag:s8] =	dma.local @!p0 [hbm:s6], $0xF7A  }
0x23: {  	s9 =	sor.u32 $0xD0000000, s2;
	s6 =	simm.s32 $0x108;
	_ =	swait.ge @!p0 [sflag:s8], $0x0  }
0x24: {  	s3 =	sadd.s32 $0x88, s3;
	s6 =	simm.s32 @!p1 $0x1082;
	[sflag:s4] =	ssyncset.s32 $0xFFFFF086  }
0x25: {  	[simem:s6], [sflag:s4] =	dma.local [hbm:s3], $0xF7A  }
0x26: {  	[smem:$0x3F9B] =	sst s1;
	(tag) =	ssettag s2;
	_ =	strace s9  }
0x27: {  	s1 =	sld [smem:$0x3FAB]  }
0x28: {  	s2 =	sld [smem:$0x3FAC]  }
0x29: {  	s4 =	sld [smem:$0x3FAE]  }
0x2a: {  	p0 =	seq.s32 s5, $0x0;
	s5 =	sld [smem:$0x3FAF]  }
0x2b: {  	s6 =	sld [smem:$0x3FB0]  }
0x2c: {  	s7 =	sld [smem:$0x3FB1]  }
0x2d: {  	s3 =	simm.s32 $0x108;
	s8 =	sld [smem:$0x3FB2]  }
0x2e: {  	s3 =	simm.s32 @!p0 $0x1082;
	s9 =	sld [smem:$0x3FB3]  }
0x2f: {  	lr =	sadd.s32 s0, s3;
	s0 =	sld [smem:$0x3FAA]  }
0x30: {  	s3 =	sld [smem:$0x3FAD]  }
0x31: {  	[smem:$0x3FB6] =	sst s10  }
0x32: {  	s10 =	sld [smem:$0x3FB4];
	_ =	sdelay $0x3  }
0x33: {  	p0 =	seq.s32 s10, $0x1;
	s10 =	sld [smem:$0x3FB6];
	_ =	sdelay $0x3  }
0x34: {  	[smem:$0x3FB6] =	sst s10  }
0x35: {  	s10 =	sld [smem:$0x3FB5];
	_ =	sdelay $0x3  }
0x36: {  	p1 =	seq.s32 s10, $0x1;
	s10 =	sld [smem:$0x3FB6];
	_ =	sdelay $0x3  }
0x37: {  	[smem:$0x3FB6] =	sst s10  }
0x38: {  	s10 =	sld [smem:$0x3FB7]  }
0x39: {  	_ = 	snop;
	(pc) =	sbr.ind lr, $3  }
0x3a: {  	_ = 	snop  }
0x3b: {  	_ = 	snop  }
0x3c: {  	p2 =	seq.s32 s10, $0x1;
	s10 =	sld [smem:$0x3FB6]  }
0x3d: {  	_ =	shalt  }
0x3e: {  	_ =	shalt  }
0x3f: {  	_ =	shalt  }
0x40: {  	_ =	shalt  }
0x41: {  	_ =	shalt  }
0x42: {  	_ =	shalt  }
0x43: {  	_ =	shalt  }
0x44: {  	_ =	shalt  }
0x45: {  	_ =	shalt  }
0x46: {  	_ =	shalt  }
0x47: {  	_ =	shalt  }
0x48: {  	_ =	shalt  }
0x49: {  	_ =	shalt  }
0x4a: {  	_ =	shalt  }
0x4b: {  	_ =	shalt  }
0x4c: {  	_ =	shalt  }
0x4d: {  	_ =	shalt  }
0x4e: {  	_ =	shalt  }
0x4f: {  	_ =	shalt  }
0x50: {  	_ =	shalt  }
0x51: {  	_ =	shalt  }
0x52: {  	_ =	shalt  }
0x53: {  	_ =	shalt  }
0x54: {  	_ =	shalt  }
0x55: {  	_ =	shalt  }
0x56: {  	_ =	shalt  }
0x57: {  	_ =	shalt  }
0x58: {  	_ =	shalt  }
0x59: {  	_ =	shalt  }
0x5a: {  	_ =	shalt  }
0x5b: {  	_ =	shalt  }
0x5c: {  	_ =	shalt  }
0x5d: {  	_ =	shalt  }
0x5e: {  	_ =	shalt  }
0x5f: {  	_ =	shalt  }
0x60: {  	_ =	shalt  }
0x61: {  	_ =	shalt  }
0x62: {  	_ =	shalt  }
0x63: {  	_ =	shalt  }
0x64: {  	_ =	shalt  }
0x65: {  	_ =	shalt  }
0x66: {  	_ =	shalt  }
0x67: {  	_ =	shalt  }
0x68: {  	_ =	shalt  }
0x69: {  	_ =	shalt  }
0x6a: {  	_ =	shalt  }
0x6b: {  	_ =	shalt  }
0x6c: {  	_ =	shalt  }
0x6d: {  	_ =	shalt  }
0x6e: {  	_ =	shalt  }
0x6f: {  	_ =	shalt  }
0x70: {  	_ =	shalt  }
0x71: {  	_ =	shalt  }
0x72: {  	_ =	shalt  }
0x73: {  	_ =	shalt  }
0x74: {  	_ =	shalt  }
0x75: {  	_ =	shalt  }
0x76: {  	_ =	shalt  }
0x77: {  	_ =	shalt  }
0x78: {  	_ =	shalt  }
0x79: {  	_ =	shalt  }
0x7a: {  	_ =	shalt  }
0x7b: {  	_ =	shalt  }
0x7c: {  	_ =	shalt  }
0x7d: {  	_ =	shalt  }
0x7e: {  	_ =	shalt  }
0x7f: {  	_ =	shalt  }
0x80: {  	_ =	shalt  }
0x81: {  	_ =	shalt  }
0x82: {  	_ =	shalt  }
0x83: {  	_ =	shalt  }
0x84: {  	_ =	shalt  }
0x85: {  	_ =	shalt  }
0x86: {  	_ =	shalt  }
0x87: {  	_ =	shalt  }
.Lfunc_end0:
.L_simem_size_0:
called_computation_lowered:
.L_overlay_start_0:
0x88: {  	s2 =	sld [smem:$0x3FD9]  }
0x89: {  	s3 =	sld [smem:$0x3FFE];
	_ =	sdelay $0x1  }
0x8a: {  	s1 =	srdreg.scid  }
0x8b: {  	s0 =	sand.u32 $0x1, s1  }
0x8c: {  	s16 =	sshll.u32 s0, $0xA;
	s2 =	sadd.s32 s3, s2  }
0x8d: {  	s2 =	sadd.s32 s2, s16  }
0x8e: {  	[smem:$0x3FC2] =	sst s2  }
0x8f: {  	_ = 	snop  }
0x90: {  	(tm) =	ssettm $0x1  }
0x91: {  	s17 =	sld [smem:$0x3FFB];
	_ =	sdelay $0x3  }
0x92: {  	_ =	strace s17  }
0x93: {  	s2 =	sld [smem:$0x3FFC];
	_ =	sdelay $0x3  }
0x94: {  	_ =	strace s2  }
0x95: {  	s2 =	sld [smem:$0x3FFD];
	_ =	sdelay $0x3  }
0x96: {  	_ =	strace s2  }
0x97: {  	_ =	strace $0x8FFFFFFF  }
0x98: {  	s18 =	sld [smem:$0x3FDB];
	_ =	sdelay $0x1  }
0x99: {  	s19 =	simm.s32 $_scs_section_size  }
0x9a: {  	s4 =	simm.s32 $_size__tile_overlayer_lowered;
	s5 =	simm.s32 $_tile_overlayer_lowered  }
0x9b: {  	s22 =	simm.s32 $0x1BFF;
	s21 =	sshll.u32 s5, $0x1;
	s2 =	sadd.s32 s19, s18  }
0x9c: {  	s6 =	simm.s32 $0x0;
	s20 =	sshll.u32 s4, $0x1;
	s4 =	sadd.s32 s21, s2  }
0x9d: {  	[timem:s6], [sflag:s22] =	dma.local [hbm:s4], s20  }
0x9e: {  	_ =	swait.ge [sflag:s22], s20  }
0x9f: {  	s3 =	ssub.s32 $0x0, s20;
	[sflag:s22] =	ssyncset.done $0x0  }
0xa0: {  	[sflag:s22] =	ssyncadd.s32 s3;
	_ =	sdelay $0x1  }
0xa1: {  	s23 =	simm.s32 $0x1B8B  }
0xa2: {  	_ =	swait.ge [sflag:s23], $0x1  }
0xa3: {  	[sflag:s23] =	ssyncset.done $0x0  }
0xa4: {  	s25 =	simm.s32 $0x1B8E;
	s24 =	sld [smem:$0x3FFE];
	[sflag:s23] =	ssyncadd.s32 $0xFFFFFFFF  }
0xa5: {  	s26 =	simm.s32 $execute0_lowered;
	[smem:$0x3FD2] =	sst s25  }
0xa6: {  	s4 =	sshll.u32 s26, $0x1;
	_ =	strace $0x80000046;
	[dreg:$0x1] =	wrdreg $0xFFFFFFFF  }
0xa7: {  	s28 =	simm.s32 $_size_execute0_lowered;
	s2 =	sadd.s32 s2, s4;
	[dreg:$0x0] =	wrdreg $0x0  }
0xa8: {  	s4 =	sshll.u32 s28, $0x1;
	[dreg:$0x2] =	wrdreg s2  }
0xa9: {  	[dreg:$0x3] =	wrdreg s4  }
0xaa: {  	[dreg:$0x4] =	wrdreg $0xC0  }
0xab: {  	_ =	task [dreg:s6], $0x5FFFF  }
0xac: {  	[dreg:$0x1] =	wrdreg $0xFFFFFFFF  }
0xad: {  	[dreg:$0x0] =	wrdreg $0x60  }
0xae: {  	[dreg:$0x2] =	wrdreg s24  }
0xaf: {  	[dreg:$0x3] =	wrdreg $0x78000  }
0xb0: {  	[dreg:$0x4] =	wrdreg $0x9  }
0xb1: {  	_ =	task.clear_ibuf [dreg:s6], $0x5FFFF;
	_ =	strace $0x90000046  }
0xb2: {  	s29 =	simm.s32 $0x9;
	_ =	strace $0x80000048  }
0xb3: {  	_ =	swait.ge [sflag:s29], $0x1  }
0xb4: {  	[sflag:s29] =	ssyncadd.s32 $0xFFFFFFFF  }
0xb5: {  	_ =	strace $0x90000048  }
0xb6: {  	_ =	sfence  }
0xb7: {  	s30 =	sld [smem:$0x0];
	_ =	sdelay $0x2  }
0xb8: {  	s31 =	sshll.u32 s1, $0xD;
	s1 =	sshrl.u32 s1, $0x2  }
0xb9: {  	s3 =	sand.u32 $0x4000, s31;
	s1 =	sadd.s32 s1, s30  }
0xba: {  	s0 =	sor.u32 s3, s0;
	s1 =	sshll.u32 s1, $0x11  }
0xbb: {  	s0 =	sor.u32 s1, s0  }
0xbc: {  	s0 =	sadd.s32 $0x8F2B, s0  }
0xbd: {  	[sflag:s0] =	ssyncadd.remote.s32 $0x1  }
0xbe: {  	_ =	sfence.sel $0xFFFF  }
0xbf: {  	[dreg:$0x0] =	wrdreg $0xFFFFFFFF;
	(pc) =	sbr.abs _section_cstart, $3  }
0xc0: {  	[dreg:$0x1] =	wrdreg $0xFFFFFFFF  }
0xc1: {  	_ =	task.clear_ibuf [dreg:s6], $0x2FFFF;
	_ =	strace $0x9FFFFFFF  }
0xc2: {  	(tm) =	ssettm $0x7FFFFFFF  }
0xc3: {  	_ =	shalt  }
tec
execute0_lowered:
.L_overlay_start_1:
0x0: {  	(tag) =	ssettag $0x1  }
0x1: {  	s0 =	rddreg [dreg:$0x0]  }
0x2: {  	s2 =	rddreg [dreg:$0x1]  }
0x3: {  	s1 =	srdreg.scid;
	s6 =	stileid.u32;
	s5 =	simm.s32 $0x0  }
0x4: {  	s28 =	simm.s32 $0x3;
	s29 =	simm.s32 $0x6800;
	s30 =	simm.s32 $0x80  }
0x5: {  	s31 =	simm.s32 $0x2800;
	s1 =	sand.u32 $0x1, s1;
	s21 =	smul.u32 $0x14000, s6  }
0x6: {  	s3 =	sshll.u32 s6, $0x1;
	[smem:$0x7FF] =	sst s5;
	s22 =	smul.u32 $0x50000, s6  }
0x7: {  	s4 =	smul.u32 $0x140000, s1;
	s3 =	sor.u32 s1, s3;
	s1 =	ssub.s32 $0x2, s1  }
0x8: {  	_ =	strace $0x80000047;
	s3 =	smul.u32 $0x500, s3;
	s23 =	sshrl.u32 s1, $0x1  }
0x9: {  	s24 =	sshrl.u32 s22, $0x2;
	s4 =	sadd.s32 s21, s4;
	s1 =	ssub.s32 s1, s23  }
0xa: {  	s5 =	sadd.s32 s24, s2;
	s3 =	sadd.s32 s3, s0;
	s4 =	sshrl.u32 s4, $0x3  }
0xb: {  	s25 =	smax.u32 s1, $0x1;
	s26 =	sadd.s32 $0x1000, s5;
	s9 =	sadd.s32 $0x2000, s5  }
0xc: {  	s10 =	sadd.s32 $0x3000, s5;
	s11 =	sadd.s32 $0x4000, s5;
	s12 =	sadd.s32 $0x5000, s5  }
0xd: {  	s13 =	sadd.s32 $0x6000, s5;
	s14 =	sadd.s32 $0x7000, s5;
	s15 =	sadd.s32 $0x8000, s5  }
0xe: {  	s16 =	sadd.s32 $0x9000, s5;
	s17 =	sadd.s32 $0xA000, s5;
	s18 =	sadd.s32 $0xB000, s5  }
0xf: {  	s19 =	sadd.s32 $0xC000, s5;
	s20 =	sadd.s32 $0xD000, s5;
	s21 =	sadd.s32 $0xE000, s5  }
0x10: {  	s22 =	sadd.s32 $0xF000, s5;
	s23 =	sadd.s32 $0x10000, s5;
	s24 =	sadd.s32 $0x11000, s5  }
0x11: {  	s1 =	simm.s32 $0x0;
	s0 =	sadd.s32 s4, s0;
	[dreg:$0x5] =	wrdreg s25  }
0x12: {  	s3 =	sadd.s32 $0x2A00, s3;
	[dreg:$0x6] =	wrdreg s26;
	s25 =	sadd.s32 $0x12000, s5  }
0x13: {  	s26 =	sadd.s32 $0x13000, s5;
	[dreg:$0x3] =	wrdreg s3;
	s0 =	sadd.s32 $0x16A00, s0  }
0x14: {  	v0 =	vimm.f32 $1.000000000e+00;
	v1 =	vimm.f32 $0.0e+00;
	s3 =	simm.s32 $0x2;
	[dreg:$0x4] =	wrdreg s0;
	s0 =	simm.s32 $0x1  }
.LBB2_1:
0x15: {  	s4 =	simm.s32 $0x0;
	s6 =	rddreg [dreg:$0x3]  }
0x16: {  	[tilespmem:s4], [sflag:$0x3] =	stream.linear.gather [hbm4b:s6+s4], $0x2800, $0x38;
	[tilespmem:$0xA000] =	vst v63  }
0x17: {  	_ =	swait.ge [sflag:s28], $0x2800  }
0x18: {  	[sflag:s28] =	ssyncset.done $0x0  }
0x19: {  	s4 =	simm.s32 $0x200;
	s6 =	simm.s32 $0x0;
	[sflag:s28] =	ssyncadd.s32 $0xFFFFD800  }
.LBB2_2:
0x1a: {  	p0 =	sne.s32 s4, $0xFE00;
	[tilespmem:s6+$0x2800] =	vst v0;
	s6 =	smov.u32 s4;
	s4 =	sadd.s32 $0x200, s4  }
.Ltmp0:
0x1b: {  	(pc) =	sbr.rel @p0 .LBB2_2-.Ltmp0, $2  }
0x1c: {  	_ =	sdelay $0x2  }
0x1d: {  	s6 =	sshra.s32 s6, $0x2  }
0x1e: {  	[tilespmem:s6+$0x2800] =	vst v0  }
0x1f: {  	[tilespmem:$0x6800] =	vst v1  }
0x20: {  	[tilespmem:$0x6880] =	vst v1  }
0x21: {  	[tilespmem:$0x6900] =	vst v1  }
0x22: {  	[tilespmem:$0x6980] =	vst v1  }
0x23: {  	[tilespmem:$0x6A00] =	vst v1  }
0x24: {  	[tilespmem:$0x6A80] =	vst v1  }
0x25: {  	[tilespmem:$0x6B00] =	vst v1  }
0x26: {  	[tilespmem:$0x6B80] =	vst v1  }
0x27: {  	[tilespmem:$0x6C00] =	vst v1  }
0x28: {  	[tilespmem:$0x6C80] =	vst v1  }
0x29: {  	[tilespmem:$0x6D00] =	vst v1  }
0x2a: {  	[tilespmem:$0x6D80] =	vst v1  }
0x2b: {  	[tilespmem:$0x6E00] =	vst v1  }
0x2c: {  	[tilespmem:$0x6E80] =	vst v1  }
0x2d: {  	[tilespmem:$0x6F00] =	vst v1  }
0x2e: {  	[tilespmem:$0x6F80] =	vst v1  }
0x2f: {  	[tilespmem:$0x7000] =	vst v1  }
0x30: {  	[tilespmem:$0x7080] =	vst v1  }
0x31: {  	[tilespmem:$0x7100] =	vst v1  }
0x32: {  	[tilespmem:$0x7180] =	vst v1  }
0x33: {  	[tilespmem:$0x7200] =	vst v1  }
0x34: {  	[tilespmem:$0x7280] =	vst v1  }
0x35: {  	[tilespmem:$0x7300] =	vst v1  }
0x36: {  	[tilespmem:$0x7380] =	vst v1  }
0x37: {  	[tilespmem:$0x7400] =	vst v1  }
0x38: {  	[tilespmem:$0x7480] =	vst v1  }
0x39: {  	[tilespmem:$0x7500] =	vst v1  }
0x3a: {  	[tilespmem:$0x7580] =	vst v1  }
0x3b: {  	[tilespmem:$0x7600] =	vst v1  }
0x3c: {  	[tilespmem:$0x7680] =	vst v1  }
0x3d: {  	[tilespmem:$0x7700] =	vst v1  }
0x3e: {  	[tilespmem:$0x7780] =	vst v1  }
0x3f: {  	[spmem:s5] =	stream.linear.scatter [tilespmem:s29], [sflag:$0x3], $0x1000, $0x38;
	[tilespmem:$0xA000] =	vst v63  }
0x40: {  	_ =	swait.ge [sflag:s28], $0x1000  }
0x41: {  	[sflag:s28] =	ssyncset.done $0x0  }
0x42: {  	s4 =	rddreg [dreg:$0x6];
	[sflag:s28] =	ssyncadd.s32 $0xFFFFF000  }
0x43: {  	[spmem:s4] =	stream.linear.scatter [tilespmem:s29], [sflag:$0x3], $0x1000, $0x38;
	[tilespmem:$0xA000] =	vst v63  }
0x44: {  	_ =	swait.ge [sflag:s28], $0x1000  }
0x45: {  	[sflag:s28] =	ssyncset.done $0x0  }
0x46: {  	[sflag:s28] =	ssyncadd.s32 $0xFFFFF000  }
0x47: {  	[spmem:s9] =	stream.linear.scatter [tilespmem:s29], [sflag:$0x3], $0x1000, $0x38;
	[tilespmem:$0xA000] =	vst v63  }
0x48: {  	_ =	swait.ge [sflag:s28], $0x1000  }
0x49: {  	[sflag:s28] =	ssyncset.done $0x0  }
0x4a: {  	[sflag:s28] =	ssyncadd.s32 $0xFFFFF000  }
0x4b: {  	[spmem:s10] =	stream.linear.scatter [tilespmem:s29], [sflag:$0x3], $0x1000, $0x38;
	[tilespmem:$0xA000] =	vst v63  }
0x4c: {  	_ =	swait.ge [sflag:s28], $0x1000  }
0x4d: {  	[sflag:s28] =	ssyncset.done $0x0  }
0x4e: {  	[sflag:s28] =	ssyncadd.s32 $0xFFFFF000  }
0x4f: {  	[spmem:s11] =	stream.linear.scatter [tilespmem:s29], [sflag:$0x3], $0x1000, $0x38;
	[tilespmem:$0xA000] =	vst v63  }
0x50: {  	_ =	swait.ge [sflag:s28], $0x1000  }
0x51: {  	[sflag:s28] =	ssyncset.done $0x0  }
0x52: {  	[sflag:s28] =	ssyncadd.s32 $0xFFFFF000  }
0x53: {  	[spmem:s12] =	stream.linear.scatter [tilespmem:s29], [sflag:$0x3], $0x1000, $0x38;
	[tilespmem:$0xA000] =	vst v63  }
0x54: {  	_ =	swait.ge [sflag:s28], $0x1000  }
0x55: {  	[sflag:s28] =	ssyncset.done $0x0  }
0x56: {  	[sflag:s28] =	ssyncadd.s32 $0xFFFFF000  }
0x57: {  	[spmem:s13] =	stream.linear.scatter [tilespmem:s29], [sflag:$0x3], $0x1000, $0x38;
	[tilespmem:$0xA000] =	vst v63  }
0x58: {  	_ =	swait.ge [sflag:s28], $0x1000  }
0x59: {  	[sflag:s28] =	ssyncset.done $0x0  }
0x5a: {  	[sflag:s28] =	ssyncadd.s32 $0xFFFFF000  }
0x5b: {  	[spmem:s14] =	stream.linear.scatter [tilespmem:s29], [sflag:$0x3], $0x1000, $0x38;
	[tilespmem:$0xA000] =	vst v63  }
0x5c: {  	_ =	swait.ge [sflag:s28], $0x1000  }
0x5d: {  	[sflag:s28] =	ssyncset.done $0x0  }
0x5e: {  	[sflag:s28] =	ssyncadd.s32 $0xFFFFF000  }
0x5f: {  	[spmem:s15] =	stream.linear.scatter [tilespmem:s29], [sflag:$0x3], $0x1000, $0x38;
	[tilespmem:$0xA000] =	vst v63  }
0x60: {  	_ =	swait.ge [sflag:s28], $0x1000  }
0x61: {  	[sflag:s28] =	ssyncset.done $0x0  }
0x62: {  	[sflag:s28] =	ssyncadd.s32 $0xFFFFF000  }
0x63: {  	[spmem:s16] =	stream.linear.scatter [tilespmem:s29], [sflag:$0x3], $0x1000, $0x38;
	[tilespmem:$0xA000] =	vst v63  }
0x64: {  	_ =	swait.ge [sflag:s28], $0x1000  }
0x65: {  	[sflag:s28] =	ssyncset.done $0x0  }
0x66: {  	[sflag:s28] =	ssyncadd.s32 $0xFFFFF000  }
0x67: {  	[spmem:s17] =	stream.linear.scatter [tilespmem:s29], [sflag:$0x3], $0x1000, $0x38;
	[tilespmem:$0xA000] =	vst v63  }
0x68: {  	_ =	swait.ge [sflag:s28], $0x1000  }
0x69: {  	[sflag:s28] =	ssyncset.done $0x0  }
0x6a: {  	[sflag:s28] =	ssyncadd.s32 $0xFFFFF000  }
0x6b: {  	[spmem:s18] =	stream.linear.scatter [tilespmem:s29], [sflag:$0x3], $0x1000, $0x38;
	[tilespmem:$0xA000] =	vst v63  }
0x6c: {  	_ =	swait.ge [sflag:s28], $0x1000  }
0x6d: {  	[sflag:s28] =	ssyncset.done $0x0  }
0x6e: {  	[sflag:s28] =	ssyncadd.s32 $0xFFFFF000  }
0x6f: {  	[spmem:s19] =	stream.linear.scatter [tilespmem:s29], [sflag:$0x3], $0x1000, $0x38;
	[tilespmem:$0xA000] =	vst v63  }
0x70: {  	_ =	swait.ge [sflag:s28], $0x1000  }
0x71: {  	[sflag:s28] =	ssyncset.done $0x0  }
0x72: {  	[sflag:s28] =	ssyncadd.s32 $0xFFFFF000  }
0x73: {  	[spmem:s20] =	stream.linear.scatter [tilespmem:s29], [sflag:$0x3], $0x1000, $0x38;
	[tilespmem:$0xA000] =	vst v63  }
0x74: {  	_ =	swait.ge [sflag:s28], $0x1000  }
0x75: {  	[sflag:s28] =	ssyncset.done $0x0  }
0x76: {  	[sflag:s28] =	ssyncadd.s32 $0xFFFFF000  }
0x77: {  	[spmem:s21] =	stream.linear.scatter [tilespmem:s29], [sflag:$0x3], $0x1000, $0x38;
	[tilespmem:$0xA000] =	vst v63  }
0x78: {  	_ =	swait.ge [sflag:s28], $0x1000  }
0x79: {  	[sflag:s28] =	ssyncset.done $0x0  }
0x7a: {  	[sflag:s28] =	ssyncadd.s32 $0xFFFFF000  }
0x7b: {  	[spmem:s22] =	stream.linear.scatter [tilespmem:s29], [sflag:$0x3], $0x1000, $0x38;
	[tilespmem:$0xA000] =	vst v63  }
0x7c: {  	_ =	swait.ge [sflag:s28], $0x1000  }
0x7d: {  	[sflag:s28] =	ssyncset.done $0x0  }
0x7e: {  	[sflag:s28] =	ssyncadd.s32 $0xFFFFF000  }
0x7f: {  	[spmem:s23] =	stream.linear.scatter [tilespmem:s29], [sflag:$0x3], $0x1000, $0x38;
	[tilespmem:$0xA000] =	vst v63  }
0x80: {  	_ =	swait.ge [sflag:s28], $0x1000  }
0x81: {  	[sflag:s28] =	ssyncset.done $0x0  }
0x82: {  	[sflag:s28] =	ssyncadd.s32 $0xFFFFF000  }
0x83: {  	[spmem:s24] =	stream.linear.scatter [tilespmem:s29], [sflag:$0x3], $0x1000, $0x38;
	[tilespmem:$0xA000] =	vst v63  }
0x84: {  	_ =	swait.ge [sflag:s28], $0x1000  }
0x85: {  	[sflag:s28] =	ssyncset.done $0x0  }
0x86: {  	[sflag:s28] =	ssyncadd.s32 $0xFFFFF000  }
0x87: {  	[spmem:s25] =	stream.linear.scatter [tilespmem:s29], [sflag:$0x3], $0x1000, $0x38;
	[tilespmem:$0xA000] =	vst v63  }
0x88: {  	_ =	swait.ge [sflag:s28], $0x1000  }
0x89: {  	[sflag:s28] =	ssyncset.done $0x0  }
0x8a: {  	[sflag:s28] =	ssyncadd.s32 $0xFFFFF000  }
0x8b: {  	[spmem:s26] =	stream.linear.scatter [tilespmem:s29], [sflag:$0x3], $0x1000, $0x38;
	[tilespmem:$0xA000] =	vst v63  }
0x8c: {  	_ =	swait.ge [sflag:s28], $0x1000  }
0x8d: {  	[sflag:s28] =	ssyncset.done $0x0  }
0x8e: {  	[sflag:s28] =	ssyncadd.s32 $0xFFFFF000  }
0x8f: {  	s7 =	simm.s32 $0x0;
	[bflag:$0x0] =	sbarrier.arrive $0xFFFF  }
0x90: {  	[spmem:s2] =	stream.indirect.scatter.add.f32 [tilespmem:s31], [sflag:$0x1], $0x10, s7, s30, $0xb8;
	[tilespmem:$0xA000] =	vst v63  }
0x91: {  	s8 =	simm.s32 $0x80  }
0x92: {  	[spmem:s2] =	stream.indirect.scatter.add.f32 [tilespmem:s31], [sflag:$0x2], $0x10, s8, s30, $0xb8;
	[tilespmem:$0xA000] =	vst v63  }
0x93: {  	_ =	swait.ge [sflag:s0], $0x800  }
0x94: {  	[sflag:s0] =	ssyncset.done $0x0  }
0x95: {  	s6 =	simm.s32 $0x100;
	[sflag:s0] =	ssyncadd.s32 $0xFFFFF800  }
0x96: {  	[spmem:s2] =	stream.indirect.scatter.add.f32 [tilespmem:s31], [sflag:$0x1], $0x10, s6, s30, $0xb8;
	[tilespmem:$0xA000] =	vst v63  }
0x97: {  	_ =	swait.ge [sflag:s3], $0x800  }
0x98: {  	[sflag:s3] =	ssyncset.done $0x0  }
0x99: {  	s7 =	simm.s32 $0x180;
	[sflag:s3] =	ssyncadd.s32 $0xFFFFF800  }
0x9a: {  	[spmem:s2] =	stream.indirect.scatter.add.f32 [tilespmem:s31], [sflag:$0x2], $0x10, s7, s30, $0xb8;
	[tilespmem:$0xA000] =	vst v63  }
0x9b: {  	_ =	swait.ge [sflag:s0], $0x800  }
0x9c: {  	[sflag:s0] =	ssyncset.done $0x0  }
0x9d: {  	s8 =	simm.s32 $0x200;
	[sflag:s0] =	ssyncadd.s32 $0xFFFFF800  }
0x9e: {  	[spmem:s2] =	stream.indirect.scatter.add.f32 [tilespmem:s31], [sflag:$0x1], $0x10, s8, s30, $0xb8;
	[tilespmem:$0xA000] =	vst v63  }
0x9f: {  	_ =	swait.ge [sflag:s3], $0x800  }
0xa0: {  	[sflag:s3] =	ssyncset.done $0x0  }
0xa1: {  	s6 =	simm.s32 $0x280;
	[sflag:s3] =	ssyncadd.s32 $0xFFFFF800  }
0xa2: {  	[spmem:s2] =	stream.indirect.scatter.add.f32 [tilespmem:s31], [sflag:$0x2], $0x10, s6, s30, $0xb8;
	[tilespmem:$0xA000] =	vst v63  }
0xa3: {  	_ =	swait.ge [sflag:s0], $0x800  }
0xa4: {  	[sflag:s0] =	ssyncset.done $0x0  }
0xa5: {  	s7 =	simm.s32 $0x300;
	[sflag:s0] =	ssyncadd.s32 $0xFFFFF800  }
0xa6: {  	[spmem:s2] =	stream.indirect.scatter.add.f32 [tilespmem:s31], [sflag:$0x1], $0x10, s7, s30, $0xb8;
	[tilespmem:$0xA000] =	vst v63  }
0xa7: {  	_ =	swait.ge [sflag:s3], $0x800  }
0xa8: {  	[sflag:s3] =	ssyncset.done $0x0  }
0xa9: {  	s8 =	simm.s32 $0x380;
	[sflag:s3] =	ssyncadd.s32 $0xFFFFF800  }
0xaa: {  	[spmem:s2] =	stream.indirect.scatter.add.f32 [tilespmem:s31], [sflag:$0x2], $0x10, s8, s30, $0xb8;
	[tilespmem:$0xA000] =	vst v63  }
0xab: {  	_ =	swait.ge [sflag:s0], $0x800  }
0xac: {  	[sflag:s0] =	ssyncset.done $0x0  }
0xad: {  	[sflag:s0] =	ssyncadd.s32 $0xFFFFF800  }
0xae: {  	_ =	swait.ge [sflag:s3], $0x800  }
0xaf: {  	s4 =	simm.s32 $0x1000;
	s6 =	simm.s32 $0x2000;
	[sflag:s3] =	ssyncset.done $0x0  }
.LBB2_4:
0xb0: {  	s8 =	sshra.s32 s4, $0x2  }
0xb1: {  	[sflag:s3] =	ssyncadd.s32 $0xFFFFF800;
	s4 =	smov.u32 s6;
	s7 =	sadd.s32 $0x1000, s6  }
0xb2: {  	[spmem:s2] =	stream.indirect.scatter.add.f32 [tilespmem:s31], [sflag:$0x1], $0x10, s8, s30, $0xb8;
	[tilespmem:$0xA000] =	vst v63  }
0xb3: {  	p0 =	sne.s32 s6, $0x9000;
	s6 =	sadd.s32 $0x80, s8  }
0xb4: {  	[spmem:s2] =	stream.indirect.scatter.add.f32 [tilespmem:s31], [sflag:$0x2], $0x10, s6, s30, $0xb8;
	[tilespmem:$0xA000] =	vst v63  }
0xb5: {  	_ =	swait.ge [sflag:s0], $0x800  }
0xb6: {  	[sflag:s0] =	ssyncset.done $0x0  }
0xb7: {  	s6 =	sadd.s32 $0x100, s8;
	[sflag:s0] =	ssyncadd.s32 $0xFFFFF800  }
0xb8: {  	[spmem:s2] =	stream.indirect.scatter.add.f32 [tilespmem:s31], [sflag:$0x1], $0x10, s6, s30, $0xb8;
	[tilespmem:$0xA000] =	vst v63  }
0xb9: {  	_ =	swait.ge [sflag:s3], $0x800  }
0xba: {  	[sflag:s3] =	ssyncset.done $0x0  }
0xbb: {  	s6 =	sadd.s32 $0x180, s8;
	[sflag:s3] =	ssyncadd.s32 $0xFFFFF800  }
0xbc: {  	[spmem:s2] =	stream.indirect.scatter.add.f32 [tilespmem:s31], [sflag:$0x2], $0x10, s6, s30, $0xb8;
	[tilespmem:$0xA000] =	vst v63  }
0xbd: {  	_ =	swait.ge [sflag:s0], $0x800  }
0xbe: {  	[sflag:s0] =	ssyncset.done $0x0  }
0xbf: {  	s6 =	sadd.s32 $0x200, s8;
	[sflag:s0] =	ssyncadd.s32 $0xFFFFF800  }
0xc0: {  	[spmem:s2] =	stream.indirect.scatter.add.f32 [tilespmem:s31], [sflag:$0x1], $0x10, s6, s30, $0xb8;
	[tilespmem:$0xA000] =	vst v63  }
0xc1: {  	_ =	swait.ge [sflag:s3], $0x800  }
0xc2: {  	[sflag:s3] =	ssyncset.done $0x0  }
0xc3: {  	s6 =	sadd.s32 $0x280, s8;
	[sflag:s3] =	ssyncadd.s32 $0xFFFFF800  }
0xc4: {  	[spmem:s2] =	stream.indirect.scatter.add.f32 [tilespmem:s31], [sflag:$0x2], $0x10, s6, s30, $0xb8;
	[tilespmem:$0xA000] =	vst v63  }
0xc5: {  	_ =	swait.ge [sflag:s0], $0x800  }
0xc6: {  	[sflag:s0] =	ssyncset.done $0x0  }
0xc7: {  	s6 =	sadd.s32 $0x300, s8;
	[sflag:s0] =	ssyncadd.s32 $0xFFFFF800  }
0xc8: {  	[spmem:s2] =	stream.indirect.scatter.add.f32 [tilespmem:s31], [sflag:$0x1], $0x10, s6, s30, $0xb8;
	[tilespmem:$0xA000] =	vst v63  }
0xc9: {  	_ =	swait.ge [sflag:s3], $0x800  }
0xca: {  	[sflag:s3] =	ssyncset.done $0x0  }
0xcb: {  	s6 =	sadd.s32 $0x380, s8;
	[sflag:s3] =	ssyncadd.s32 $0xFFFFF800  }
0xcc: {  	[spmem:s2] =	stream.indirect.scatter.add.f32 [tilespmem:s31], [sflag:$0x2], $0x10, s6, s30, $0xb8;
	[tilespmem:$0xA000] =	vst v63  }
.Ltmp1:
0xcd: {  	_ =	swait.ge [sflag:s0], $0x800;
	(pc) =	sbr.rel @p0 .LBB2_4-.Ltmp1, $4  }
0xce: {  	[sflag:s0] =	ssyncset.done $0x0  }
0xcf: {  	[sflag:s0] =	ssyncadd.s32 $0xFFFFF800  }
0xd0: {  	_ =	swait.ge [sflag:s3], $0x800  }
0xd1: {  	s6 =	smov.u32 s7;
	[sflag:s3] =	ssyncset.done $0x0  }
0xd2: {  	s4 =	sshra.s32 s4, $0x2;
	[sflag:s3] =	ssyncadd.s32 $0xFFFFF800  }
0xd3: {  	[spmem:s2] =	stream.indirect.scatter.add.f32 [tilespmem:s31], [sflag:$0x1], $0x10, s4, s30, $0xb8;
	[tilespmem:$0xA000] =	vst v63  }
0xd4: {  	s6 =	sadd.s32 $0x80, s4  }
0xd5: {  	[spmem:s2] =	stream.indirect.scatter.add.f32 [tilespmem:s31], [sflag:$0x2], $0x10, s6, s30, $0xb8;
	[tilespmem:$0xA000] =	vst v63  }
0xd6: {  	_ =	swait.ge [sflag:s0], $0x800  }
0xd7: {  	[sflag:s0] =	ssyncset.done $0x0  }
0xd8: {  	s8 =	sadd.s32 $0x100, s4;
	[sflag:s0] =	ssyncadd.s32 $0xFFFFF800  }
0xd9: {  	[spmem:s2] =	stream.indirect.scatter.add.f32 [tilespmem:s31], [sflag:$0x1], $0x10, s8, s30, $0xb8;
	[tilespmem:$0xA000] =	vst v63  }
0xda: {  	_ =	swait.ge [sflag:s3], $0x800  }
0xdb: {  	[sflag:s3] =	ssyncset.done $0x0  }
0xdc: {  	s7 =	sadd.s32 $0x180, s4;
	[sflag:s3] =	ssyncadd.s32 $0xFFFFF800  }
0xdd: {  	[spmem:s2] =	stream.indirect.scatter.add.f32 [tilespmem:s31], [sflag:$0x2], $0x10, s7, s30, $0xb8;
	[tilespmem:$0xA000] =	vst v63  }
0xde: {  	_ =	swait.ge [sflag:s0], $0x800  }
0xdf: {  	[sflag:s0] =	ssyncset.done $0x0  }
0xe0: {  	s8 =	sadd.s32 $0x200, s4;
	[sflag:s0] =	ssyncadd.s32 $0xFFFFF800  }
0xe1: {  	[spmem:s2] =	stream.indirect.scatter.add.f32 [tilespmem:s31], [sflag:$0x1], $0x10, s8, s30, $0xb8;
	[tilespmem:$0xA000] =	vst v63  }
0xe2: {  	_ =	swait.ge [sflag:s3], $0x800  }
0xe3: {  	[sflag:s3] =	ssyncset.done $0x0  }
0xe4: {  	s7 =	sadd.s32 $0x280, s4;
	[sflag:s3] =	ssyncadd.s32 $0xFFFFF800  }
0xe5: {  	[spmem:s2] =	stream.indirect.scatter.add.f32 [tilespmem:s31], [sflag:$0x2], $0x10, s7, s30, $0xb8;
	[tilespmem:$0xA000] =	vst v63  }
0xe6: {  	_ =	swait.ge [sflag:s0], $0x800  }
0xe7: {  	[sflag:s0] =	ssyncset.done $0x0  }
0xe8: {  	s8 =	sadd.s32 $0x300, s4;
	[sflag:s0] =	ssyncadd.s32 $0xFFFFF800  }
0xe9: {  	[spmem:s2] =	stream.indirect.scatter.add.f32 [tilespmem:s31], [sflag:$0x1], $0x10, s8, s30, $0xb8;
	[tilespmem:$0xA000] =	vst v63  }
0xea: {  	_ =	swait.ge [sflag:s3], $0x800  }
0xeb: {  	[sflag:s3] =	ssyncset.done $0x0  }
0xec: {  	s4 =	sadd.s32 $0x380, s4;
	[sflag:s3] =	ssyncadd.s32 $0xFFFFF800  }
0xed: {  	[spmem:s2] =	stream.indirect.scatter.add.f32 [tilespmem:s31], [sflag:$0x2], $0x10, s4, s30, $0xb8;
	[tilespmem:$0xA000] =	vst v63  }
0xee: {  	_ =	swait.ge [sflag:s0], $0x800  }
0xef: {  	[sflag:s0] =	ssyncset.done $0x0  }
0xf0: {  	[sflag:s0] =	ssyncadd.s32 $0xFFFFF800  }
0xf1: {  	_ =	swait.ge [sflag:s3], $0x800  }
0xf2: {  	[sflag:s3] =	ssyncset.done $0x0  }
0xf3: {  	s7 =	stileid.u32;
	[sflag:s3] =	ssyncadd.s32 $0xFFFFF800  }
0xf4: {  	s4 =	sshll.u32 s7, $0x6;
	[bflag:$0x0] =	sbarrier.arrive $0xFFFF  }
0xf5: {  	s8 =	sshrl.u32 s5, $0x3;
	s4 =	sor.u32 $0x1C03, s4;
	s7 =	rddreg [dreg:$0x4]  }
0xf6: {  	[hbm:s7], [sflag:s4] =	dma.local [spmem:s8], $0x2800  }
0xf7: {  	_ =	swait.ge [sflag:s28], $0x2800  }
0xf8: {  	s1 =	sadd.s32 $0x1, s1;
	s8 =	rddreg [dreg:$0x5]  }
0xf9: {  	p0 =	sne.s32 s1, s8  }
.Ltmp2:
0xfa: {  	_ = 	snop;
	(pc) =	sbr.rel @p0 .LBB2_1-.Ltmp2, $3  }
0xfb: {  	_ =	sdelay $0x1  }
0xfc: {  	[sflag:s28] =	ssyncset.done $0x0  }
0xfd: {  	[sflag:s28] =	ssyncadd.s32 $0xFFFFD800  }
0xfe: {  	_ =	sfence.sel $0x180000  }
0xff: {  	[bflag:$0x0] =	sbarrier.arrive $0xFFFF  }
0x100: {  	_ =	strace $0x90000047  }
0x101: {  	s0 =	stileid.u32;
	[bflag:$0x2] =	sbarrier.arrive $0xFFFF  }
0x102: {  	p0 =	sne.s32 s0, $0x0;
	s0 =	rddreg [dreg:$0x2]  }
0x103: {  	s0 =	sadd.s32 @!p0 $0x100000, s0  }
0x104: {  	[sflag:s0] =	ssyncadd.tile.s32 @!p0 $0x1;
	_ =	shalt  }
.Lfunc_end2:
_tile_overlayer_lowered:
.L_overlay_start_2:
0x105: {  	(tag) =	ssettag $0x2  }
0x106: {  	s0 =	rddreg [dreg:$0x0];
	s2 =	stileid.u32  }
0x107: {  	s1 =	rddreg [dreg:$0x1];
	p0 =	sne.s32 s2, $0x0  }
0x108: {  	s3 =	rddreg [dreg:$0x2];
	[bflag:$0x3] =	sbarrier.arrive $0xFFFF;
	s2 =	simm.s32 @!p0 $0x1C03  }
0x109: {  	[timem:s3], [sflag:s2] =	dma.local @!p0 [hbm:s0], s1  }
0x10a: {  	s0 =	simm.s32 @!p0 $0x3  }
0x10b: {  	_ =	swait.ge @!p0 [sflag:s0], s1  }
0x10c: {  	s1 =	ssub.s32 @!p0 $0x0, s1;
	[sflag:s0] =	ssyncset.done @!p0 $0x0  }
0x10d: {  	[sflag:s0] =	ssyncadd.s32 @!p0 s1  }
0x10e: {  	[bflag:$0x3] =	sbarrier.arrive $0xFFFF  }
0x10f: {  	_ =	shalt  }

</sc_bundles>
